<compile_context>
chip_gen: v7x
topology: tpu7x:2x2x1
jax: 0.10.2.dev20260603
libtpu: 0.0.44.dev20260713+nightly
codegen_flags: <defaults>
</compile_context>

<pallas_src>
import functools

import jax
import jax.numpy as jnp
from jax import lax
from jax.experimental import pallas as pl
from jax.experimental.pallas import tpu as pltpu
from jax.experimental.pallas import tpu_sc as plsc

B = 16384
D = 16
N_ROWS = 1000000
NC = 2
NS = 16
L = 16
NW = NC * NS
BPW = B // NW
CH = 8
NP = BPW // (2 * CH)

_mesh = plsc.VectorSubcoreMesh(
    core_axis_name="c", subcore_axis_name="s", num_cores=NC, num_subcores=NS
)


@functools.partial(
    pl.kernel,
    out_type=jax.ShapeDtypeStruct((B,), jnp.float32),
    mesh=_mesh,
    scratch_types=[
        pltpu.VMEM((BPW + L,), jnp.int32),
        pltpu.VMEM((BPW + L,), jnp.int32),
        pltpu.VMEM((2, CH, 16, 128), jnp.float32),
        pltpu.VMEM((2, CH, 16, 128), jnp.float32),
        pltpu.VMEM((BPW,), jnp.float32),
        pltpu.SemaphoreType.DMA,
        pltpu.SemaphoreType.DMA,
        pltpu.SemaphoreType.DMA,
        pltpu.SemaphoreType.DMA,
    ],
    compiler_params=pltpu.CompilerParams(needs_layout_passes=False),
)
def _mf(v_hbm, j_hbm, hut_hbm, hit_hbm, out_hbm,
        vidx, jidx, tu, ti, out_v,
        sem_u0, sem_u1, sem_i0, sem_i1):
    wid = lax.axis_index("s") * NC + lax.axis_index("c")
    base = wid * BPW
    sems_u = (sem_u0, sem_u1)
    sems_i = (sem_i0, sem_i1)

    pltpu.sync_copy(v_hbm.at[pl.ds(base, BPW)], vidx.at[pl.ds(0, BPW)])
    pltpu.sync_copy(j_hbm.at[pl.ds(base, BPW)], jidx.at[pl.ds(0, BPW)])

    lane = lax.iota(jnp.int32, L)
    cids = lane & (CH - 1)

    def fire(ci, buf):
        rv = lax.shift_right_logical(vidx[pl.ds(ci * CH, L)], 7)
        rj = lax.shift_right_logical(jidx[pl.ds(ci * CH, L)], 7)
        for c in range(CH):
            cv = pl.multiple_of(rv[c] * 128, 128)
            cj = pl.multiple_of(rj[c] * 128, 128)
            pltpu.async_copy(
                hut_hbm.at[pl.ds(0, 16), pl.ds(cv, 128)],
                tu.at[buf, c], sems_u[buf])
            pltpu.async_copy(
                hit_hbm.at[pl.ds(0, 16), pl.ds(cj, 128)],
                ti.at[buf, c], sems_i[buf])

    def drain(buf):
        dummy = hut_hbm.at[pl.ds(0, 16), pl.ds(0, 128)]
        for c in range(CH):
            pltpu.make_async_copy(dummy, tu.at[buf, c], sems_u[buf]).wait()
            pltpu.make_async_copy(dummy, ti.at[buf, c], sems_i[buf]).wait()

    def compute8(ci, buf):
        lv = plsc.load_gather(vidx, [ci * CH + cids]) & 127
        lj = plsc.load_gather(jidx, [ci * CH + cids]) & 127
        acc = jnp.zeros((L,), jnp.float32)
        for d in range(D):
            dv = jnp.full((L,), d, jnp.int32)
            hu = plsc.load_gather(tu.at[buf], [cids, dv, lv])
            hi = plsc.load_gather(ti.at[buf], [cids, dv, lj])
            acc = acc + hu * hi
        return acc

    fire(0, 0)

    def pair_body(p, carry):
        fire(2 * p + 1, 1)
        drain(0)
        acc_a = compute8(2 * p, 0)

        @pl.when(p + 1 < NP)
        def _():
            fire(2 * p + 2, 0)

        drain(1)
        acc_b = compute8(2 * p + 1, 1)
        out_v[pl.ds(p * L, L)] = jnp.where(lane < CH, acc_a, acc_b)
        return carry

    lax.fori_loop(0, NP, pair_body, 0)

    pltpu.sync_copy(out_v, out_hbm.at[pl.ds(base, BPW)])


def kernel(u, i, r, v, j, h_u, h_i):
    del u, i, r
    return _mf(v.astype(jnp.int32), j.astype(jnp.int32), h_u.T, h_i.T)

# --- scband reference (transcript-rebuilt; emitter-appended) ---
"""Pipeline reference for scband-mf-6897717477437 (READ-ONLY COPY).

The authoritative reference and input builder live on the scoring server;
editing this copy changes nothing except your own understanding.
"""

import jax, jax.numpy as jnp
import numpy as np

B = 16384
N_USERS = 1000000
N_ITEMS = 1000000
D = 16


def setup_inputs(seed: int = 0) -> dict:
    key = jax.random.key(seed)
    ks = jax.random.split(key, 7)
    return {
        "u": jax.random.randint(ks[0], (B,), 0, N_USERS, dtype=jnp.int64) if jax.config.jax_enable_x64 else jax.random.randint(ks[0], (B,), 0, N_USERS),
        "i": jax.random.randint(ks[1], (B,), 0, N_ITEMS),
        "r": jax.random.normal(ks[2], (B,), dtype=jnp.float32),
        "v": jax.random.randint(ks[3], (B,), 0, N_USERS),
        "j": jax.random.randint(ks[4], (B,), 0, N_ITEMS),
        "h_u": 0.001 * jax.random.normal(ks[5], (N_USERS, D), dtype=jnp.float32),
        "h_i": 0.001 * jax.random.normal(ks[6], (N_ITEMS, D), dtype=jnp.float32),
    }


def reference(u, i, r, v, j, h_u, h_i):
    # MF.forward ignores u, i, r and decodes on (v, j) with s=None:
    # torch.cat([torch.sum(h_u[v] * h_i[j], 1)])
    hu = jnp.take(h_u, v, axis=0)
    hi = jnp.take(h_i, j, axis=0)
    return jnp.sum(hu * hi, axis=1)

if __name__ == "__main__":
    import jax
    _d = setup_inputs()
    print(jax.jit(kernel)(*tuple(_d.values())))

</pallas_src>

<mosaic_0001>
#map = affine_map<(d0, d1) -> (0)>
#map1 = affine_map<(d0, d1) -> (0, 0)>
module attributes {stable_mosaic.version = 14 : i64} {
  func.func @_mf(%arg0: i32, %arg1: i32, %arg2: memref<16384xi32, #tpu.memory_space<hbm>>, %arg3: memref<16384xi32, #tpu.memory_space<hbm>>, %arg4: memref<16x1000000xf32, #tpu.memory_space<hbm>>, %arg5: memref<16x1000000xf32, #tpu.memory_space<hbm>>, %arg6: memref<16384xf32, #tpu.memory_space<hbm>>, %arg7: memref<528xi32, #tpu.memory_space<vmem>>, %arg8: memref<528xi32, #tpu.memory_space<vmem>>, %arg9: memref<2x8x16x128xf32, #tpu.memory_space<vmem>>, %arg10: memref<2x8x16x128xf32, #tpu.memory_space<vmem>>, %arg11: memref<512xf32, #tpu.memory_space<vmem>>, %arg12: memref<!tpu.dma_semaphore, #tpu.memory_space<semaphore_mem>>, %arg13: memref<!tpu.dma_semaphore, #tpu.memory_space<semaphore_mem>>, %arg14: memref<!tpu.dma_semaphore, #tpu.memory_space<semaphore_mem>>, %arg15: memref<!tpu.dma_semaphore, #tpu.memory_space<semaphore_mem>>) attributes {dimension_semantics = [#tpu.dimension_semantics<core_parallel>, #tpu.dimension_semantics<subcore_parallel>], iteration_bounds = array<i64: 2, 16>, scalar_prefetch = 0 : i64, scratch_operands = 9 : i64, tpu.core_type = #tpu.core_type<sc_vector_subcore>, window_params = [{transform_indices = #map}, {transform_indices = #map}, {transform_indices = #map1}, {transform_indices = #map1}, {transform_indices = #map}]} {
    %mul3A = arith.constant 2 : i32
    %mul3A_0 = arith.muli %arg1, %mul3A : i32
    %add3A = arith.addi %mul3A_0, %arg0 : i32
    %mul3A_1 = arith.constant 512 : i32
    %mul3A_2 = arith.muli %add3A, %mul3A_1 : i32
    "tpu.region"() ({
      %run_scoped3A = tpu.sem_alloc : memref<!tpu.dma_semaphore, #tpu.memory_space<semaphore_mem>>
      %dma_start3A_318 = arith.constant 0 : i32
      %dma_start3A_319 = tpu.memref_slice %arg7[%dma_start3A_318] : memref<528xi32, #tpu.memory_space<vmem>> -> memref<512xi32, #tpu.memory_space<vmem>>
      %dma_start3A_320 = tpu.memref_slice %arg2[%mul3A_2] : memref<16384xi32, #tpu.memory_space<hbm>> -> memref<512xi32, #tpu.memory_space<hbm>>
      %dma_start3A_321 = arith.constant 0 : i32
      %dma_start3A_322 = tpu.memref_slice %arg7[%dma_start3A_321] : memref<528xi32, #tpu.memory_space<vmem>> -> memref<512xi32, #tpu.memory_space<vmem>>
      %dma_start3A_323 = tpu.memref_slice %arg2[%mul3A_2] : memref<16384xi32, #tpu.memory_space<hbm>> -> memref<512xi32, #tpu.memory_space<hbm>>
      tpu.enqueue_dma source(%dma_start3A_323 : memref<512xi32, #tpu.memory_space<hbm>>) target(%dma_start3A_322 : memref<512xi32, #tpu.memory_space<vmem>>) target_semaphore(%run_scoped3A : memref<!tpu.dma_semaphore, #tpu.memory_space<semaphore_mem>>)
      %dma_wait3A = arith.constant 0 : i32
      %dma_wait3A_324 = tpu.memref_slice %arg7[%dma_wait3A] : memref<528xi32, #tpu.memory_space<vmem>> -> memref<512xi32, #tpu.memory_space<vmem>>
      %dma_wait3A_325 = tpu.memref_slice %arg2[%mul3A_2] : memref<16384xi32, #tpu.memory_space<hbm>> -> memref<512xi32, #tpu.memory_space<hbm>>
      %dma_wait3A_326 = arith.constant 0 : i32
      %dma_wait3A_327 = tpu.memref_slice %arg7[%dma_wait3A_326] : memref<528xi32, #tpu.memory_space<vmem>> -> memref<512xi32, #tpu.memory_space<vmem>>
      %dma_wait3A_328 = tpu.memref_slice %arg2[%mul3A_2] : memref<16384xi32, #tpu.memory_space<hbm>> -> memref<512xi32, #tpu.memory_space<hbm>>
      tpu.wait_dma2 semaphore(%run_scoped3A : memref<!tpu.dma_semaphore, #tpu.memory_space<semaphore_mem>>) src(%dma_wait3A_328 : memref<512xi32, #tpu.memory_space<hbm>>) dst(%dma_wait3A_327 : memref<512xi32, #tpu.memory_space<vmem>>)
      tpu.yield
    }) : () -> ()
    "tpu.region"() ({
      %run_scoped3A = tpu.sem_alloc : memref<!tpu.dma_semaphore, #tpu.memory_space<semaphore_mem>>
      %dma_start3A_318 = arith.constant 0 : i32
      %dma_start3A_319 = tpu.memref_slice %arg8[%dma_start3A_318] : memref<528xi32, #tpu.memory_space<vmem>> -> memref<512xi32, #tpu.memory_space<vmem>>
      %dma_start3A_320 = tpu.memref_slice %arg3[%mul3A_2] : memref<16384xi32, #tpu.memory_space<hbm>> -> memref<512xi32, #tpu.memory_space<hbm>>
      %dma_start3A_321 = arith.constant 0 : i32
      %dma_start3A_322 = tpu.memref_slice %arg8[%dma_start3A_321] : memref<528xi32, #tpu.memory_space<vmem>> -> memref<512xi32, #tpu.memory_space<vmem>>
      %dma_start3A_323 = tpu.memref_slice %arg3[%mul3A_2] : memref<16384xi32, #tpu.memory_space<hbm>> -> memref<512xi32, #tpu.memory_space<hbm>>
      tpu.enqueue_dma source(%dma_start3A_323 : memref<512xi32, #tpu.memory_space<hbm>>) target(%dma_start3A_322 : memref<512xi32, #tpu.memory_space<vmem>>) target_semaphore(%run_scoped3A : memref<!tpu.dma_semaphore, #tpu.memory_space<semaphore_mem>>)
      %dma_wait3A = arith.constant 0 : i32
      %dma_wait3A_324 = tpu.memref_slice %arg8[%dma_wait3A] : memref<528xi32, #tpu.memory_space<vmem>> -> memref<512xi32, #tpu.memory_space<vmem>>
      %dma_wait3A_325 = tpu.memref_slice %arg3[%mul3A_2] : memref<16384xi32, #tpu.memory_space<hbm>> -> memref<512xi32, #tpu.memory_space<hbm>>
      %dma_wait3A_326 = arith.constant 0 : i32
      %dma_wait3A_327 = tpu.memref_slice %arg8[%dma_wait3A_326] : memref<528xi32, #tpu.memory_space<vmem>> -> memref<512xi32, #tpu.memory_space<vmem>>
      %dma_wait3A_328 = tpu.memref_slice %arg3[%mul3A_2] : memref<16384xi32, #tpu.memory_space<hbm>> -> memref<512xi32, #tpu.memory_space<hbm>>
      tpu.wait_dma2 semaphore(%run_scoped3A : memref<!tpu.dma_semaphore, #tpu.memory_space<semaphore_mem>>) src(%dma_wait3A_328 : memref<512xi32, #tpu.memory_space<hbm>>) dst(%dma_wait3A_327 : memref<512xi32, #tpu.memory_space<vmem>>)
      tpu.yield
    }) : () -> ()
    %iota3A = tpu.iota {dimensions = array<i32: 0>} : vector<16xi32>
    %and3A = arith.constant 7 : i32
    %and3A_3 = vector.broadcast %and3A : i32 to vector<16xi32>
    %and3A_4 = arith.andi %iota3A, %and3A_3 : vector<16xi32>
    %get3A = arith.constant 0 : index
    %get3A_5 = tpu.vector_load %arg7[%get3A] {strides = array<i32>} : memref<528xi32, #tpu.memory_space<vmem>>, vector<16xi32>,
    %shift_right_logical3A = arith.constant 7 : i32
    %shift_right_logical3A_6 = vector.broadcast %shift_right_logical3A : i32 to vector<16xi32>
    %shift_right_logical3A_7 = arith.shrui %get3A_5, %shift_right_logical3A_6 : vector<16xi32>
    %get3A_8 = arith.constant 0 : index
    %get3A_9 = tpu.vector_load %arg8[%get3A_8] {strides = array<i32>} : memref<528xi32, #tpu.memory_space<vmem>>, vector<16xi32>,
    %shift_right_logical3A_10 = arith.constant 7 : i32
    %shift_right_logical3A_11 = vector.broadcast %shift_right_logical3A_10 : i32 to vector<16xi32>
    %shift_right_logical3A_12 = arith.shrui %get3A_9, %shift_right_logical3A_11 : vector<16xi32>
    %slice3A = vector.extract_strided_slice %shift_right_logical3A_7 {offsets = [0], sizes = [1], strides = [1]} : vector<16xi32> to vector<1xi32>
    %squeeze3A = vector.extract %slice3A[0] : i32 from vector<1xi32>
    %mul3A_13 = arith.constant 128 : i32
    %mul3A_14 = arith.muli %squeeze3A, %mul3A_13 : i32
    %multiple_of3A = tpu.assume_multiple %mul3A_14, 128 : i32
    %slice3A_15 = vector.extract_strided_slice %shift_right_logical3A_12 {offsets = [0], sizes = [1], strides = [1]} : vector<16xi32> to vector<1xi32>
    %squeeze3A_16 = vector.extract %slice3A_15[0] : i32 from vector<1xi32>
    %mul3A_17 = arith.constant 128 : i32
    %mul3A_18 = arith.muli %squeeze3A_16, %mul3A_17 : i32
    %multiple_of3A_19 = tpu.assume_multiple %mul3A_18, 128 : i32
    %dma_start3A = arith.constant 0 : i32
    %dma_start3A_20 = arith.constant 0 : i32
    %dma_start3A_21 = arith.constant 0 : i32
    %dma_start3A_22 = arith.constant 0 : i32
    %dma_start3A_23 = tpu.memref_slice %arg9[%dma_start3A, %dma_start3A_20, %dma_start3A_21, %dma_start3A_22] : memref<2x8x16x128xf32, #tpu.memory_space<vmem>> -> memref<1x1x16x128xf32, #tpu.memory_space<vmem>>
    %dma_start3A_24 = tpu.memref_squeeze %dma_start3A_23 : memref<1x1x16x128xf32, #tpu.memory_space<vmem>> -> memref<16x128xf32, #tpu.memory_space<vmem>>
    %dma_start3A_25 = arith.constant 0 : i32
    %dma_start3A_26 = tpu.memref_slice %arg4[%dma_start3A_25, %multiple_of3A] : memref<16x1000000xf32, #tpu.memory_space<hbm>> -> memref<16x128xf32, #tpu.memory_space<hbm>>
    %dma_start3A_27 = arith.constant 0 : i32
    %dma_start3A_28 = arith.constant 0 : i32
    %dma_start3A_29 = tpu.memref_slice %arg9[%dma_start3A, %dma_start3A_20, %dma_start3A_27, %dma_start3A_28] : memref<2x8x16x128xf32, #tpu.memory_space<vmem>> -> memref<1x1x16x128xf32, #tpu.memory_space<vmem>>
    %dma_start3A_30 = tpu.memref_squeeze %dma_start3A_29 : memref<1x1x16x128xf32, #tpu.memory_space<vmem>> -> memref<16x128xf32, #tpu.memory_space<vmem>>
    %dma_start3A_31 = arith.constant 0 : i32
    %dma_start3A_32 = tpu.memref_slice %arg4[%dma_start3A_31, %multiple_of3A] : memref<16x1000000xf32, #tpu.memory_space<hbm>> -> memref<16x128xf32, #tpu.memory_space<hbm>>
    tpu.enqueue_dma source(%dma_start3A_32 : memref<16x128xf32, #tpu.memory_space<hbm>>) target(%dma_start3A_30 : memref<16x128xf32, #tpu.memory_space<vmem>>) target_semaphore(%arg12 : memref<!tpu.dma_semaphore, #tpu.memory_space<semaphore_mem>>)
    %dma_start3A_33 = arith.constant 0 : i32
    %dma_start3A_34 = arith.constant 0 : i32
    %dma_start3A_35 = arith.constant 0 : i32
    %dma_start3A_36 = arith.constant 0 : i32
    %dma_start3A_37 = tpu.memref_slice %arg10[%dma_start3A_33, %dma_start3A_34, %dma_start3A_35, %dma_start3A_36] : memref<2x8x16x128xf32, #tpu.memory_space<vmem>> -> memref<1x1x16x128xf32, #tpu.memory_space<vmem>>
    %dma_start3A_38 = tpu.memref_squeeze %dma_start3A_37 : memref<1x1x16x128xf32, #tpu.memory_space<vmem>> -> memref<16x128xf32, #tpu.memory_space<vmem>>
    %dma_start3A_39 = arith.constant 0 : i32
    %dma_start3A_40 = tpu.memref_slice %arg5[%dma_start3A_39, %multiple_of3A_19] : memref<16x1000000xf32, #tpu.memory_space<hbm>> -> memref<16x128xf32, #tpu.memory_space<hbm>>
    %dma_start3A_41 = arith.constant 0 : i32
    %dma_start3A_42 = arith.constant 0 : i32
    %dma_start3A_43 = tpu.memref_slice %arg10[%dma_start3A_33, %dma_start3A_34, %dma_start3A_41, %dma_start3A_42] : memref<2x8x16x128xf32, #tpu.memory_space<vmem>> -> memref<1x1x16x128xf32, #tpu.memory_space<vmem>>
    %dma_start3A_44 = tpu.memref_squeeze %dma_start3A_43 : memref<1x1x16x128xf32, #tpu.memory_space<vmem>> -> memref<16x128xf32, #tpu.memory_space<vmem>>
    %dma_start3A_45 = arith.constant 0 : i32
    %dma_start3A_46 = tpu.memref_slice %arg5[%dma_start3A_45, %multiple_of3A_19] : memref<16x1000000xf32, #tpu.memory_space<hbm>> -> memref<16x128xf32, #tpu.memory_space<hbm>>
    tpu.enqueue_dma source(%dma_start3A_46 : memref<16x128xf32, #tpu.memory_space<hbm>>) target(%dma_start3A_44 : memref<16x128xf32, #tpu.memory_space<vmem>>) target_semaphore(%arg14 : memref<!tpu.dma_semaphore, #tpu.memory_space<semaphore_mem>>)
    %slice3A_47 = vector.extract_strided_slice %shift_right_logical3A_7 {offsets = [1], sizes = [1], strides = [1]} : vector<16xi32> to vector<1xi32>
    %squeeze3A_48 = vector.extract %slice3A_47[0] : i32 from vector<1xi32>
    %mul3A_49 = arith.constant 128 : i32
    %mul3A_50 = arith.muli %squeeze3A_48, %mul3A_49 : i32
    %multiple_of3A_51 = tpu.assume_multiple %mul3A_50, 128 : i32
    %slice3A_52 = vector.extract_strided_slice %shift_right_logical3A_12 {offsets = [1], sizes = [1], strides = [1]} : vector<16xi32> to vector<1xi32>
    %squeeze3A_53 = vector.extract %slice3A_52[0] : i32 from vector<1xi32>
    %mul3A_54 = arith.constant 128 : i32
    %mul3A_55 = arith.muli %squeeze3A_53, %mul3A_54 : i32
    %multiple_of3A_56 = tpu.assume_multiple %mul3A_55, 128 : i32
    %dma_start3A_57 = arith.constant 0 : i32
    %dma_start3A_58 = arith.constant 1 : i32
    %dma_start3A_59 = arith.constant 0 : i32
    %dma_start3A_60 = arith.constant 0 : i32
    %dma_start3A_61 = tpu.memref_slice %arg9[%dma_start3A_57, %dma_start3A_58, %dma_start3A_59, %dma_start3A_60] : memref<2x8x16x128xf32, #tpu.memory_space<vmem>> -> memref<1x1x16x128xf32, #tpu.memory_space<vmem>>
    %dma_start3A_62 = tpu.memref_squeeze %dma_start3A_61 : memref<1x1x16x128xf32, #tpu.memory_space<vmem>> -> memref<16x128xf32, #tpu.memory_space<vmem>>
    %dma_start3A_63 = arith.constant 0 : i32
    %dma_start3A_64 = tpu.memref_slice %arg4[%dma_start3A_63, %multiple_of3A_51] : memref<16x1000000xf32, #tpu.memory_space<hbm>> -> memref<16x128xf32, #tpu.memory_space<hbm>>
    %dma_start3A_65 = arith.constant 0 : i32
    %dma_start3A_66 = arith.constant 0 : i32
    %dma_start3A_67 = tpu.memref_slice %arg9[%dma_start3A_57, %dma_start3A_58, %dma_start3A_65, %dma_start3A_66] : memref<2x8x16x128xf32, #tpu.memory_space<vmem>> -> memref<1x1x16x128xf32, #tpu.memory_space<vmem>>
    %dma_start3A_68 = tpu.memref_squeeze %dma_start3A_67 : memref<1x1x16x128xf32, #tpu.memory_space<vmem>> -> memref<16x128xf32, #tpu.memory_space<vmem>>
    %dma_start3A_69 = arith.constant 0 : i32
    %dma_start3A_70 = tpu.memref_slice %arg4[%dma_start3A_69, %multiple_of3A_51] : memref<16x1000000xf32, #tpu.memory_space<hbm>> -> memref<16x128xf32, #tpu.memory_space<hbm>>
    tpu.enqueue_dma source(%dma_start3A_70 : memref<16x128xf32, #tpu.memory_space<hbm>>) target(%dma_start3A_68 : memref<16x128xf32, #tpu.memory_space<vmem>>) target_semaphore(%arg12 : memref<!tpu.dma_semaphore, #tpu.memory_space<semaphore_mem>>)
    %dma_start3A_71 = arith.constant 0 : i32
    %dma_start3A_72 = arith.constant 1 : i32
    %dma_start3A_73 = arith.constant 0 : i32
    %dma_start3A_74 = arith.constant 0 : i32
    %dma_start3A_75 = tpu.memref_slice %arg10[%dma_start3A_71, %dma_start3A_72, %dma_start3A_73, %dma_start3A_74] : memref<2x8x16x128xf32, #tpu.memory_space<vmem>> -> memref<1x1x16x128xf32, #tpu.memory_space<vmem>>
    %dma_start3A_76 = tpu.memref_squeeze %dma_start3A_75 : memref<1x1x16x128xf32, #tpu.memory_space<vmem>> -> memref<16x128xf32, #tpu.memory_space<vmem>>
    %dma_start3A_77 = arith.constant 0 : i32
    %dma_start3A_78 = tpu.memref_slice %arg5[%dma_start3A_77, %multiple_of3A_56] : memref<16x1000000xf32, #tpu.memory_space<hbm>> -> memref<16x128xf32, #tpu.memory_space<hbm>>
    %dma_start3A_79 = arith.constant 0 : i32
    %dma_start3A_80 = arith.constant 0 : i32
    %dma_start3A_81 = tpu.memref_slice %arg10[%dma_start3A_71, %dma_start3A_72, %dma_start3A_79, %dma_start3A_80] : memref<2x8x16x128xf32, #tpu.memory_space<vmem>> -> memref<1x1x16x128xf32, #tpu.memory_space<vmem>>
    %dma_start3A_82 = tpu.memref_squeeze %dma_start3A_81 : memref<1x1x16x128xf32, #tpu.memory_space<vmem>> -> memref<16x128xf32, #tpu.memory_space<vmem>>
    %dma_start3A_83 = arith.constant 0 : i32
    %dma_start3A_84 = tpu.memref_slice %arg5[%dma_start3A_83, %multiple_of3A_56] : memref<16x1000000xf32, #tpu.memory_space<hbm>> -> memref<16x128xf32, #tpu.memory_space<hbm>>
    tpu.enqueue_dma source(%dma_start3A_84 : memref<16x128xf32, #tpu.memory_space<hbm>>) target(%dma_start3A_82 : memref<16x128xf32, #tpu.memory_space<vmem>>) target_semaphore(%arg14 : memref<!tpu.dma_semaphore, #tpu.memory_space<semaphore_mem>>)
    %slice3A_85 = vector.extract_strided_slice %shift_right_logical3A_7 {offsets = [2], sizes = [1], strides = [1]} : vector<16xi32> to vector<1xi32>
    %squeeze3A_86 = vector.extract %slice3A_85[0] : i32 from vector<1xi32>
    %mul3A_87 = arith.constant 128 : i32
    %mul3A_88 = arith.muli %squeeze3A_86, %mul3A_87 : i32
    %multiple_of3A_89 = tpu.assume_multiple %mul3A_88, 128 : i32
    %slice3A_90 = vector.extract_strided_slice %shift_right_logical3A_12 {offsets = [2], sizes = [1], strides = [1]} : vector<16xi32> to vector<1xi32>
    %squeeze3A_91 = vector.extract %slice3A_90[0] : i32 from vector<1xi32>
    %mul3A_92 = arith.constant 128 : i32
    %mul3A_93 = arith.muli %squeeze3A_91, %mul3A_92 : i32
    %multiple_of3A_94 = tpu.assume_multiple %mul3A_93, 128 : i32
    %dma_start3A_95 = arith.constant 0 : i32
    %dma_start3A_96 = arith.constant 2 : i32
    %dma_start3A_97 = arith.constant 0 : i32
    %dma_start3A_98 = arith.constant 0 : i32
    %dma_start3A_99 = tpu.memref_slice %arg9[%dma_start3A_95, %dma_start3A_96, %dma_start3A_97, %dma_start3A_98] : memref<2x8x16x128xf32, #tpu.memory_space<vmem>> -> memref<1x1x16x128xf32, #tpu.memory_space<vmem>>
    %dma_start3A_100 = tpu.memref_squeeze %dma_start3A_99 : memref<1x1x16x128xf32, #tpu.memory_space<vmem>> -> memref<16x128xf32, #tpu.memory_space<vmem>>
    %dma_start3A_101 = arith.constant 0 : i32
    %dma_start3A_102 = tpu.memref_slice %arg4[%dma_start3A_101, %multiple_of3A_89] : memref<16x1000000xf32, #tpu.memory_space<hbm>> -> memref<16x128xf32, #tpu.memory_space<hbm>>
    %dma_start3A_103 = arith.constant 0 : i32
    %dma_start3A_104 = arith.constant 0 : i32
    %dma_start3A_105 = tpu.memref_slice %arg9[%dma_start3A_95, %dma_start3A_96, %dma_start3A_103, %dma_start3A_104] : memref<2x8x16x128xf32, #tpu.memory_space<vmem>> -> memref<1x1x16x128xf32, #tpu.memory_space<vmem>>
    %dma_start3A_106 = tpu.memref_squeeze %dma_start3A_105 : memref<1x1x16x128xf32, #tpu.memory_space<vmem>> -> memref<16x128xf32, #tpu.memory_space<vmem>>
    %dma_start3A_107 = arith.constant 0 : i32
    %dma_start3A_108 = tpu.memref_slice %arg4[%dma_start3A_107, %multiple_of3A_89] : memref<16x1000000xf32, #tpu.memory_space<hbm>> -> memref<16x128xf32, #tpu.memory_space<hbm>>
    tpu.enqueue_dma source(%dma_start3A_108 : memref<16x128xf32, #tpu.memory_space<hbm>>) target(%dma_start3A_106 : memref<16x128xf32, #tpu.memory_space<vmem>>) target_semaphore(%arg12 : memref<!tpu.dma_semaphore, #tpu.memory_space<semaphore_mem>>)
    %dma_start3A_109 = arith.constant 0 : i32
    %dma_start3A_110 = arith.constant 2 : i32
    %dma_start3A_111 = arith.constant 0 : i32
    %dma_start3A_112 = arith.constant 0 : i32
    %dma_start3A_113 = tpu.memref_slice %arg10[%dma_start3A_109, %dma_start3A_110, %dma_start3A_111, %dma_start3A_112] : memref<2x8x16x128xf32, #tpu.memory_space<vmem>> -> memref<1x1x16x128xf32, #tpu.memory_space<vmem>>
    %dma_start3A_114 = tpu.memref_squeeze %dma_start3A_113 : memref<1x1x16x128xf32, #tpu.memory_space<vmem>> -> memref<16x128xf32, #tpu.memory_space<vmem>>
    %dma_start3A_115 = arith.constant 0 : i32
    %dma_start3A_116 = tpu.memref_slice %arg5[%dma_start3A_115, %multiple_of3A_94] : memref<16x1000000xf32, #tpu.memory_space<hbm>> -> memref<16x128xf32, #tpu.memory_space<hbm>>
    %dma_start3A_117 = arith.constant 0 : i32
    %dma_start3A_118 = arith.constant 0 : i32
    %dma_start3A_119 = tpu.memref_slice %arg10[%dma_start3A_109, %dma_start3A_110, %dma_start3A_117, %dma_start3A_118] : memref<2x8x16x128xf32, #tpu.memory_space<vmem>> -> memref<1x1x16x128xf32, #tpu.memory_space<vmem>>
    %dma_start3A_120 = tpu.memref_squeeze %dma_start3A_119 : memref<1x1x16x128xf32, #tpu.memory_space<vmem>> -> memref<16x128xf32, #tpu.memory_space<vmem>>
    %dma_start3A_121 = arith.constant 0 : i32
    %dma_start3A_122 = tpu.memref_slice %arg5[%dma_start3A_121, %multiple_of3A_94] : memref<16x1000000xf32, #tpu.memory_space<hbm>> -> memref<16x128xf32, #tpu.memory_space<hbm>>
    tpu.enqueue_dma source(%dma_start3A_122 : memref<16x128xf32, #tpu.memory_space<hbm>>) target(%dma_start3A_120 : memref<16x128xf32, #tpu.memory_space<vmem>>) target_semaphore(%arg14 : memref<!tpu.dma_semaphore, #tpu.memory_space<semaphore_mem>>)
    %slice3A_123 = vector.extract_strided_slice %shift_right_logical3A_7 {offsets = [3], sizes = [1], strides = [1]} : vector<16xi32> to vector<1xi32>
    %squeeze3A_124 = vector.extract %slice3A_123[0] : i32 from vector<1xi32>
    %mul3A_125 = arith.constant 128 : i32
    %mul3A_126 = arith.muli %squeeze3A_124, %mul3A_125 : i32
    %multiple_of3A_127 = tpu.assume_multiple %mul3A_126, 128 : i32
    %slice3A_128 = vector.extract_strided_slice %shift_right_logical3A_12 {offsets = [3], sizes = [1], strides = [1]} : vector<16xi32> to vector<1xi32>
    %squeeze3A_129 = vector.extract %slice3A_128[0] : i32 from vector<1xi32>
    %mul3A_130 = arith.constant 128 : i32
    %mul3A_131 = arith.muli %squeeze3A_129, %mul3A_130 : i32
    %multiple_of3A_132 = tpu.assume_multiple %mul3A_131, 128 : i32
    %dma_start3A_133 = arith.constant 0 : i32
    %dma_start3A_134 = arith.constant 3 : i32
    %dma_start3A_135 = arith.constant 0 : i32
    %dma_start3A_136 = arith.constant 0 : i32
    %dma_start3A_137 = tpu.memref_slice %arg9[%dma_start3A_133, %dma_start3A_134, %dma_start3A_135, %dma_start3A_136] : memref<2x8x16x128xf32, #tpu.memory_space<vmem>> -> memref<1x1x16x128xf32, #tpu.memory_space<vmem>>
    %dma_start3A_138 = tpu.memref_squeeze %dma_start3A_137 : memref<1x1x16x128xf32, #tpu.memory_space<vmem>> -> memref<16x128xf32, #tpu.memory_space<vmem>>
    %dma_start3A_139 = arith.constant 0 : i32
    %dma_start3A_140 = tpu.memref_slice %arg4[%dma_start3A_139, %multiple_of3A_127] : memref<16x1000000xf32, #tpu.memory_space<hbm>> -> memref<16x128xf32, #tpu.memory_space<hbm>>
    %dma_start3A_141 = arith.constant 0 : i32
    %dma_start3A_142 = arith.constant 0 : i32
    %dma_start3A_143 = tpu.memref_slice %arg9[%dma_start3A_133, %dma_start3A_134, %dma_start3A_141, %dma_start3A_142] : memref<2x8x16x128xf32, #tpu.memory_space<vmem>> -> memref<1x1x16x128xf32, #tpu.memory_space<vmem>>
    %dma_start3A_144 = tpu.memref_squeeze %dma_start3A_143 : memref<1x1x16x128xf32, #tpu.memory_space<vmem>> -> memref<16x128xf32, #tpu.memory_space<vmem>>
    %dma_start3A_145 = arith.constant 0 : i32
    %dma_start3A_146 = tpu.memref_slice %arg4[%dma_start3A_145, %multiple_of3A_127] : memref<16x1000000xf32, #tpu.memory_space<hbm>> -> memref<16x128xf32, #tpu.memory_space<hbm>>
    tpu.enqueue_dma source(%dma_start3A_146 : memref<16x128xf32, #tpu.memory_space<hbm>>) target(%dma_start3A_144 : memref<16x128xf32, #tpu.memory_space<vmem>>) target_semaphore(%arg12 : memref<!tpu.dma_semaphore, #tpu.memory_space<semaphore_mem>>)
    %dma_start3A_147 = arith.constant 0 : i32
    %dma_start3A_148 = arith.constant 3 : i32
    %dma_start3A_149 = arith.constant 0 : i32
    %dma_start3A_150 = arith.constant 0 : i32
    %dma_start3A_151 = tpu.memref_slice %arg10[%dma_start3A_147, %dma_start3A_148, %dma_start3A_149, %dma_start3A_150] : memref<2x8x16x128xf32, #tpu.memory_space<vmem>> -> memref<1x1x16x128xf32, #tpu.memory_space<vmem>>
    %dma_start3A_152 = tpu.memref_squeeze %dma_start3A_151 : memref<1x1x16x128xf32, #tpu.memory_space<vmem>> -> memref<16x128xf32, #tpu.memory_space<vmem>>
    %dma_start3A_153 = arith.constant 0 : i32
    %dma_start3A_154 = tpu.memref_slice %arg5[%dma_start3A_153, %multiple_of3A_132] : memref<16x1000000xf32, #tpu.memory_space<hbm>> -> memref<16x128xf32, #tpu.memory_space<hbm>>
    %dma_start3A_155 = arith.constant 0 : i32
    %dma_start3A_156 = arith.constant 0 : i32
    %dma_start3A_157 = tpu.memref_slice %arg10[%dma_start3A_147, %dma_start3A_148, %dma_start3A_155, %dma_start3A_156] : memref<2x8x16x128xf32, #tpu.memory_space<vmem>> -> memref<1x1x16x128xf32, #tpu.memory_space<vmem>>
    %dma_start3A_158 = tpu.memref_squeeze %dma_start3A_157 : memref<1x1x16x128xf32, #tpu.memory_space<vmem>> -> memref<16x128xf32, #tpu.memory_space<vmem>>
    %dma_start3A_159 = arith.constant 0 : i32
    %dma_start3A_160 = tpu.memref_slice %arg5[%dma_start3A_159, %multiple_of3A_132] : memref<16x1000000xf32, #tpu.memory_space<hbm>> -> memref<16x128xf32, #tpu.memory_space<hbm>>
    tpu.enqueue_dma source(%dma_start3A_160 : memref<16x128xf32, #tpu.memory_space<hbm>>) target(%dma_start3A_158 : memref<16x128xf32, #tpu.memory_space<vmem>>) target_semaphore(%arg14 : memref<!tpu.dma_semaphore, #tpu.memory_space<semaphore_mem>>)
    %slice3A_161 = vector.extract_strided_slice %shift_right_logical3A_7 {offsets = [4], sizes = [1], strides = [1]} : vector<16xi32> to vector<1xi32>
    %squeeze3A_162 = vector.extract %slice3A_161[0] : i32 from vector<1xi32>
    %mul3A_163 = arith.constant 128 : i32
    %mul3A_164 = arith.muli %squeeze3A_162, %mul3A_163 : i32
    %multiple_of3A_165 = tpu.assume_multiple %mul3A_164, 128 : i32
    %slice3A_166 = vector.extract_strided_slice %shift_right_logical3A_12 {offsets = [4], sizes = [1], strides = [1]} : vector<16xi32> to vector<1xi32>
    %squeeze3A_167 = vector.extract %slice3A_166[0] : i32 from vector<1xi32>
    %mul3A_168 = arith.constant 128 : i32
    %mul3A_169 = arith.muli %squeeze3A_167, %mul3A_168 : i32
    %multiple_of3A_170 = tpu.assume_multiple %mul3A_169, 128 : i32
    %dma_start3A_171 = arith.constant 0 : i32
    %dma_start3A_172 = arith.constant 4 : i32
    %dma_start3A_173 = arith.constant 0 : i32
    %dma_start3A_174 = arith.constant 0 : i32
    %dma_start3A_175 = tpu.memref_slice %arg9[%dma_start3A_171, %dma_start3A_172, %dma_start3A_173, %dma_start3A_174] : memref<2x8x16x128xf32, #tpu.memory_space<vmem>> -> memref<1x1x16x128xf32, #tpu.memory_space<vmem>>
    %dma_start3A_176 = tpu.memref_squeeze %dma_start3A_175 : memref<1x1x16x128xf32, #tpu.memory_space<vmem>> -> memref<16x128xf32, #tpu.memory_space<vmem>>
    %dma_start3A_177 = arith.constant 0 : i32
    %dma_start3A_178 = tpu.memref_slice %arg4[%dma_start3A_177, %multiple_of3A_165] : memref<16x1000000xf32, #tpu.memory_space<hbm>> -> memref<16x128xf32, #tpu.memory_space<hbm>>
    %dma_start3A_179 = arith.constant 0 : i32
    %dma_start3A_180 = arith.constant 0 : i32
    %dma_start3A_181 = tpu.memref_slice %arg9[%dma_start3A_171, %dma_start3A_172, %dma_start3A_179, %dma_start3A_180] : memref<2x8x16x128xf32, #tpu.memory_space<vmem>> -> memref<1x1x16x128xf32, #tpu.memory_space<vmem>>
    %dma_start3A_182 = tpu.memref_squeeze %dma_start3A_181 : memref<1x1x16x128xf32, #tpu.memory_space<vmem>> -> memref<16x128xf32, #tpu.memory_space<vmem>>
    %dma_start3A_183 = arith.constant 0 : i32
    %dma_start3A_184 = tpu.memref_slice %arg4[%dma_start3A_183, %multiple_of3A_165] : memref<16x1000000xf32, #tpu.memory_space<hbm>> -> memref<16x128xf32, #tpu.memory_space<hbm>>
    tpu.enqueue_dma source(%dma_start3A_184 : memref<16x128xf32, #tpu.memory_space<hbm>>) target(%dma_start3A_182 : memref<16x128xf32, #tpu.memory_space<vmem>>) target_semaphore(%arg12 : memref<!tpu.dma_semaphore, #tpu.memory_space<semaphore_mem>>)
    %dma_start3A_185 = arith.constant 0 : i32
    %dma_start3A_186 = arith.constant 4 : i32
    %dma_start3A_187 = arith.constant 0 : i32
    %dma_start3A_188 = arith.constant 0 : i32
    %dma_start3A_189 = tpu.memref_slice %arg10[%dma_start3A_185, %dma_start3A_186, %dma_start3A_187, %dma_start3A_188] : memref<2x8x16x128xf32, #tpu.memory_space<vmem>> -> memref<1x1x16x128xf32, #tpu.memory_space<vmem>>
    %dma_start3A_190 = tpu.memref_squeeze %dma_start3A_189 : memref<1x1x16x128xf32, #tpu.memory_space<vmem>> -> memref<16x128xf32, #tpu.memory_space<vmem>>
    %dma_start3A_191 = arith.constant 0 : i32
    %dma_start3A_192 = tpu.memref_slice %arg5[%dma_start3A_191, %multiple_of3A_170] : memref<16x1000000xf32, #tpu.memory_space<hbm>> -> memref<16x128xf32, #tpu.memory_space<hbm>>
    %dma_start3A_193 = arith.constant 0 : i32
    %dma_start3A_194 = arith.constant 0 : i32
    %dma_start3A_195 = tpu.memref_slice %arg10[%dma_start3A_185, %dma_start3A_186, %dma_start3A_193, %dma_start3A_194] : memref<2x8x16x128xf32, #tpu.memory_space<vmem>> -> memref<1x1x16x128xf32, #tpu.memory_space<vmem>>
    %dma_start3A_196 = tpu.memref_squeeze %dma_start3A_195 : memref<1x1x16x128xf32, #tpu.memory_space<vmem>> -> memref<16x128xf32, #tpu.memory_space<vmem>>
    %dma_start3A_197 = arith.constant 0 : i32
    %dma_start3A_198 = tpu.memref_slice %arg5[%dma_start3A_197, %multiple_of3A_170] : memref<16x1000000xf32, #tpu.memory_space<hbm>> -> memref<16x128xf32, #tpu.memory_space<hbm>>
    tpu.enqueue_dma source(%dma_start3A_198 : memref<16x128xf32, #tpu.memory_space<hbm>>) target(%dma_start3A_196 : memref<16x128xf32, #tpu.memory_space<vmem>>) target_semaphore(%arg14 : memref<!tpu.dma_semaphore, #tpu.memory_space<semaphore_mem>>)
    %slice3A_199 = vector.extract_strided_slice %shift_right_logical3A_7 {offsets = [5], sizes = [1], strides = [1]} : vector<16xi32> to vector<1xi32>
    %squeeze3A_200 = vector.extract %slice3A_199[0] : i32 from vector<1xi32>
    %mul3A_201 = arith.constant 128 : i32
    %mul3A_202 = arith.muli %squeeze3A_200, %mul3A_201 : i32
    %multiple_of3A_203 = tpu.assume_multiple %mul3A_202, 128 : i32
    %slice3A_204 = vector.extract_strided_slice %shift_right_logical3A_12 {offsets = [5], sizes = [1], strides = [1]} : vector<16xi32> to vector<1xi32>
    %squeeze3A_205 = vector.extract %slice3A_204[0] : i32 from vector<1xi32>
    %mul3A_206 = arith.constant 128 : i32
    %mul3A_207 = arith.muli %squeeze3A_205, %mul3A_206 : i32
    %multiple_of3A_208 = tpu.assume_multiple %mul3A_207, 128 : i32
    %dma_start3A_209 = arith.constant 0 : i32
    %dma_start3A_210 = arith.constant 5 : i32
    %dma_start3A_211 = arith.constant 0 : i32
    %dma_start3A_212 = arith.constant 0 : i32
    %dma_start3A_213 = tpu.memref_slice %arg9[%dma_start3A_209, %dma_start3A_210, %dma_start3A_211, %dma_start3A_212] : memref<2x8x16x128xf32, #tpu.memory_space<vmem>> -> memref<1x1x16x128xf32, #tpu.memory_space<vmem>>
    %dma_start3A_214 = tpu.memref_squeeze %dma_start3A_213 : memref<1x1x16x128xf32, #tpu.memory_space<vmem>> -> memref<16x128xf32, #tpu.memory_space<vmem>>
    %dma_start3A_215 = arith.constant 0 : i32
    %dma_start3A_216 = tpu.memref_slice %arg4[%dma_start3A_215, %multiple_of3A_203] : memref<16x1000000xf32, #tpu.memory_space<hbm>> -> memref<16x128xf32, #tpu.memory_space<hbm>>
    %dma_start3A_217 = arith.constant 0 : i32
    %dma_start3A_218 = arith.constant 0 : i32
    %dma_start3A_219 = tpu.memref_slice %arg9[%dma_start3A_209, %dma_start3A_210, %dma_start3A_217, %dma_start3A_218] : memref<2x8x16x128xf32, #tpu.memory_space<vmem>> -> memref<1x1x16x128xf32, #tpu.memory_space<vmem>>
    %dma_start3A_220 = tpu.memref_squeeze %dma_start3A_219 : memref<1x1x16x128xf32, #tpu.memory_space<vmem>> -> memref<16x128xf32, #tpu.memory_space<vmem>>
    %dma_start3A_221 = arith.constant 0 : i32
    %dma_start3A_222 = tpu.memref_slice %arg4[%dma_start3A_221, %multiple_of3A_203] : memref<16x1000000xf32, #tpu.memory_space<hbm>> -> memref<16x128xf32, #tpu.memory_space<hbm>>
    tpu.enqueue_dma source(%dma_start3A_222 : memref<16x128xf32, #tpu.memory_space<hbm>>) target(%dma_start3A_220 : memref<16x128xf32, #tpu.memory_space<vmem>>) target_semaphore(%arg12 : memref<!tpu.dma_semaphore, #tpu.memory_space<semaphore_mem>>)
    %dma_start3A_223 = arith.constant 0 : i32
    %dma_start3A_224 = arith.constant 5 : i32
    %dma_start3A_225 = arith.constant 0 : i32
    %dma_start3A_226 = arith.constant 0 : i32
    %dma_start3A_227 = tpu.memref_slice %arg10[%dma_start3A_223, %dma_start3A_224, %dma_start3A_225, %dma_start3A_226] : memref<2x8x16x128xf32, #tpu.memory_space<vmem>> -> memref<1x1x16x128xf32, #tpu.memory_space<vmem>>
    %dma_start3A_228 = tpu.memref_squeeze %dma_start3A_227 : memref<1x1x16x128xf32, #tpu.memory_space<vmem>> -> memref<16x128xf32, #tpu.memory_space<vmem>>
    %dma_start3A_229 = arith.constant 0 : i32
    %dma_start3A_230 = tpu.memref_slice %arg5[%dma_start3A_229, %multiple_of3A_208] : memref<16x1000000xf32, #tpu.memory_space<hbm>> -> memref<16x128xf32, #tpu.memory_space<hbm>>
    %dma_start3A_231 = arith.constant 0 : i32
    %dma_start3A_232 = arith.constant 0 : i32
    %dma_start3A_233 = tpu.memref_slice %arg10[%dma_start3A_223, %dma_start3A_224, %dma_start3A_231, %dma_start3A_232] : memref<2x8x16x128xf32, #tpu.memory_space<vmem>> -> memref<1x1x16x128xf32, #tpu.memory_space<vmem>>
    %dma_start3A_234 = tpu.memref_squeeze %dma_start3A_233 : memref<1x1x16x128xf32, #tpu.memory_space<vmem>> -> memref<16x128xf32, #tpu.memory_space<vmem>>
    %dma_start3A_235 = arith.constant 0 : i32
    %dma_start3A_236 = tpu.memref_slice %arg5[%dma_start3A_235, %multiple_of3A_208] : memref<16x1000000xf32, #tpu.memory_space<hbm>> -> memref<16x128xf32, #tpu.memory_space<hbm>>
    tpu.enqueue_dma source(%dma_start3A_236 : memref<16x128xf32, #tpu.memory_space<hbm>>) target(%dma_start3A_234 : memref<16x128xf32, #tpu.memory_space<vmem>>) target_semaphore(%arg14 : memref<!tpu.dma_semaphore, #tpu.memory_space<semaphore_mem>>)
    %slice3A_237 = vector.extract_strided_slice %shift_right_logical3A_7 {offsets = [6], sizes = [1], strides = [1]} : vector<16xi32> to vector<1xi32>
    %squeeze3A_238 = vector.extract %slice3A_237[0] : i32 from vector<1xi32>
    %mul3A_239 = arith.constant 128 : i32
    %mul3A_240 = arith.muli %squeeze3A_238, %mul3A_239 : i32
    %multiple_of3A_241 = tpu.assume_multiple %mul3A_240, 128 : i32
    %slice3A_242 = vector.extract_strided_slice %shift_right_logical3A_12 {offsets = [6], sizes = [1], strides = [1]} : vector<16xi32> to vector<1xi32>
    %squeeze3A_243 = vector.extract %slice3A_242[0] : i32 from vector<1xi32>
    %mul3A_244 = arith.constant 128 : i32
    %mul3A_245 = arith.muli %squeeze3A_243, %mul3A_244 : i32
    %multiple_of3A_246 = tpu.assume_multiple %mul3A_245, 128 : i32
    %dma_start3A_247 = arith.constant 0 : i32
    %dma_start3A_248 = arith.constant 6 : i32
    %dma_start3A_249 = arith.constant 0 : i32
    %dma_start3A_250 = arith.constant 0 : i32
    %dma_start3A_251 = tpu.memref_slice %arg9[%dma_start3A_247, %dma_start3A_248, %dma_start3A_249, %dma_start3A_250] : memref<2x8x16x128xf32, #tpu.memory_space<vmem>> -> memref<1x1x16x128xf32, #tpu.memory_space<vmem>>
    %dma_start3A_252 = tpu.memref_squeeze %dma_start3A_251 : memref<1x1x16x128xf32, #tpu.memory_space<vmem>> -> memref<16x128xf32, #tpu.memory_space<vmem>>
    %dma_start3A_253 = arith.constant 0 : i32
    %dma_start3A_254 = tpu.memref_slice %arg4[%dma_start3A_253, %multiple_of3A_241] : memref<16x1000000xf32, #tpu.memory_space<hbm>> -> memref<16x128xf32, #tpu.memory_space<hbm>>
    %dma_start3A_255 = arith.constant 0 : i32
    %dma_start3A_256 = arith.constant 0 : i32
    %dma_start3A_257 = tpu.memref_slice %arg9[%dma_start3A_247, %dma_start3A_248, %dma_start3A_255, %dma_start3A_256] : memref<2x8x16x128xf32, #tpu.memory_space<vmem>> -> memref<1x1x16x128xf32, #tpu.memory_space<vmem>>
    %dma_start3A_258 = tpu.memref_squeeze %dma_start3A_257 : memref<1x1x16x128xf32, #tpu.memory_space<vmem>> -> memref<16x128xf32, #tpu.memory_space<vmem>>
    %dma_start3A_259 = arith.constant 0 : i32
    %dma_start3A_260 = tpu.memref_slice %arg4[%dma_start3A_259, %multiple_of3A_241] : memref<16x1000000xf32, #tpu.memory_space<hbm>> -> memref<16x128xf32, #tpu.memory_space<hbm>>
    tpu.enqueue_dma source(%dma_start3A_260 : memref<16x128xf32, #tpu.memory_space<hbm>>) target(%dma_start3A_258 : memref<16x128xf32, #tpu.memory_space<vmem>>) target_semaphore(%arg12 : memref<!tpu.dma_semaphore, #tpu.memory_space<semaphore_mem>>)
    %dma_start3A_261 = arith.constant 0 : i32
    %dma_start3A_262 = arith.constant 6 : i32
    %dma_start3A_263 = arith.constant 0 : i32
    %dma_start3A_264 = arith.constant 0 : i32
    %dma_start3A_265 = tpu.memref_slice %arg10[%dma_start3A_261, %dma_start3A_262, %dma_start3A_263, %dma_start3A_264] : memref<2x8x16x128xf32, #tpu.memory_space<vmem>> -> memref<1x1x16x128xf32, #tpu.memory_space<vmem>>
    %dma_start3A_266 = tpu.memref_squeeze %dma_start3A_265 : memref<1x1x16x128xf32, #tpu.memory_space<vmem>> -> memref<16x128xf32, #tpu.memory_space<vmem>>
    %dma_start3A_267 = arith.constant 0 : i32
    %dma_start3A_268 = tpu.memref_slice %arg5[%dma_start3A_267, %multiple_of3A_246] : memref<16x1000000xf32, #tpu.memory_space<hbm>> -> memref<16x128xf32, #tpu.memory_space<hbm>>
    %dma_start3A_269 = arith.constant 0 : i32
    %dma_start3A_270 = arith.constant 0 : i32
    %dma_start3A_271 = tpu.memref_slice %arg10[%dma_start3A_261, %dma_start3A_262, %dma_start3A_269, %dma_start3A_270] : memref<2x8x16x128xf32, #tpu.memory_space<vmem>> -> memref<1x1x16x128xf32, #tpu.memory_space<vmem>>
    %dma_start3A_272 = tpu.memref_squeeze %dma_start3A_271 : memref<1x1x16x128xf32, #tpu.memory_space<vmem>> -> memref<16x128xf32, #tpu.memory_space<vmem>>
    %dma_start3A_273 = arith.constant 0 : i32
    %dma_start3A_274 = tpu.memref_slice %arg5[%dma_start3A_273, %multiple_of3A_246] : memref<16x1000000xf32, #tpu.memory_space<hbm>> -> memref<16x128xf32, #tpu.memory_space<hbm>>
    tpu.enqueue_dma source(%dma_start3A_274 : memref<16x128xf32, #tpu.memory_space<hbm>>) target(%dma_start3A_272 : memref<16x128xf32, #tpu.memory_space<vmem>>) target_semaphore(%arg14 : memref<!tpu.dma_semaphore, #tpu.memory_space<semaphore_mem>>)
    %slice3A_275 = vector.extract_strided_slice %shift_right_logical3A_7 {offsets = [7], sizes = [1], strides = [1]} : vector<16xi32> to vector<1xi32>
    %squeeze3A_276 = vector.extract %slice3A_275[0] : i32 from vector<1xi32>
    %mul3A_277 = arith.constant 128 : i32
    %mul3A_278 = arith.muli %squeeze3A_276, %mul3A_277 : i32
    %multiple_of3A_279 = tpu.assume_multiple %mul3A_278, 128 : i32
    %slice3A_280 = vector.extract_strided_slice %shift_right_logical3A_12 {offsets = [7], sizes = [1], strides = [1]} : vector<16xi32> to vector<1xi32>
    %squeeze3A_281 = vector.extract %slice3A_280[0] : i32 from vector<1xi32>
    %mul3A_282 = arith.constant 128 : i32
    %mul3A_283 = arith.muli %squeeze3A_281, %mul3A_282 : i32
    %multiple_of3A_284 = tpu.assume_multiple %mul3A_283, 128 : i32
    %dma_start3A_285 = arith.constant 0 : i32
    %dma_start3A_286 = arith.constant 7 : i32
    %dma_start3A_287 = arith.constant 0 : i32
    %dma_start3A_288 = arith.constant 0 : i32
    %dma_start3A_289 = tpu.memref_slice %arg9[%dma_start3A_285, %dma_start3A_286, %dma_start3A_287, %dma_start3A_288] : memref<2x8x16x128xf32, #tpu.memory_space<vmem>> -> memref<1x1x16x128xf32, #tpu.memory_space<vmem>>
    %dma_start3A_290 = tpu.memref_squeeze %dma_start3A_289 : memref<1x1x16x128xf32, #tpu.memory_space<vmem>> -> memref<16x128xf32, #tpu.memory_space<vmem>>
    %dma_start3A_291 = arith.constant 0 : i32
    %dma_start3A_292 = tpu.memref_slice %arg4[%dma_start3A_291, %multiple_of3A_279] : memref<16x1000000xf32, #tpu.memory_space<hbm>> -> memref<16x128xf32, #tpu.memory_space<hbm>>
    %dma_start3A_293 = arith.constant 0 : i32
    %dma_start3A_294 = arith.constant 0 : i32
    %dma_start3A_295 = tpu.memref_slice %arg9[%dma_start3A_285, %dma_start3A_286, %dma_start3A_293, %dma_start3A_294] : memref<2x8x16x128xf32, #tpu.memory_space<vmem>> -> memref<1x1x16x128xf32, #tpu.memory_space<vmem>>
    %dma_start3A_296 = tpu.memref_squeeze %dma_start3A_295 : memref<1x1x16x128xf32, #tpu.memory_space<vmem>> -> memref<16x128xf32, #tpu.memory_space<vmem>>
    %dma_start3A_297 = arith.constant 0 : i32
    %dma_start3A_298 = tpu.memref_slice %arg4[%dma_start3A_297, %multiple_of3A_279] : memref<16x1000000xf32, #tpu.memory_space<hbm>> -> memref<16x128xf32, #tpu.memory_space<hbm>>
    tpu.enqueue_dma source(%dma_start3A_298 : memref<16x128xf32, #tpu.memory_space<hbm>>) target(%dma_start3A_296 : memref<16x128xf32, #tpu.memory_space<vmem>>) target_semaphore(%arg12 : memref<!tpu.dma_semaphore, #tpu.memory_space<semaphore_mem>>)
    %dma_start3A_299 = arith.constant 0 : i32
    %dma_start3A_300 = arith.constant 7 : i32
    %dma_start3A_301 = arith.constant 0 : i32
    %dma_start3A_302 = arith.constant 0 : i32
    %dma_start3A_303 = tpu.memref_slice %arg10[%dma_start3A_299, %dma_start3A_300, %dma_start3A_301, %dma_start3A_302] : memref<2x8x16x128xf32, #tpu.memory_space<vmem>> -> memref<1x1x16x128xf32, #tpu.memory_space<vmem>>
    %dma_start3A_304 = tpu.memref_squeeze %dma_start3A_303 : memref<1x1x16x128xf32, #tpu.memory_space<vmem>> -> memref<16x128xf32, #tpu.memory_space<vmem>>
    %dma_start3A_305 = arith.constant 0 : i32
    %dma_start3A_306 = tpu.memref_slice %arg5[%dma_start3A_305, %multiple_of3A_284] : memref<16x1000000xf32, #tpu.memory_space<hbm>> -> memref<16x128xf32, #tpu.memory_space<hbm>>
    %dma_start3A_307 = arith.constant 0 : i32
    %dma_start3A_308 = arith.constant 0 : i32
    %dma_start3A_309 = tpu.memref_slice %arg10[%dma_start3A_299, %dma_start3A_300, %dma_start3A_307, %dma_start3A_308] : memref<2x8x16x128xf32, #tpu.memory_space<vmem>> -> memref<1x1x16x128xf32, #tpu.memory_space<vmem>>
    %dma_start3A_310 = tpu.memref_squeeze %dma_start3A_309 : memref<1x1x16x128xf32, #tpu.memory_space<vmem>> -> memref<16x128xf32, #tpu.memory_space<vmem>>
    %dma_start3A_311 = arith.constant 0 : i32
    %dma_start3A_312 = tpu.memref_slice %arg5[%dma_start3A_311, %multiple_of3A_284] : memref<16x1000000xf32, #tpu.memory_space<hbm>> -> memref<16x128xf32, #tpu.memory_space<hbm>>
    tpu.enqueue_dma source(%dma_start3A_312 : memref<16x128xf32, #tpu.memory_space<hbm>>) target(%dma_start3A_310 : memref<16x128xf32, #tpu.memory_space<vmem>>) target_semaphore(%arg14 : memref<!tpu.dma_semaphore, #tpu.memory_space<semaphore_mem>>)
    %scan3A = arith.constant 0 : i32
    %scan3A_313 = arith.constant 0 : i32
    %scan3A_314 = arith.constant 32 : i32
    %scan3A_315 = arith.addi %scan3A_313, %scan3A_314 : i32
    %scan3A_316 = arith.constant 1 : i32
    scf.for %scan3A_318 = %scan3A_313 to %scan3A_315 step %scan3A_316  : i32 {
      %mul3A_319 = arith.constant 2 : i32
      %mul3A_320 = arith.muli %mul3A_319, %scan3A_318 : i32
      %add3A_321 = arith.constant 1 : i32
      %add3A_322 = arith.addi %mul3A_320, %add3A_321 : i32
      %mul3A_323 = arith.constant 8 : i32
      %mul3A_324 = arith.muli %add3A_322, %mul3A_323 : i32
      %get3A_325 = arith.index_cast %mul3A_324 : i32 to index
      %get3A_326 = tpu.vector_load %arg7[%get3A_325] {strides = array<i32>} : memref<528xi32, #tpu.memory_space<vmem>>, vector<16xi32>,
      %shift_right_logical3A_327 = arith.constant 7 : i32
      %shift_right_logical3A_328 = vector.broadcast %shift_right_logical3A_327 : i32 to vector<16xi32>
      %shift_right_logical3A_329 = arith.shrui %get3A_326, %shift_right_logical3A_328 : vector<16xi32>
      %mul3A_330 = arith.constant 8 : i32
      %mul3A_331 = arith.muli %add3A_322, %mul3A_330 : i32
      %get3A_332 = arith.index_cast %mul3A_331 : i32 to index
      %get3A_333 = tpu.vector_load %arg8[%get3A_332] {strides = array<i32>} : memref<528xi32, #tpu.memory_space<vmem>>, vector<16xi32>,
      %shift_right_logical3A_334 = arith.constant 7 : i32
      %shift_right_logical3A_335 = vector.broadcast %shift_right_logical3A_334 : i32 to vector<16xi32>
      %shift_right_logical3A_336 = arith.shrui %get3A_333, %shift_right_logical3A_335 : vector<16xi32>
      %slice3A_337 = vector.extract_strided_slice %shift_right_logical3A_329 {offsets = [0], sizes = [1], strides = [1]} : vector<16xi32> to vector<1xi32>
      %squeeze3A_338 = vector.extract %slice3A_337[0] : i32 from vector<1xi32>
      %mul3A_339 = arith.constant 128 : i32
      %mul3A_340 = arith.muli %squeeze3A_338, %mul3A_339 : i32
      %multiple_of3A_341 = tpu.assume_multiple %mul3A_340, 128 : i32
      %slice3A_342 = vector.extract_strided_slice %shift_right_logical3A_336 {offsets = [0], sizes = [1], strides = [1]} : vector<16xi32> to vector<1xi32>
      %squeeze3A_343 = vector.extract %slice3A_342[0] : i32 from vector<1xi32>
      %mul3A_344 = arith.constant 128 : i32
      %mul3A_345 = arith.muli %squeeze3A_343, %mul3A_344 : i32
      %multiple_of3A_346 = tpu.assume_multiple %mul3A_345, 128 : i32
      %dma_start3A_347 = arith.constant 1 : i32
      %dma_start3A_348 = arith.constant 0 : i32
      %dma_start3A_349 = arith.constant 0 : i32
      %dma_start3A_350 = arith.constant 0 : i32
      %dma_start3A_351 = tpu.memref_slice %arg9[%dma_start3A_347, %dma_start3A_348, %dma_start3A_349, %dma_start3A_350] : memref<2x8x16x128xf32, #tpu.memory_space<vmem>> -> memref<1x1x16x128xf32, #tpu.memory_space<vmem>>
      %dma_start3A_352 = tpu.memref_squeeze %dma_start3A_351 : memref<1x1x16x128xf32, #tpu.memory_space<vmem>> -> memref<16x128xf32, #tpu.memory_space<vmem>>
      %dma_start3A_353 = arith.constant 0 : i32
      %dma_start3A_354 = tpu.memref_slice %arg4[%dma_start3A_353, %multiple_of3A_341] : memref<16x1000000xf32, #tpu.memory_space<hbm>> -> memref<16x128xf32, #tpu.memory_space<hbm>>
      %dma_start3A_355 = arith.constant 0 : i32
      %dma_start3A_356 = arith.constant 0 : i32
      %dma_start3A_357 = tpu.memref_slice %arg9[%dma_start3A_347, %dma_start3A_348, %dma_start3A_355, %dma_start3A_356] : memref<2x8x16x128xf32, #tpu.memory_space<vmem>> -> memref<1x1x16x128xf32, #tpu.memory_space<vmem>>
      %dma_start3A_358 = tpu.memref_squeeze %dma_start3A_357 : memref<1x1x16x128xf32, #tpu.memory_space<vmem>> -> memref<16x128xf32, #tpu.memory_space<vmem>>
      %dma_start3A_359 = arith.constant 0 : i32
      %dma_start3A_360 = tpu.memref_slice %arg4[%dma_start3A_359, %multiple_of3A_341] : memref<16x1000000xf32, #tpu.memory_space<hbm>> -> memref<16x128xf32, #tpu.memory_space<hbm>>
      tpu.enqueue_dma source(%dma_start3A_360 : memref<16x128xf32, #tpu.memory_space<hbm>>) target(%dma_start3A_358 : memref<16x128xf32, #tpu.memory_space<vmem>>) target_semaphore(%arg13 : memref<!tpu.dma_semaphore, #tpu.memory_space<semaphore_mem>>)
      %dma_start3A_361 = arith.constant 1 : i32
      %dma_start3A_362 = arith.constant 0 : i32
      %dma_start3A_363 = arith.constant 0 : i32
      %dma_start3A_364 = arith.constant 0 : i32
      %dma_start3A_365 = tpu.memref_slice %arg10[%dma_start3A_361, %dma_start3A_362, %dma_start3A_363, %dma_start3A_364] : memref<2x8x16x128xf32, #tpu.memory_space<vmem>> -> memref<1x1x16x128xf32, #tpu.memory_space<vmem>>
      %dma_start3A_366 = tpu.memref_squeeze %dma_start3A_365 : memref<1x1x16x128xf32, #tpu.memory_space<vmem>> -> memref<16x128xf32, #tpu.memory_space<vmem>>
      %dma_start3A_367 = arith.constant 0 : i32
      %dma_start3A_368 = tpu.memref_slice %arg5[%dma_start3A_367, %multiple_of3A_346] : memref<16x1000000xf32, #tpu.memory_space<hbm>> -> memref<16x128xf32, #tpu.memory_space<hbm>>
      %dma_start3A_369 = arith.constant 0 : i32
      %dma_start3A_370 = arith.constant 0 : i32
      %dma_start3A_371 = tpu.memref_slice %arg10[%dma_start3A_361, %dma_start3A_362, %dma_start3A_369, %dma_start3A_370] : memref<2x8x16x128xf32, #tpu.memory_space<vmem>> -> memref<1x1x16x128xf32, #tpu.memory_space<vmem>>
      %dma_start3A_372 = tpu.memref_squeeze %dma_start3A_371 : memref<1x1x16x128xf32, #tpu.memory_space<vmem>> -> memref<16x128xf32, #tpu.memory_space<vmem>>
      %dma_start3A_373 = arith.constant 0 : i32
      %dma_start3A_374 = tpu.memref_slice %arg5[%dma_start3A_373, %multiple_of3A_346] : memref<16x1000000xf32, #tpu.memory_space<hbm>> -> memref<16x128xf32, #tpu.memory_space<hbm>>
      tpu.enqueue_dma source(%dma_start3A_374 : memref<16x128xf32, #tpu.memory_space<hbm>>) target(%dma_start3A_372 : memref<16x128xf32, #tpu.memory_space<vmem>>) target_semaphore(%arg15 : memref<!tpu.dma_semaphore, #tpu.memory_space<semaphore_mem>>)
      %slice3A_375 = vector.extract_strided_slice %shift_right_logical3A_329 {offsets = [1], sizes = [1], strides = [1]} : vector<16xi32> to vector<1xi32>
      %squeeze3A_376 = vector.extract %slice3A_375[0] : i32 from vector<1xi32>
      %mul3A_377 = arith.constant 128 : i32
      %mul3A_378 = arith.muli %squeeze3A_376, %mul3A_377 : i32
      %multiple_of3A_379 = tpu.assume_multiple %mul3A_378, 128 : i32
      %slice3A_380 = vector.extract_strided_slice %shift_right_logical3A_336 {offsets = [1], sizes = [1], strides = [1]} : vector<16xi32> to vector<1xi32>
      %squeeze3A_381 = vector.extract %slice3A_380[0] : i32 from vector<1xi32>
      %mul3A_382 = arith.constant 128 : i32
      %mul3A_383 = arith.muli %squeeze3A_381, %mul3A_382 : i32
      %multiple_of3A_384 = tpu.assume_multiple %mul3A_383, 128 : i32
      %dma_start3A_385 = arith.constant 1 : i32
      %dma_start3A_386 = arith.constant 1 : i32
      %dma_start3A_387 = arith.constant 0 : i32
      %dma_start3A_388 = arith.constant 0 : i32
      %dma_start3A_389 = tpu.memref_slice %arg9[%dma_start3A_385, %dma_start3A_386, %dma_start3A_387, %dma_start3A_388] : memref<2x8x16x128xf32, #tpu.memory_space<vmem>> -> memref<1x1x16x128xf32, #tpu.memory_space<vmem>>
      %dma_start3A_390 = tpu.memref_squeeze %dma_start3A_389 : memref<1x1x16x128xf32, #tpu.memory_space<vmem>> -> memref<16x128xf32, #tpu.memory_space<vmem>>
      %dma_start3A_391 = arith.constant 0 : i32
      %dma_start3A_392 = tpu.memref_slice %arg4[%dma_start3A_391, %multiple_of3A_379] : memref<16x1000000xf32, #tpu.memory_space<hbm>> -> memref<16x128xf32, #tpu.memory_space<hbm>>
      %dma_start3A_393 = arith.constant 0 : i32
      %dma_start3A_394 = arith.constant 0 : i32
      %dma_start3A_395 = tpu.memref_slice %arg9[%dma_start3A_385, %dma_start3A_386, %dma_start3A_393, %dma_start3A_394] : memref<2x8x16x128xf32, #tpu.memory_space<vmem>> -> memref<1x1x16x128xf32, #tpu.memory_space<vmem>>
      %dma_start3A_396 = tpu.memref_squeeze %dma_start3A_395 : memref<1x1x16x128xf32, #tpu.memory_space<vmem>> -> memref<16x128xf32, #tpu.memory_space<vmem>>
      %dma_start3A_397 = arith.constant 0 : i32
      %dma_start3A_398 = tpu.memref_slice %arg4[%dma_start3A_397, %multiple_of3A_379] : memref<16x1000000xf32, #tpu.memory_space<hbm>> -> memref<16x128xf32, #tpu.memory_space<hbm>>
      tpu.enqueue_dma source(%dma_start3A_398 : memref<16x128xf32, #tpu.memory_space<hbm>>) target(%dma_start3A_396 : memref<16x128xf32, #tpu.memory_space<vmem>>) target_semaphore(%arg13 : memref<!tpu.dma_semaphore, #tpu.memory_space<semaphore_mem>>)
      %dma_start3A_399 = arith.constant 1 : i32
      %dma_start3A_400 = arith.constant 1 : i32
      %dma_start3A_401 = arith.constant 0 : i32
      %dma_start3A_402 = arith.constant 0 : i32
      %dma_start3A_403 = tpu.memref_slice %arg10[%dma_start3A_399, %dma_start3A_400, %dma_start3A_401, %dma_start3A_402] : memref<2x8x16x128xf32, #tpu.memory_space<vmem>> -> memref<1x1x16x128xf32, #tpu.memory_space<vmem>>
      %dma_start3A_404 = tpu.memref_squeeze %dma_start3A_403 : memref<1x1x16x128xf32, #tpu.memory_space<vmem>> -> memref<16x128xf32, #tpu.memory_space<vmem>>
      %dma_start3A_405 = arith.constant 0 : i32
      %dma_start3A_406 = tpu.memref_slice %arg5[%dma_start3A_405, %multiple_of3A_384] : memref<16x1000000xf32, #tpu.memory_space<hbm>> -> memref<16x128xf32, #tpu.memory_space<hbm>>
      %dma_start3A_407 = arith.constant 0 : i32
      %dma_start3A_408 = arith.constant 0 : i32
      %dma_start3A_409 = tpu.memref_slice %arg10[%dma_start3A_399, %dma_start3A_400, %dma_start3A_407, %dma_start3A_408] : memref<2x8x16x128xf32, #tpu.memory_space<vmem>> -> memref<1x1x16x128xf32, #tpu.memory_space<vmem>>
      %dma_start3A_410 = tpu.memref_squeeze %dma_start3A_409 : memref<1x1x16x128xf32, #tpu.memory_space<vmem>> -> memref<16x128xf32, #tpu.memory_space<vmem>>
      %dma_start3A_411 = arith.constant 0 : i32
      %dma_start3A_412 = tpu.memref_slice %arg5[%dma_start3A_411, %multiple_of3A_384] : memref<16x1000000xf32, #tpu.memory_space<hbm>> -> memref<16x128xf32, #tpu.memory_space<hbm>>
      tpu.enqueue_dma source(%dma_start3A_412 : memref<16x128xf32, #tpu.memory_space<hbm>>) target(%dma_start3A_410 : memref<16x128xf32, #tpu.memory_space<vmem>>) target_semaphore(%arg15 : memref<!tpu.dma_semaphore, #tpu.memory_space<semaphore_mem>>)
      %slice3A_413 = vector.extract_strided_slice %shift_right_logical3A_329 {offsets = [2], sizes = [1], strides = [1]} : vector<16xi32> to vector<1xi32>
      %squeeze3A_414 = vector.extract %slice3A_413[0] : i32 from vector<1xi32>
      %mul3A_415 = arith.constant 128 : i32
      %mul3A_416 = arith.muli %squeeze3A_414, %mul3A_415 : i32
      %multiple_of3A_417 = tpu.assume_multiple %mul3A_416, 128 : i32
      %slice3A_418 = vector.extract_strided_slice %shift_right_logical3A_336 {offsets = [2], sizes = [1], strides = [1]} : vector<16xi32> to vector<1xi32>
      %squeeze3A_419 = vector.extract %slice3A_418[0] : i32 from vector<1xi32>
      %mul3A_420 = arith.constant 128 : i32
      %mul3A_421 = arith.muli %squeeze3A_419, %mul3A_420 : i32
      %multiple_of3A_422 = tpu.assume_multiple %mul3A_421, 128 : i32
      %dma_start3A_423 = arith.constant 1 : i32
      %dma_start3A_424 = arith.constant 2 : i32
      %dma_start3A_425 = arith.constant 0 : i32
      %dma_start3A_426 = arith.constant 0 : i32
      %dma_start3A_427 = tpu.memref_slice %arg9[%dma_start3A_423, %dma_start3A_424, %dma_start3A_425, %dma_start3A_426] : memref<2x8x16x128xf32, #tpu.memory_space<vmem>> -> memref<1x1x16x128xf32, #tpu.memory_space<vmem>>
      %dma_start3A_428 = tpu.memref_squeeze %dma_start3A_427 : memref<1x1x16x128xf32, #tpu.memory_space<vmem>> -> memref<16x128xf32, #tpu.memory_space<vmem>>
      %dma_start3A_429 = arith.constant 0 : i32
      %dma_start3A_430 = tpu.memref_slice %arg4[%dma_start3A_429, %multiple_of3A_417] : memref<16x1000000xf32, #tpu.memory_space<hbm>> -> memref<16x128xf32, #tpu.memory_space<hbm>>
      %dma_start3A_431 = arith.constant 0 : i32
      %dma_start3A_432 = arith.constant 0 : i32
      %dma_start3A_433 = tpu.memref_slice %arg9[%dma_start3A_423, %dma_start3A_424, %dma_start3A_431, %dma_start3A_432] : memref<2x8x16x128xf32, #tpu.memory_space<vmem>> -> memref<1x1x16x128xf32, #tpu.memory_space<vmem>>
      %dma_start3A_434 = tpu.memref_squeeze %dma_start3A_433 : memref<1x1x16x128xf32, #tpu.memory_space<vmem>> -> memref<16x128xf32, #tpu.memory_space<vmem>>
      %dma_start3A_435 = arith.constant 0 : i32
      %dma_start3A_436 = tpu.memref_slice %arg4[%dma_start3A_435, %multiple_of3A_417] : memref<16x1000000xf32, #tpu.memory_space<hbm>> -> memref<16x128xf32, #tpu.memory_space<hbm>>
      tpu.enqueue_dma source(%dma_start3A_436 : memref<16x128xf32, #tpu.memory_space<hbm>>) target(%dma_start3A_434 : memref<16x128xf32, #tpu.memory_space<vmem>>) target_semaphore(%arg13 : memref<!tpu.dma_semaphore, #tpu.memory_space<semaphore_mem>>)
      %dma_start3A_437 = arith.constant 1 : i32
      %dma_start3A_438 = arith.constant 2 : i32
      %dma_start3A_439 = arith.constant 0 : i32
      %dma_start3A_440 = arith.constant 0 : i32
      %dma_start3A_441 = tpu.memref_slice %arg10[%dma_start3A_437, %dma_start3A_438, %dma_start3A_439, %dma_start3A_440] : memref<2x8x16x128xf32, #tpu.memory_space<vmem>> -> memref<1x1x16x128xf32, #tpu.memory_space<vmem>>
      %dma_start3A_442 = tpu.memref_squeeze %dma_start3A_441 : memref<1x1x16x128xf32, #tpu.memory_space<vmem>> -> memref<16x128xf32, #tpu.memory_space<vmem>>
      %dma_start3A_443 = arith.constant 0 : i32
      %dma_start3A_444 = tpu.memref_slice %arg5[%dma_start3A_443, %multiple_of3A_422] : memref<16x1000000xf32, #tpu.memory_space<hbm>> -> memref<16x128xf32, #tpu.memory_space<hbm>>
      %dma_start3A_445 = arith.constant 0 : i32
      %dma_start3A_446 = arith.constant 0 : i32
      %dma_start3A_447 = tpu.memref_slice %arg10[%dma_start3A_437, %dma_start3A_438, %dma_start3A_445, %dma_start3A_446] : memref<2x8x16x128xf32, #tpu.memory_space<vmem>> -> memref<1x1x16x128xf32, #tpu.memory_space<vmem>>
      %dma_start3A_448 = tpu.memref_squeeze %dma_start3A_447 : memref<1x1x16x128xf32, #tpu.memory_space<vmem>> -> memref<16x128xf32, #tpu.memory_space<vmem>>
      %dma_start3A_449 = arith.constant 0 : i32
      %dma_start3A_450 = tpu.memref_slice %arg5[%dma_start3A_449, %multiple_of3A_422] : memref<16x1000000xf32, #tpu.memory_space<hbm>> -> memref<16x128xf32, #tpu.memory_space<hbm>>
      tpu.enqueue_dma source(%dma_start3A_450 : memref<16x128xf32, #tpu.memory_space<hbm>>) target(%dma_start3A_448 : memref<16x128xf32, #tpu.memory_space<vmem>>) target_semaphore(%arg15 : memref<!tpu.dma_semaphore, #tpu.memory_space<semaphore_mem>>)
      %slice3A_451 = vector.extract_strided_slice %shift_right_logical3A_329 {offsets = [3], sizes = [1], strides = [1]} : vector<16xi32> to vector<1xi32>
      %squeeze3A_452 = vector.extract %slice3A_451[0] : i32 from vector<1xi32>
      %mul3A_453 = arith.constant 128 : i32
      %mul3A_454 = arith.muli %squeeze3A_452, %mul3A_453 : i32
      %multiple_of3A_455 = tpu.assume_multiple %mul3A_454, 128 : i32
      %slice3A_456 = vector.extract_strided_slice %shift_right_logical3A_336 {offsets = [3], sizes = [1], strides = [1]} : vector<16xi32> to vector<1xi32>
      %squeeze3A_457 = vector.extract %slice3A_456[0] : i32 from vector<1xi32>
      %mul3A_458 = arith.constant 128 : i32
      %mul3A_459 = arith.muli %squeeze3A_457, %mul3A_458 : i32
      %multiple_of3A_460 = tpu.assume_multiple %mul3A_459, 128 : i32
      %dma_start3A_461 = arith.constant 1 : i32
      %dma_start3A_462 = arith.constant 3 : i32
      %dma_start3A_463 = arith.constant 0 : i32
      %dma_start3A_464 = arith.constant 0 : i32
      %dma_start3A_465 = tpu.memref_slice %arg9[%dma_start3A_461, %dma_start3A_462, %dma_start3A_463, %dma_start3A_464] : memref<2x8x16x128xf32, #tpu.memory_space<vmem>> -> memref<1x1x16x128xf32, #tpu.memory_space<vmem>>
      %dma_start3A_466 = tpu.memref_squeeze %dma_start3A_465 : memref<1x1x16x128xf32, #tpu.memory_space<vmem>> -> memref<16x128xf32, #tpu.memory_space<vmem>>
      %dma_start3A_467 = arith.constant 0 : i32
      %dma_start3A_468 = tpu.memref_slice %arg4[%dma_start3A_467, %multiple_of3A_455] : memref<16x1000000xf32, #tpu.memory_space<hbm>> -> memref<16x128xf32, #tpu.memory_space<hbm>>
      %dma_start3A_469 = arith.constant 0 : i32
      %dma_start3A_470 = arith.constant 0 : i32
      %dma_start3A_471 = tpu.memref_slice %arg9[%dma_start3A_461, %dma_start3A_462, %dma_start3A_469, %dma_start3A_470] : memref<2x8x16x128xf32, #tpu.memory_space<vmem>> -> memref<1x1x16x128xf32, #tpu.memory_space<vmem>>
      %dma_start3A_472 = tpu.memref_squeeze %dma_start3A_471 : memref<1x1x16x128xf32, #tpu.memory_space<vmem>> -> memref<16x128xf32, #tpu.memory_space<vmem>>
      %dma_start3A_473 = arith.constant 0 : i32
      %dma_start3A_474 = tpu.memref_slice %arg4[%dma_start3A_473, %multiple_of3A_455] : memref<16x1000000xf32, #tpu.memory_space<hbm>> -> memref<16x128xf32, #tpu.memory_space<hbm>>
      tpu.enqueue_dma source(%dma_start3A_474 : memref<16x128xf32, #tpu.memory_space<hbm>>) target(%dma_start3A_472 : memref<16x128xf32, #tpu.memory_space<vmem>>) target_semaphore(%arg13 : memref<!tpu.dma_semaphore, #tpu.memory_space<semaphore_mem>>)
      %dma_start3A_475 = arith.constant 1 : i32
      %dma_start3A_476 = arith.constant 3 : i32
      %dma_start3A_477 = arith.constant 0 : i32
      %dma_start3A_478 = arith.constant 0 : i32
      %dma_start3A_479 = tpu.memref_slice %arg10[%dma_start3A_475, %dma_start3A_476, %dma_start3A_477, %dma_start3A_478] : memref<2x8x16x128xf32, #tpu.memory_space<vmem>> -> memref<1x1x16x128xf32, #tpu.memory_space<vmem>>
      %dma_start3A_480 = tpu.memref_squeeze %dma_start3A_479 : memref<1x1x16x128xf32, #tpu.memory_space<vmem>> -> memref<16x128xf32, #tpu.memory_space<vmem>>
      %dma_start3A_481 = arith.constant 0 : i32
      %dma_start3A_482 = tpu.memref_slice %arg5[%dma_start3A_481, %multiple_of3A_460] : memref<16x1000000xf32, #tpu.memory_space<hbm>> -> memref<16x128xf32, #tpu.memory_space<hbm>>
      %dma_start3A_483 = arith.constant 0 : i32
      %dma_start3A_484 = arith.constant 0 : i32
      %dma_start3A_485 = tpu.memref_slice %arg10[%dma_start3A_475, %dma_start3A_476, %dma_start3A_483, %dma_start3A_484] : memref<2x8x16x128xf32, #tpu.memory_space<vmem>> -> memref<1x1x16x128xf32, #tpu.memory_space<vmem>>
      %dma_start3A_486 = tpu.memref_squeeze %dma_start3A_485 : memref<1x1x16x128xf32, #tpu.memory_space<vmem>> -> memref<16x128xf32, #tpu.memory_space<vmem>>
      %dma_start3A_487 = arith.constant 0 : i32
      %dma_start3A_488 = tpu.memref_slice %arg5[%dma_start3A_487, %multiple_of3A_460] : memref<16x1000000xf32, #tpu.memory_space<hbm>> -> memref<16x128xf32, #tpu.memory_space<hbm>>
      tpu.enqueue_dma source(%dma_start3A_488 : memref<16x128xf32, #tpu.memory_space<hbm>>) target(%dma_start3A_486 : memref<16x128xf32, #tpu.memory_space<vmem>>) target_semaphore(%arg15 : memref<!tpu.dma_semaphore, #tpu.memory_space<semaphore_mem>>)
      %slice3A_489 = vector.extract_strided_slice %shift_right_logical3A_329 {offsets = [4], sizes = [1], strides = [1]} : vector<16xi32> to vector<1xi32>
      %squeeze3A_490 = vector.extract %slice3A_489[0] : i32 from vector<1xi32>
      %mul3A_491 = arith.constant 128 : i32
      %mul3A_492 = arith.muli %squeeze3A_490, %mul3A_491 : i32
      %multiple_of3A_493 = tpu.assume_multiple %mul3A_492, 128 : i32
      %slice3A_494 = vector.extract_strided_slice %shift_right_logical3A_336 {offsets = [4], sizes = [1], strides = [1]} : vector<16xi32> to vector<1xi32>
      %squeeze3A_495 = vector.extract %slice3A_494[0] : i32 from vector<1xi32>
      %mul3A_496 = arith.constant 128 : i32
      %mul3A_497 = arith.muli %squeeze3A_495, %mul3A_496 : i32
      %multiple_of3A_498 = tpu.assume_multiple %mul3A_497, 128 : i32
      %dma_start3A_499 = arith.constant 1 : i32
      %dma_start3A_500 = arith.constant 4 : i32
      %dma_start3A_501 = arith.constant 0 : i32
      %dma_start3A_502 = arith.constant 0 : i32
      %dma_start3A_503 = tpu.memref_slice %arg9[%dma_start3A_499, %dma_start3A_500, %dma_start3A_501, %dma_start3A_502] : memref<2x8x16x128xf32, #tpu.memory_space<vmem>> -> memref<1x1x16x128xf32, #tpu.memory_space<vmem>>
      %dma_start3A_504 = tpu.memref_squeeze %dma_start3A_503 : memref<1x1x16x128xf32, #tpu.memory_space<vmem>> -> memref<16x128xf32, #tpu.memory_space<vmem>>
      %dma_start3A_505 = arith.constant 0 : i32
      %dma_start3A_506 = tpu.memref_slice %arg4[%dma_start3A_505, %multiple_of3A_493] : memref<16x1000000xf32, #tpu.memory_space<hbm>> -> memref<16x128xf32, #tpu.memory_space<hbm>>
      %dma_start3A_507 = arith.constant 0 : i32
      %dma_start3A_508 = arith.constant 0 : i32
      %dma_start3A_509 = tpu.memref_slice %arg9[%dma_start3A_499, %dma_start3A_500, %dma_start3A_507, %dma_start3A_508] : memref<2x8x16x128xf32, #tpu.memory_space<vmem>> -> memref<1x1x16x128xf32, #tpu.memory_space<vmem>>
      %dma_start3A_510 = tpu.memref_squeeze %dma_start3A_509 : memref<1x1x16x128xf32, #tpu.memory_space<vmem>> -> memref<16x128xf32, #tpu.memory_space<vmem>>
      %dma_start3A_511 = arith.constant 0 : i32
      %dma_start3A_512 = tpu.memref_slice %arg4[%dma_start3A_511, %multiple_of3A_493] : memref<16x1000000xf32, #tpu.memory_space<hbm>> -> memref<16x128xf32, #tpu.memory_space<hbm>>
      tpu.enqueue_dma source(%dma_start3A_512 : memref<16x128xf32, #tpu.memory_space<hbm>>) target(%dma_start3A_510 : memref<16x128xf32, #tpu.memory_space<vmem>>) target_semaphore(%arg13 : memref<!tpu.dma_semaphore, #tpu.memory_space<semaphore_mem>>)
      %dma_start3A_513 = arith.constant 1 : i32
      %dma_start3A_514 = arith.constant 4 : i32
      %dma_start3A_515 = arith.constant 0 : i32
      %dma_start3A_516 = arith.constant 0 : i32
      %dma_start3A_517 = tpu.memref_slice %arg10[%dma_start3A_513, %dma_start3A_514, %dma_start3A_515, %dma_start3A_516] : memref<2x8x16x128xf32, #tpu.memory_space<vmem>> -> memref<1x1x16x128xf32, #tpu.memory_space<vmem>>
      %dma_start3A_518 = tpu.memref_squeeze %dma_start3A_517 : memref<1x1x16x128xf32, #tpu.memory_space<vmem>> -> memref<16x128xf32, #tpu.memory_space<vmem>>
      %dma_start3A_519 = arith.constant 0 : i32
      %dma_start3A_520 = tpu.memref_slice %arg5[%dma_start3A_519, %multiple_of3A_498] : memref<16x1000000xf32, #tpu.memory_space<hbm>> -> memref<16x128xf32, #tpu.memory_space<hbm>>
      %dma_start3A_521 = arith.constant 0 : i32
      %dma_start3A_522 = arith.constant 0 : i32
      %dma_start3A_523 = tpu.memref_slice %arg10[%dma_start3A_513, %dma_start3A_514, %dma_start3A_521, %dma_start3A_522] : memref<2x8x16x128xf32, #tpu.memory_space<vmem>> -> memref<1x1x16x128xf32, #tpu.memory_space<vmem>>
      %dma_start3A_524 = tpu.memref_squeeze %dma_start3A_523 : memref<1x1x16x128xf32, #tpu.memory_space<vmem>> -> memref<16x128xf32, #tpu.memory_space<vmem>>
      %dma_start3A_525 = arith.constant 0 : i32
      %dma_start3A_526 = tpu.memref_slice %arg5[%dma_start3A_525, %multiple_of3A_498] : memref<16x1000000xf32, #tpu.memory_space<hbm>> -> memref<16x128xf32, #tpu.memory_space<hbm>>
      tpu.enqueue_dma source(%dma_start3A_526 : memref<16x128xf32, #tpu.memory_space<hbm>>) target(%dma_start3A_524 : memref<16x128xf32, #tpu.memory_space<vmem>>) target_semaphore(%arg15 : memref<!tpu.dma_semaphore, #tpu.memory_space<semaphore_mem>>)
      %slice3A_527 = vector.extract_strided_slice %shift_right_logical3A_329 {offsets = [5], sizes = [1], strides = [1]} : vector<16xi32> to vector<1xi32>
      %squeeze3A_528 = vector.extract %slice3A_527[0] : i32 from vector<1xi32>
      %mul3A_529 = arith.constant 128 : i32
      %mul3A_530 = arith.muli %squeeze3A_528, %mul3A_529 : i32
      %multiple_of3A_531 = tpu.assume_multiple %mul3A_530, 128 : i32
      %slice3A_532 = vector.extract_strided_slice %shift_right_logical3A_336 {offsets = [5], sizes = [1], strides = [1]} : vector<16xi32> to vector<1xi32>
      %squeeze3A_533 = vector.extract %slice3A_532[0] : i32 from vector<1xi32>
      %mul3A_534 = arith.constant 128 : i32
      %mul3A_535 = arith.muli %squeeze3A_533, %mul3A_534 : i32
      %multiple_of3A_536 = tpu.assume_multiple %mul3A_535, 128 : i32
      %dma_start3A_537 = arith.constant 1 : i32
      %dma_start3A_538 = arith.constant 5 : i32
      %dma_start3A_539 = arith.constant 0 : i32
      %dma_start3A_540 = arith.constant 0 : i32
      %dma_start3A_541 = tpu.memref_slice %arg9[%dma_start3A_537, %dma_start3A_538, %dma_start3A_539, %dma_start3A_540] : memref<2x8x16x128xf32, #tpu.memory_space<vmem>> -> memref<1x1x16x128xf32, #tpu.memory_space<vmem>>
      %dma_start3A_542 = tpu.memref_squeeze %dma_start3A_541 : memref<1x1x16x128xf32, #tpu.memory_space<vmem>> -> memref<16x128xf32, #tpu.memory_space<vmem>>
      %dma_start3A_543 = arith.constant 0 : i32
      %dma_start3A_544 = tpu.memref_slice %arg4[%dma_start3A_543, %multiple_of3A_531] : memref<16x1000000xf32, #tpu.memory_space<hbm>> -> memref<16x128xf32, #tpu.memory_space<hbm>>
      %dma_start3A_545 = arith.constant 0 : i32
      %dma_start3A_546 = arith.constant 0 : i32
      %dma_start3A_547 = tpu.memref_slice %arg9[%dma_start3A_537, %dma_start3A_538, %dma_start3A_545, %dma_start3A_546] : memref<2x8x16x128xf32, #tpu.memory_space<vmem>> -> memref<1x1x16x128xf32, #tpu.memory_space<vmem>>
      %dma_start3A_548 = tpu.memref_squeeze %dma_start3A_547 : memref<1x1x16x128xf32, #tpu.memory_space<vmem>> -> memref<16x128xf32, #tpu.memory_space<vmem>>
      %dma_start3A_549 = arith.constant 0 : i32
      %dma_start3A_550 = tpu.memref_slice %arg4[%dma_start3A_549, %multiple_of3A_531] : memref<16x1000000xf32, #tpu.memory_space<hbm>> -> memref<16x128xf32, #tpu.memory_space<hbm>>
      tpu.enqueue_dma source(%dma_start3A_550 : memref<16x128xf32, #tpu.memory_space<hbm>>) target(%dma_start3A_548 : memref<16x128xf32, #tpu.memory_space<vmem>>) target_semaphore(%arg13 : memref<!tpu.dma_semaphore, #tpu.memory_space<semaphore_mem>>)
      %dma_start3A_551 = arith.constant 1 : i32
      %dma_start3A_552 = arith.constant 5 : i32
      %dma_start3A_553 = arith.constant 0 : i32
      %dma_start3A_554 = arith.constant 0 : i32
      %dma_start3A_555 = tpu.memref_slice %arg10[%dma_start3A_551, %dma_start3A_552, %dma_start3A_553, %dma_start3A_554] : memref<2x8x16x128xf32, #tpu.memory_space<vmem>> -> memref<1x1x16x128xf32, #tpu.memory_space<vmem>>
      %dma_start3A_556 = tpu.memref_squeeze %dma_start3A_555 : memref<1x1x16x128xf32, #tpu.memory_space<vmem>> -> memref<16x128xf32, #tpu.memory_space<vmem>>
      %dma_start3A_557 = arith.constant 0 : i32
      %dma_start3A_558 = tpu.memref_slice %arg5[%dma_start3A_557, %multiple_of3A_536] : memref<16x1000000xf32, #tpu.memory_space<hbm>> -> memref<16x128xf32, #tpu.memory_space<hbm>>
      %dma_start3A_559 = arith.constant 0 : i32
      %dma_start3A_560 = arith.constant 0 : i32
      %dma_start3A_561 = tpu.memref_slice %arg10[%dma_start3A_551, %dma_start3A_552, %dma_start3A_559, %dma_start3A_560] : memref<2x8x16x128xf32, #tpu.memory_space<vmem>> -> memref<1x1x16x128xf32, #tpu.memory_space<vmem>>
      %dma_start3A_562 = tpu.memref_squeeze %dma_start3A_561 : memref<1x1x16x128xf32, #tpu.memory_space<vmem>> -> memref<16x128xf32, #tpu.memory_space<vmem>>
      %dma_start3A_563 = arith.constant 0 : i32
      %dma_start3A_564 = tpu.memref_slice %arg5[%dma_start3A_563, %multiple_of3A_536] : memref<16x1000000xf32, #tpu.memory_space<hbm>> -> memref<16x128xf32, #tpu.memory_space<hbm>>
      tpu.enqueue_dma source(%dma_start3A_564 : memref<16x128xf32, #tpu.memory_space<hbm>>) target(%dma_start3A_562 : memref<16x128xf32, #tpu.memory_space<vmem>>) target_semaphore(%arg15 : memref<!tpu.dma_semaphore, #tpu.memory_space<semaphore_mem>>)
      %slice3A_565 = vector.extract_strided_slice %shift_right_logical3A_329 {offsets = [6], sizes = [1], strides = [1]} : vector<16xi32> to vector<1xi32>
      %squeeze3A_566 = vector.extract %slice3A_565[0] : i32 from vector<1xi32>
      %mul3A_567 = arith.constant 128 : i32
      %mul3A_568 = arith.muli %squeeze3A_566, %mul3A_567 : i32
      %multiple_of3A_569 = tpu.assume_multiple %mul3A_568, 128 : i32
      %slice3A_570 = vector.extract_strided_slice %shift_right_logical3A_336 {offsets = [6], sizes = [1], strides = [1]} : vector<16xi32> to vector<1xi32>
      %squeeze3A_571 = vector.extract %slice3A_570[0] : i32 from vector<1xi32>
      %mul3A_572 = arith.constant 128 : i32
      %mul3A_573 = arith.muli %squeeze3A_571, %mul3A_572 : i32
      %multiple_of3A_574 = tpu.assume_multiple %mul3A_573, 128 : i32
      %dma_start3A_575 = arith.constant 1 : i32
      %dma_start3A_576 = arith.constant 6 : i32
      %dma_start3A_577 = arith.constant 0 : i32
      %dma_start3A_578 = arith.constant 0 : i32
      %dma_start3A_579 = tpu.memref_slice %arg9[%dma_start3A_575, %dma_start3A_576, %dma_start3A_577, %dma_start3A_578] : memref<2x8x16x128xf32, #tpu.memory_space<vmem>> -> memref<1x1x16x128xf32, #tpu.memory_space<vmem>>
      %dma_start3A_580 = tpu.memref_squeeze %dma_start3A_579 : memref<1x1x16x128xf32, #tpu.memory_space<vmem>> -> memref<16x128xf32, #tpu.memory_space<vmem>>
      %dma_start3A_581 = arith.constant 0 : i32
      %dma_start3A_582 = tpu.memref_slice %arg4[%dma_start3A_581, %multiple_of3A_569] : memref<16x1000000xf32, #tpu.memory_space<hbm>> -> memref<16x128xf32, #tpu.memory_space<hbm>>
      %dma_start3A_583 = arith.constant 0 : i32
      %dma_start3A_584 = arith.constant 0 : i32
      %dma_start3A_585 = tpu.memref_slice %arg9[%dma_start3A_575, %dma_start3A_576, %dma_start3A_583, %dma_start3A_584] : memref<2x8x16x128xf32, #tpu.memory_space<vmem>> -> memref<1x1x16x128xf32, #tpu.memory_space<vmem>>
      %dma_start3A_586 = tpu.memref_squeeze %dma_start3A_585 : memref<1x1x16x128xf32, #tpu.memory_space<vmem>> -> memref<16x128xf32, #tpu.memory_space<vmem>>
      %dma_start3A_587 = arith.constant 0 : i32
      %dma_start3A_588 = tpu.memref_slice %arg4[%dma_start3A_587, %multiple_of3A_569] : memref<16x1000000xf32, #tpu.memory_space<hbm>> -> memref<16x128xf32, #tpu.memory_space<hbm>>
      tpu.enqueue_dma source(%dma_start3A_588 : memref<16x128xf32, #tpu.memory_space<hbm>>) target(%dma_start3A_586 : memref<16x128xf32, #tpu.memory_space<vmem>>) target_semaphore(%arg13 : memref<!tpu.dma_semaphore, #tpu.memory_space<semaphore_mem>>)
      %dma_start3A_589 = arith.constant 1 : i32
      %dma_start3A_590 = arith.constant 6 : i32
      %dma_start3A_591 = arith.constant 0 : i32
      %dma_start3A_592 = arith.constant 0 : i32
      %dma_start3A_593 = tpu.memref_slice %arg10[%dma_start3A_589, %dma_start3A_590, %dma_start3A_591, %dma_start3A_592] : memref<2x8x16x128xf32, #tpu.memory_space<vmem>> -> memref<1x1x16x128xf32, #tpu.memory_space<vmem>>
      %dma_start3A_594 = tpu.memref_squeeze %dma_start3A_593 : memref<1x1x16x128xf32, #tpu.memory_space<vmem>> -> memref<16x128xf32, #tpu.memory_space<vmem>>
      %dma_start3A_595 = arith.constant 0 : i32
      %dma_start3A_596 = tpu.memref_slice %arg5[%dma_start3A_595, %multiple_of3A_574] : memref<16x1000000xf32, #tpu.memory_space<hbm>> -> memref<16x128xf32, #tpu.memory_space<hbm>>
      %dma_start3A_597 = arith.constant 0 : i32
      %dma_start3A_598 = arith.constant 0 : i32
      %dma_start3A_599 = tpu.memref_slice %arg10[%dma_start3A_589, %dma_start3A_590, %dma_start3A_597, %dma_start3A_598] : memref<2x8x16x128xf32, #tpu.memory_space<vmem>> -> memref<1x1x16x128xf32, #tpu.memory_space<vmem>>
      %dma_start3A_600 = tpu.memref_squeeze %dma_start3A_599 : memref<1x1x16x128xf32, #tpu.memory_space<vmem>> -> memref<16x128xf32, #tpu.memory_space<vmem>>
      %dma_start3A_601 = arith.constant 0 : i32
      %dma_start3A_602 = tpu.memref_slice %arg5[%dma_start3A_601, %multiple_of3A_574] : memref<16x1000000xf32, #tpu.memory_space<hbm>> -> memref<16x128xf32, #tpu.memory_space<hbm>>
      tpu.enqueue_dma source(%dma_start3A_602 : memref<16x128xf32, #tpu.memory_space<hbm>>) target(%dma_start3A_600 : memref<16x128xf32, #tpu.memory_space<vmem>>) target_semaphore(%arg15 : memref<!tpu.dma_semaphore, #tpu.memory_space<semaphore_mem>>)
      %slice3A_603 = vector.extract_strided_slice %shift_right_logical3A_329 {offsets = [7], sizes = [1], strides = [1]} : vector<16xi32> to vector<1xi32>
      %squeeze3A_604 = vector.extract %slice3A_603[0] : i32 from vector<1xi32>
      %mul3A_605 = arith.constant 128 : i32
      %mul3A_606 = arith.muli %squeeze3A_604, %mul3A_605 : i32
      %multiple_of3A_607 = tpu.assume_multiple %mul3A_606, 128 : i32
      %slice3A_608 = vector.extract_strided_slice %shift_right_logical3A_336 {offsets = [7], sizes = [1], strides = [1]} : vector<16xi32> to vector<1xi32>
      %squeeze3A_609 = vector.extract %slice3A_608[0] : i32 from vector<1xi32>
      %mul3A_610 = arith.constant 128 : i32
      %mul3A_611 = arith.muli %squeeze3A_609, %mul3A_610 : i32
      %multiple_of3A_612 = tpu.assume_multiple %mul3A_611, 128 : i32
      %dma_start3A_613 = arith.constant 1 : i32
      %dma_start3A_614 = arith.constant 7 : i32
      %dma_start3A_615 = arith.constant 0 : i32
      %dma_start3A_616 = arith.constant 0 : i32
      %dma_start3A_617 = tpu.memref_slice %arg9[%dma_start3A_613, %dma_start3A_614, %dma_start3A_615, %dma_start3A_616] : memref<2x8x16x128xf32, #tpu.memory_space<vmem>> -> memref<1x1x16x128xf32, #tpu.memory_space<vmem>>
      %dma_start3A_618 = tpu.memref_squeeze %dma_start3A_617 : memref<1x1x16x128xf32, #tpu.memory_space<vmem>> -> memref<16x128xf32, #tpu.memory_space<vmem>>
      %dma_start3A_619 = arith.constant 0 : i32
      %dma_start3A_620 = tpu.memref_slice %arg4[%dma_start3A_619, %multiple_of3A_607] : memref<16x1000000xf32, #tpu.memory_space<hbm>> -> memref<16x128xf32, #tpu.memory_space<hbm>>
      %dma_start3A_621 = arith.constant 0 : i32
      %dma_start3A_622 = arith.constant 0 : i32
      %dma_start3A_623 = tpu.memref_slice %arg9[%dma_start3A_613, %dma_start3A_614, %dma_start3A_621, %dma_start3A_622] : memref<2x8x16x128xf32, #tpu.memory_space<vmem>> -> memref<1x1x16x128xf32, #tpu.memory_space<vmem>>
      %dma_start3A_624 = tpu.memref_squeeze %dma_start3A_623 : memref<1x1x16x128xf32, #tpu.memory_space<vmem>> -> memref<16x128xf32, #tpu.memory_space<vmem>>
      %dma_start3A_625 = arith.constant 0 : i32
      %dma_start3A_626 = tpu.memref_slice %arg4[%dma_start3A_625, %multiple_of3A_607] : memref<16x1000000xf32, #tpu.memory_space<hbm>> -> memref<16x128xf32, #tpu.memory_space<hbm>>
      tpu.enqueue_dma source(%dma_start3A_626 : memref<16x128xf32, #tpu.memory_space<hbm>>) target(%dma_start3A_624 : memref<16x128xf32, #tpu.memory_space<vmem>>) target_semaphore(%arg13 : memref<!tpu.dma_semaphore, #tpu.memory_space<semaphore_mem>>)
      %dma_start3A_627 = arith.constant 1 : i32
      %dma_start3A_628 = arith.constant 7 : i32
      %dma_start3A_629 = arith.constant 0 : i32
      %dma_start3A_630 = arith.constant 0 : i32
      %dma_start3A_631 = tpu.memref_slice %arg10[%dma_start3A_627, %dma_start3A_628, %dma_start3A_629, %dma_start3A_630] : memref<2x8x16x128xf32, #tpu.memory_space<vmem>> -> memref<1x1x16x128xf32, #tpu.memory_space<vmem>>
      %dma_start3A_632 = tpu.memref_squeeze %dma_start3A_631 : memref<1x1x16x128xf32, #tpu.memory_space<vmem>> -> memref<16x128xf32, #tpu.memory_space<vmem>>
      %dma_start3A_633 = arith.constant 0 : i32
      %dma_start3A_634 = tpu.memref_slice %arg5[%dma_start3A_633, %multiple_of3A_612] : memref<16x1000000xf32, #tpu.memory_space<hbm>> -> memref<16x128xf32, #tpu.memory_space<hbm>>
      %dma_start3A_635 = arith.constant 0 : i32
      %dma_start3A_636 = arith.constant 0 : i32
      %dma_start3A_637 = tpu.memref_slice %arg10[%dma_start3A_627, %dma_start3A_628, %dma_start3A_635, %dma_start3A_636] : memref<2x8x16x128xf32, #tpu.memory_space<vmem>> -> memref<1x1x16x128xf32, #tpu.memory_space<vmem>>
      %dma_start3A_638 = tpu.memref_squeeze %dma_start3A_637 : memref<1x1x16x128xf32, #tpu.memory_space<vmem>> -> memref<16x128xf32, #tpu.memory_space<vmem>>
      %dma_start3A_639 = arith.constant 0 : i32
      %dma_start3A_640 = tpu.memref_slice %arg5[%dma_start3A_639, %multiple_of3A_612] : memref<16x1000000xf32, #tpu.memory_space<hbm>> -> memref<16x128xf32, #tpu.memory_space<hbm>>
      tpu.enqueue_dma source(%dma_start3A_640 : memref<16x128xf32, #tpu.memory_space<hbm>>) target(%dma_start3A_638 : memref<16x128xf32, #tpu.memory_space<vmem>>) target_semaphore(%arg15 : memref<!tpu.dma_semaphore, #tpu.memory_space<semaphore_mem>>)
      %dma_wait3A = arith.constant 0 : i32
      %dma_wait3A_641 = arith.constant 0 : i32
      %dma_wait3A_642 = arith.constant 0 : i32
      %dma_wait3A_643 = arith.constant 0 : i32
      %dma_wait3A_644 = tpu.memref_slice %arg9[%dma_wait3A, %dma_wait3A_641, %dma_wait3A_642, %dma_wait3A_643] : memref<2x8x16x128xf32, #tpu.memory_space<vmem>> -> memref<1x1x16x128xf32, #tpu.memory_space<vmem>>
      %dma_wait3A_645 = tpu.memref_squeeze %dma_wait3A_644 : memref<1x1x16x128xf32, #tpu.memory_space<vmem>> -> memref<16x128xf32, #tpu.memory_space<vmem>>
      %dma_wait3A_646 = arith.constant 0 : i32
      %dma_wait3A_647 = arith.constant 0 : i32
      %dma_wait3A_648 = tpu.memref_slice %arg4[%dma_wait3A_646, %dma_wait3A_647] : memref<16x1000000xf32, #tpu.memory_space<hbm>> -> memref<16x128xf32, #tpu.memory_space<hbm>>
      %dma_wait3A_649 = arith.constant 0 : i32
      %dma_wait3A_650 = arith.constant 0 : i32
      %dma_wait3A_651 = tpu.memref_slice %arg9[%dma_wait3A, %dma_wait3A_641, %dma_wait3A_649, %dma_wait3A_650] : memref<2x8x16x128xf32, #tpu.memory_space<vmem>> -> memref<1x1x16x128xf32, #tpu.memory_space<vmem>>
      %dma_wait3A_652 = tpu.memref_squeeze %dma_wait3A_651 : memref<1x1x16x128xf32, #tpu.memory_space<vmem>> -> memref<16x128xf32, #tpu.memory_space<vmem>>
      %dma_wait3A_653 = arith.constant 0 : i32
      %dma_wait3A_654 = arith.constant 0 : i32
      %dma_wait3A_655 = tpu.memref_slice %arg4[%dma_wait3A_653, %dma_wait3A_654] : memref<16x1000000xf32, #tpu.memory_space<hbm>> -> memref<16x128xf32, #tpu.memory_space<hbm>>
      tpu.wait_dma2 semaphore(%arg12 : memref<!tpu.dma_semaphore, #tpu.memory_space<semaphore_mem>>) src(%dma_wait3A_655 : memref<16x128xf32, #tpu.memory_space<hbm>>) dst(%dma_wait3A_652 : memref<16x128xf32, #tpu.memory_space<vmem>>)
      %dma_wait3A_656 = arith.constant 0 : i32
      %dma_wait3A_657 = arith.constant 0 : i32
      %dma_wait3A_658 = arith.constant 0 : i32
      %dma_wait3A_659 = arith.constant 0 : i32
      %dma_wait3A_660 = tpu.memref_slice %arg10[%dma_wait3A_656, %dma_wait3A_657, %dma_wait3A_658, %dma_wait3A_659] : memref<2x8x16x128xf32, #tpu.memory_space<vmem>> -> memref<1x1x16x128xf32, #tpu.memory_space<vmem>>
      %dma_wait3A_661 = tpu.memref_squeeze %dma_wait3A_660 : memref<1x1x16x128xf32, #tpu.memory_space<vmem>> -> memref<16x128xf32, #tpu.memory_space<vmem>>
      %dma_wait3A_662 = arith.constant 0 : i32
      %dma_wait3A_663 = arith.constant 0 : i32
      %dma_wait3A_664 = tpu.memref_slice %arg4[%dma_wait3A_662, %dma_wait3A_663] : memref<16x1000000xf32, #tpu.memory_space<hbm>> -> memref<16x128xf32, #tpu.memory_space<hbm>>
      %dma_wait3A_665 = arith.constant 0 : i32
      %dma_wait3A_666 = arith.constant 0 : i32
      %dma_wait3A_667 = tpu.memref_slice %arg10[%dma_wait3A_656, %dma_wait3A_657, %dma_wait3A_665, %dma_wait3A_666] : memref<2x8x16x128xf32, #tpu.memory_space<vmem>> -> memref<1x1x16x128xf32, #tpu.memory_space<vmem>>
      %dma_wait3A_668 = tpu.memref_squeeze %dma_wait3A_667 : memref<1x1x16x128xf32, #tpu.memory_space<vmem>> -> memref<16x128xf32, #tpu.memory_space<vmem>>
      %dma_wait3A_669 = arith.constant 0 : i32
      %dma_wait3A_670 = arith.constant 0 : i32
      %dma_wait3A_671 = tpu.memref_slice %arg4[%dma_wait3A_669, %dma_wait3A_670] : memref<16x1000000xf32, #tpu.memory_space<hbm>> -> memref<16x128xf32, #tpu.memory_space<hbm>>
      tpu.wait_dma2 semaphore(%arg14 : memref<!tpu.dma_semaphore, #tpu.memory_space<semaphore_mem>>) src(%dma_wait3A_671 : memref<16x128xf32, #tpu.memory_space<hbm>>) dst(%dma_wait3A_668 : memref<16x128xf32, #tpu.memory_space<vmem>>)
      %dma_wait3A_672 = arith.constant 0 : i32
      %dma_wait3A_673 = arith.constant 1 : i32
      %dma_wait3A_674 = arith.constant 0 : i32
      %dma_wait3A_675 = arith.constant 0 : i32
      %dma_wait3A_676 = tpu.memref_slice %arg9[%dma_wait3A_672, %dma_wait3A_673, %dma_wait3A_674, %dma_wait3A_675] : memref<2x8x16x128xf32, #tpu.memory_space<vmem>> -> memref<1x1x16x128xf32, #tpu.memory_space<vmem>>
      %dma_wait3A_677 = tpu.memref_squeeze %dma_wait3A_676 : memref<1x1x16x128xf32, #tpu.memory_space<vmem>> -> memref<16x128xf32, #tpu.memory_space<vmem>>
      %dma_wait3A_678 = arith.constant 0 : i32
      %dma_wait3A_679 = arith.constant 0 : i32
      %dma_wait3A_680 = tpu.memref_slice %arg4[%dma_wait3A_678, %dma_wait3A_679] : memref<16x1000000xf32, #tpu.memory_space<hbm>> -> memref<16x128xf32, #tpu.memory_space<hbm>>
      %dma_wait3A_681 = arith.constant 0 : i32
      %dma_wait3A_682 = arith.constant 0 : i32
      %dma_wait3A_683 = tpu.memref_slice %arg9[%dma_wait3A_672, %dma_wait3A_673, %dma_wait3A_681, %dma_wait3A_682] : memref<2x8x16x128xf32, #tpu.memory_space<vmem>> -> memref<1x1x16x128xf32, #tpu.memory_space<vmem>>
      %dma_wait3A_684 = tpu.memref_squeeze %dma_wait3A_683 : memref<1x1x16x128xf32, #tpu.memory_space<vmem>> -> memref<16x128xf32, #tpu.memory_space<vmem>>
      %dma_wait3A_685 = arith.constant 0 : i32
      %dma_wait3A_686 = arith.constant 0 : i32
      %dma_wait3A_687 = tpu.memref_slice %arg4[%dma_wait3A_685, %dma_wait3A_686] : memref<16x1000000xf32, #tpu.memory_space<hbm>> -> memref<16x128xf32, #tpu.memory_space<hbm>>
      tpu.wait_dma2 semaphore(%arg12 : memref<!tpu.dma_semaphore, #tpu.memory_space<semaphore_mem>>) src(%dma_wait3A_687 : memref<16x128xf32, #tpu.memory_space<hbm>>) dst(%dma_wait3A_684 : memref<16x128xf32, #tpu.memory_space<vmem>>)
      %dma_wait3A_688 = arith.constant 0 : i32
      %dma_wait3A_689 = arith.constant 1 : i32
      %dma_wait3A_690 = arith.constant 0 : i32
      %dma_wait3A_691 = arith.constant 0 : i32
      %dma_wait3A_692 = tpu.memref_slice %arg10[%dma_wait3A_688, %dma_wait3A_689, %dma_wait3A_690, %dma_wait3A_691] : memref<2x8x16x128xf32, #tpu.memory_space<vmem>> -> memref<1x1x16x128xf32, #tpu.memory_space<vmem>>
      %dma_wait3A_693 = tpu.memref_squeeze %dma_wait3A_692 : memref<1x1x16x128xf32, #tpu.memory_space<vmem>> -> memref<16x128xf32, #tpu.memory_space<vmem>>
      %dma_wait3A_694 = arith.constant 0 : i32
      %dma_wait3A_695 = arith.constant 0 : i32
      %dma_wait3A_696 = tpu.memref_slice %arg4[%dma_wait3A_694, %dma_wait3A_695] : memref<16x1000000xf32, #tpu.memory_space<hbm>> -> memref<16x128xf32, #tpu.memory_space<hbm>>
      %dma_wait3A_697 = arith.constant 0 : i32
      %dma_wait3A_698 = arith.constant 0 : i32
      %dma_wait3A_699 = tpu.memref_slice %arg10[%dma_wait3A_688, %dma_wait3A_689, %dma_wait3A_697, %dma_wait3A_698] : memref<2x8x16x128xf32, #tpu.memory_space<vmem>> -> memref<1x1x16x128xf32, #tpu.memory_space<vmem>>
      %dma_wait3A_700 = tpu.memref_squeeze %dma_wait3A_699 : memref<1x1x16x128xf32, #tpu.memory_space<vmem>> -> memref<16x128xf32, #tpu.memory_space<vmem>>
      %dma_wait3A_701 = arith.constant 0 : i32
      %dma_wait3A_702 = arith.constant 0 : i32
      %dma_wait3A_703 = tpu.memref_slice %arg4[%dma_wait3A_701, %dma_wait3A_702] : memref<16x1000000xf32, #tpu.memory_space<hbm>> -> memref<16x128xf32, #tpu.memory_space<hbm>>
      tpu.wait_dma2 semaphore(%arg14 : memref<!tpu.dma_semaphore, #tpu.memory_space<semaphore_mem>>) src(%dma_wait3A_703 : memref<16x128xf32, #tpu.memory_space<hbm>>) dst(%dma_wait3A_700 : memref<16x128xf32, #tpu.memory_space<vmem>>)
      %dma_wait3A_704 = arith.constant 0 : i32
      %dma_wait3A_705 = arith.constant 2 : i32
      %dma_wait3A_706 = arith.constant 0 : i32
      %dma_wait3A_707 = arith.constant 0 : i32
      %dma_wait3A_708 = tpu.memref_slice %arg9[%dma_wait3A_704, %dma_wait3A_705, %dma_wait3A_706, %dma_wait3A_707] : memref<2x8x16x128xf32, #tpu.memory_space<vmem>> -> memref<1x1x16x128xf32, #tpu.memory_space<vmem>>
      %dma_wait3A_709 = tpu.memref_squeeze %dma_wait3A_708 : memref<1x1x16x128xf32, #tpu.memory_space<vmem>> -> memref<16x128xf32, #tpu.memory_space<vmem>>
      %dma_wait3A_710 = arith.constant 0 : i32
      %dma_wait3A_711 = arith.constant 0 : i32
      %dma_wait3A_712 = tpu.memref_slice %arg4[%dma_wait3A_710, %dma_wait3A_711] : memref<16x1000000xf32, #tpu.memory_space<hbm>> -> memref<16x128xf32, #tpu.memory_space<hbm>>
      %dma_wait3A_713 = arith.constant 0 : i32
      %dma_wait3A_714 = arith.constant 0 : i32
      %dma_wait3A_715 = tpu.memref_slice %arg9[%dma_wait3A_704, %dma_wait3A_705, %dma_wait3A_713, %dma_wait3A_714] : memref<2x8x16x128xf32, #tpu.memory_space<vmem>> -> memref<1x1x16x128xf32, #tpu.memory_space<vmem>>
      %dma_wait3A_716 = tpu.memref_squeeze %dma_wait3A_715 : memref<1x1x16x128xf32, #tpu.memory_space<vmem>> -> memref<16x128xf32, #tpu.memory_space<vmem>>
      %dma_wait3A_717 = arith.constant 0 : i32
      %dma_wait3A_718 = arith.constant 0 : i32
      %dma_wait3A_719 = tpu.memref_slice %arg4[%dma_wait3A_717, %dma_wait3A_718] : memref<16x1000000xf32, #tpu.memory_space<hbm>> -> memref<16x128xf32, #tpu.memory_space<hbm>>
      tpu.wait_dma2 semaphore(%arg12 : memref<!tpu.dma_semaphore, #tpu.memory_space<semaphore_mem>>) src(%dma_wait3A_719 : memref<16x128xf32, #tpu.memory_space<hbm>>) dst(%dma_wait3A_716 : memref<16x128xf32, #tpu.memory_space<vmem>>)
      %dma_wait3A_720 = arith.constant 0 : i32
      %dma_wait3A_721 = arith.constant 2 : i32
      %dma_wait3A_722 = arith.constant 0 : i32
      %dma_wait3A_723 = arith.constant 0 : i32
      %dma_wait3A_724 = tpu.memref_slice %arg10[%dma_wait3A_720, %dma_wait3A_721, %dma_wait3A_722, %dma_wait3A_723] : memref<2x8x16x128xf32, #tpu.memory_space<vmem>> -> memref<1x1x16x128xf32, #tpu.memory_space<vmem>>
      %dma_wait3A_725 = tpu.memref_squeeze %dma_wait3A_724 : memref<1x1x16x128xf32, #tpu.memory_space<vmem>> -> memref<16x128xf32, #tpu.memory_space<vmem>>
      %dma_wait3A_726 = arith.constant 0 : i32
      %dma_wait3A_727 = arith.constant 0 : i32
      %dma_wait3A_728 = tpu.memref_slice %arg4[%dma_wait3A_726, %dma_wait3A_727] : memref<16x1000000xf32, #tpu.memory_space<hbm>> -> memref<16x128xf32, #tpu.memory_space<hbm>>
      %dma_wait3A_729 = arith.constant 0 : i32
      %dma_wait3A_730 = arith.constant 0 : i32
      %dma_wait3A_731 = tpu.memref_slice %arg10[%dma_wait3A_720, %dma_wait3A_721, %dma_wait3A_729, %dma_wait3A_730] : memref<2x8x16x128xf32, #tpu.memory_space<vmem>> -> memref<1x1x16x128xf32, #tpu.memory_space<vmem>>
      %dma_wait3A_732 = tpu.memref_squeeze %dma_wait3A_731 : memref<1x1x16x128xf32, #tpu.memory_space<vmem>> -> memref<16x128xf32, #tpu.memory_space<vmem>>
      %dma_wait3A_733 = arith.constant 0 : i32
      %dma_wait3A_734 = arith.constant 0 : i32
      %dma_wait3A_735 = tpu.memref_slice %arg4[%dma_wait3A_733, %dma_wait3A_734] : memref<16x1000000xf32, #tpu.memory_space<hbm>> -> memref<16x128xf32, #tpu.memory_space<hbm>>
      tpu.wait_dma2 semaphore(%arg14 : memref<!tpu.dma_semaphore, #tpu.memory_space<semaphore_mem>>) src(%dma_wait3A_735 : memref<16x128xf32, #tpu.memory_space<hbm>>) dst(%dma_wait3A_732 : memref<16x128xf32, #tpu.memory_space<vmem>>)
      %dma_wait3A_736 = arith.constant 0 : i32
      %dma_wait3A_737 = arith.constant 3 : i32
      %dma_wait3A_738 = arith.constant 0 : i32
      %dma_wait3A_739 = arith.constant 0 : i32
      %dma_wait3A_740 = tpu.memref_slice %arg9[%dma_wait3A_736, %dma_wait3A_737, %dma_wait3A_738, %dma_wait3A_739] : memref<2x8x16x128xf32, #tpu.memory_space<vmem>> -> memref<1x1x16x128xf32, #tpu.memory_space<vmem>>
      %dma_wait3A_741 = tpu.memref_squeeze %dma_wait3A_740 : memref<1x1x16x128xf32, #tpu.memory_space<vmem>> -> memref<16x128xf32, #tpu.memory_space<vmem>>
      %dma_wait3A_742 = arith.constant 0 : i32
      %dma_wait3A_743 = arith.constant 0 : i32
      %dma_wait3A_744 = tpu.memref_slice %arg4[%dma_wait3A_742, %dma_wait3A_743] : memref<16x1000000xf32, #tpu.memory_space<hbm>> -> memref<16x128xf32, #tpu.memory_space<hbm>>
      %dma_wait3A_745 = arith.constant 0 : i32
      %dma_wait3A_746 = arith.constant 0 : i32
      %dma_wait3A_747 = tpu.memref_slice %arg9[%dma_wait3A_736, %dma_wait3A_737, %dma_wait3A_745, %dma_wait3A_746] : memref<2x8x16x128xf32, #tpu.memory_space<vmem>> -> memref<1x1x16x128xf32, #tpu.memory_space<vmem>>
      %dma_wait3A_748 = tpu.memref_squeeze %dma_wait3A_747 : memref<1x1x16x128xf32, #tpu.memory_space<vmem>> -> memref<16x128xf32, #tpu.memory_space<vmem>>
      %dma_wait3A_749 = arith.constant 0 : i32
      %dma_wait3A_750 = arith.constant 0 : i32
      %dma_wait3A_751 = tpu.memref_slice %arg4[%dma_wait3A_749, %dma_wait3A_750] : memref<16x1000000xf32, #tpu.memory_space<hbm>> -> memref<16x128xf32, #tpu.memory_space<hbm>>
      tpu.wait_dma2 semaphore(%arg12 : memref<!tpu.dma_semaphore, #tpu.memory_space<semaphore_mem>>) src(%dma_wait3A_751 : memref<16x128xf32, #tpu.memory_space<hbm>>) dst(%dma_wait3A_748 : memref<16x128xf32, #tpu.memory_space<vmem>>)
      %dma_wait3A_752 = arith.constant 0 : i32
      %dma_wait3A_753 = arith.constant 3 : i32
      %dma_wait3A_754 = arith.constant 0 : i32
      %dma_wait3A_755 = arith.constant 0 : i32
      %dma_wait3A_756 = tpu.memref_slice %arg10[%dma_wait3A_752, %dma_wait3A_753, %dma_wait3A_754, %dma_wait3A_755] : memref<2x8x16x128xf32, #tpu.memory_space<vmem>> -> memref<1x1x16x128xf32, #tpu.memory_space<vmem>>
      %dma_wait3A_757 = tpu.memref_squeeze %dma_wait3A_756 : memref<1x1x16x128xf32, #tpu.memory_space<vmem>> -> memref<16x128xf32, #tpu.memory_space<vmem>>
      %dma_wait3A_758 = arith.constant 0 : i32
      %dma_wait3A_759 = arith.constant 0 : i32
      %dma_wait3A_760 = tpu.memref_slice %arg4[%dma_wait3A_758, %dma_wait3A_759] : memref<16x1000000xf32, #tpu.memory_space<hbm>> -> memref<16x128xf32, #tpu.memory_space<hbm>>
      %dma_wait3A_761 = arith.constant 0 : i32
      %dma_wait3A_762 = arith.constant 0 : i32
      %dma_wait3A_763 = tpu.memref_slice %arg10[%dma_wait3A_752, %dma_wait3A_753, %dma_wait3A_761, %dma_wait3A_762] : memref<2x8x16x128xf32, #tpu.memory_space<vmem>> -> memref<1x1x16x128xf32, #tpu.memory_space<vmem>>
      %dma_wait3A_764 = tpu.memref_squeeze %dma_wait3A_763 : memref<1x1x16x128xf32, #tpu.memory_space<vmem>> -> memref<16x128xf32, #tpu.memory_space<vmem>>
      %dma_wait3A_765 = arith.constant 0 : i32
      %dma_wait3A_766 = arith.constant 0 : i32
      %dma_wait3A_767 = tpu.memref_slice %arg4[%dma_wait3A_765, %dma_wait3A_766] : memref<16x1000000xf32, #tpu.memory_space<hbm>> -> memref<16x128xf32, #tpu.memory_space<hbm>>
      tpu.wait_dma2 semaphore(%arg14 : memref<!tpu.dma_semaphore, #tpu.memory_space<semaphore_mem>>) src(%dma_wait3A_767 : memref<16x128xf32, #tpu.memory_space<hbm>>) dst(%dma_wait3A_764 : memref<16x128xf32, #tpu.memory_space<vmem>>)
      %dma_wait3A_768 = arith.constant 0 : i32
      %dma_wait3A_769 = arith.constant 4 : i32
      %dma_wait3A_770 = arith.constant 0 : i32
      %dma_wait3A_771 = arith.constant 0 : i32
      %dma_wait3A_772 = tpu.memref_slice %arg9[%dma_wait3A_768, %dma_wait3A_769, %dma_wait3A_770, %dma_wait3A_771] : memref<2x8x16x128xf32, #tpu.memory_space<vmem>> -> memref<1x1x16x128xf32, #tpu.memory_space<vmem>>
      %dma_wait3A_773 = tpu.memref_squeeze %dma_wait3A_772 : memref<1x1x16x128xf32, #tpu.memory_space<vmem>> -> memref<16x128xf32, #tpu.memory_space<vmem>>
      %dma_wait3A_774 = arith.constant 0 : i32
      %dma_wait3A_775 = arith.constant 0 : i32
      %dma_wait3A_776 = tpu.memref_slice %arg4[%dma_wait3A_774, %dma_wait3A_775] : memref<16x1000000xf32, #tpu.memory_space<hbm>> -> memref<16x128xf32, #tpu.memory_space<hbm>>
      %dma_wait3A_777 = arith.constant 0 : i32
      %dma_wait3A_778 = arith.constant 0 : i32
      %dma_wait3A_779 = tpu.memref_slice %arg9[%dma_wait3A_768, %dma_wait3A_769, %dma_wait3A_777, %dma_wait3A_778] : memref<2x8x16x128xf32, #tpu.memory_space<vmem>> -> memref<1x1x16x128xf32, #tpu.memory_space<vmem>>
      %dma_wait3A_780 = tpu.memref_squeeze %dma_wait3A_779 : memref<1x1x16x128xf32, #tpu.memory_space<vmem>> -> memref<16x128xf32, #tpu.memory_space<vmem>>
      %dma_wait3A_781 = arith.constant 0 : i32
      %dma_wait3A_782 = arith.constant 0 : i32
      %dma_wait3A_783 = tpu.memref_slice %arg4[%dma_wait3A_781, %dma_wait3A_782] : memref<16x1000000xf32, #tpu.memory_space<hbm>> -> memref<16x128xf32, #tpu.memory_space<hbm>>
      tpu.wait_dma2 semaphore(%arg12 : memref<!tpu.dma_semaphore, #tpu.memory_space<semaphore_mem>>) src(%dma_wait3A_783 : memref<16x128xf32, #tpu.memory_space<hbm>>) dst(%dma_wait3A_780 : memref<16x128xf32, #tpu.memory_space<vmem>>)
      %dma_wait3A_784 = arith.constant 0 : i32
      %dma_wait3A_785 = arith.constant 4 : i32
      %dma_wait3A_786 = arith.constant 0 : i32
      %dma_wait3A_787 = arith.constant 0 : i32
      %dma_wait3A_788 = tpu.memref_slice %arg10[%dma_wait3A_784, %dma_wait3A_785, %dma_wait3A_786, %dma_wait3A_787] : memref<2x8x16x128xf32, #tpu.memory_space<vmem>> -> memref<1x1x16x128xf32, #tpu.memory_space<vmem>>
      %dma_wait3A_789 = tpu.memref_squeeze %dma_wait3A_788 : memref<1x1x16x128xf32, #tpu.memory_space<vmem>> -> memref<16x128xf32, #tpu.memory_space<vmem>>
      %dma_wait3A_790 = arith.constant 0 : i32
      %dma_wait3A_791 = arith.constant 0 : i32
      %dma_wait3A_792 = tpu.memref_slice %arg4[%dma_wait3A_790, %dma_wait3A_791] : memref<16x1000000xf32, #tpu.memory_space<hbm>> -> memref<16x128xf32, #tpu.memory_space<hbm>>
      %dma_wait3A_793 = arith.constant 0 : i32
      %dma_wait3A_794 = arith.constant 0 : i32
      %dma_wait3A_795 = tpu.memref_slice %arg10[%dma_wait3A_784, %dma_wait3A_785, %dma_wait3A_793, %dma_wait3A_794] : memref<2x8x16x128xf32, #tpu.memory_space<vmem>> -> memref<1x1x16x128xf32, #tpu.memory_space<vmem>>
      %dma_wait3A_796 = tpu.memref_squeeze %dma_wait3A_795 : memref<1x1x16x128xf32, #tpu.memory_space<vmem>> -> memref<16x128xf32, #tpu.memory_space<vmem>>
      %dma_wait3A_797 = arith.constant 0 : i32
      %dma_wait3A_798 = arith.constant 0 : i32
      %dma_wait3A_799 = tpu.memref_slice %arg4[%dma_wait3A_797, %dma_wait3A_798] : memref<16x1000000xf32, #tpu.memory_space<hbm>> -> memref<16x128xf32, #tpu.memory_space<hbm>>
      tpu.wait_dma2 semaphore(%arg14 : memref<!tpu.dma_semaphore, #tpu.memory_space<semaphore_mem>>) src(%dma_wait3A_799 : memref<16x128xf32, #tpu.memory_space<hbm>>) dst(%dma_wait3A_796 : memref<16x128xf32, #tpu.memory_space<vmem>>)
      %dma_wait3A_800 = arith.constant 0 : i32
      %dma_wait3A_801 = arith.constant 5 : i32
      %dma_wait3A_802 = arith.constant 0 : i32
      %dma_wait3A_803 = arith.constant 0 : i32
      %dma_wait3A_804 = tpu.memref_slice %arg9[%dma_wait3A_800, %dma_wait3A_801, %dma_wait3A_802, %dma_wait3A_803] : memref<2x8x16x128xf32, #tpu.memory_space<vmem>> -> memref<1x1x16x128xf32, #tpu.memory_space<vmem>>
      %dma_wait3A_805 = tpu.memref_squeeze %dma_wait3A_804 : memref<1x1x16x128xf32, #tpu.memory_space<vmem>> -> memref<16x128xf32, #tpu.memory_space<vmem>>
      %dma_wait3A_806 = arith.constant 0 : i32
      %dma_wait3A_807 = arith.constant 0 : i32
      %dma_wait3A_808 = tpu.memref_slice %arg4[%dma_wait3A_806, %dma_wait3A_807] : memref<16x1000000xf32, #tpu.memory_space<hbm>> -> memref<16x128xf32, #tpu.memory_space<hbm>>
      %dma_wait3A_809 = arith.constant 0 : i32
      %dma_wait3A_810 = arith.constant 0 : i32
      %dma_wait3A_811 = tpu.memref_slice %arg9[%dma_wait3A_800, %dma_wait3A_801, %dma_wait3A_809, %dma_wait3A_810] : memref<2x8x16x128xf32, #tpu.memory_space<vmem>> -> memref<1x1x16x128xf32, #tpu.memory_space<vmem>>
      %dma_wait3A_812 = tpu.memref_squeeze %dma_wait3A_811 : memref<1x1x16x128xf32, #tpu.memory_space<vmem>> -> memref<16x128xf32, #tpu.memory_space<vmem>>
      %dma_wait3A_813 = arith.constant 0 : i32
      %dma_wait3A_814 = arith.constant 0 : i32
      %dma_wait3A_815 = tpu.memref_slice %arg4[%dma_wait3A_813, %dma_wait3A_814] : memref<16x1000000xf32, #tpu.memory_space<hbm>> -> memref<16x128xf32, #tpu.memory_space<hbm>>
      tpu.wait_dma2 semaphore(%arg12 : memref<!tpu.dma_semaphore, #tpu.memory_space<semaphore_mem>>) src(%dma_wait3A_815 : memref<16x128xf32, #tpu.memory_space<hbm>>) dst(%dma_wait3A_812 : memref<16x128xf32, #tpu.memory_space<vmem>>)
      %dma_wait3A_816 = arith.constant 0 : i32
      %dma_wait3A_817 = arith.constant 5 : i32
      %dma_wait3A_818 = arith.constant 0 : i32
      %dma_wait3A_819 = arith.constant 0 : i32
      %dma_wait3A_820 = tpu.memref_slice %arg10[%dma_wait3A_816, %dma_wait3A_817, %dma_wait3A_818, %dma_wait3A_819] : memref<2x8x16x128xf32, #tpu.memory_space<vmem>> -> memref<1x1x16x128xf32, #tpu.memory_space<vmem>>
      %dma_wait3A_821 = tpu.memref_squeeze %dma_wait3A_820 : memref<1x1x16x128xf32, #tpu.memory_space<vmem>> -> memref<16x128xf32, #tpu.memory_space<vmem>>
      %dma_wait3A_822 = arith.constant 0 : i32
      %dma_wait3A_823 = arith.constant 0 : i32
      %dma_wait3A_824 = tpu.memref_slice %arg4[%dma_wait3A_822, %dma_wait3A_823] : memref<16x1000000xf32, #tpu.memory_space<hbm>> -> memref<16x128xf32, #tpu.memory_space<hbm>>
      %dma_wait3A_825 = arith.constant 0 : i32
      %dma_wait3A_826 = arith.constant 0 : i32
      %dma_wait3A_827 = tpu.memref_slice %arg10[%dma_wait3A_816, %dma_wait3A_817, %dma_wait3A_825, %dma_wait3A_826] : memref<2x8x16x128xf32, #tpu.memory_space<vmem>> -> memref<1x1x16x128xf32, #tpu.memory_space<vmem>>
      %dma_wait3A_828 = tpu.memref_squeeze %dma_wait3A_827 : memref<1x1x16x128xf32, #tpu.memory_space<vmem>> -> memref<16x128xf32, #tpu.memory_space<vmem>>
      %dma_wait3A_829 = arith.constant 0 : i32
      %dma_wait3A_830 = arith.constant 0 : i32
      %dma_wait3A_831 = tpu.memref_slice %arg4[%dma_wait3A_829, %dma_wait3A_830] : memref<16x1000000xf32, #tpu.memory_space<hbm>> -> memref<16x128xf32, #tpu.memory_space<hbm>>
      tpu.wait_dma2 semaphore(%arg14 : memref<!tpu.dma_semaphore, #tpu.memory_space<semaphore_mem>>) src(%dma_wait3A_831 : memref<16x128xf32, #tpu.memory_space<hbm>>) dst(%dma_wait3A_828 : memref<16x128xf32, #tpu.memory_space<vmem>>)
      %dma_wait3A_832 = arith.constant 0 : i32
      %dma_wait3A_833 = arith.constant 6 : i32
      %dma_wait3A_834 = arith.constant 0 : i32
      %dma_wait3A_835 = arith.constant 0 : i32
      %dma_wait3A_836 = tpu.memref_slice %arg9[%dma_wait3A_832, %dma_wait3A_833, %dma_wait3A_834, %dma_wait3A_835] : memref<2x8x16x128xf32, #tpu.memory_space<vmem>> -> memref<1x1x16x128xf32, #tpu.memory_space<vmem>>
      %dma_wait3A_837 = tpu.memref_squeeze %dma_wait3A_836 : memref<1x1x16x128xf32, #tpu.memory_space<vmem>> -> memref<16x128xf32, #tpu.memory_space<vmem>>
      %dma_wait3A_838 = arith.constant 0 : i32
      %dma_wait3A_839 = arith.constant 0 : i32
      %dma_wait3A_840 = tpu.memref_slice %arg4[%dma_wait3A_838, %dma_wait3A_839] : memref<16x1000000xf32, #tpu.memory_space<hbm>> -> memref<16x128xf32, #tpu.memory_space<hbm>>
      %dma_wait3A_841 = arith.constant 0 : i32
      %dma_wait3A_842 = arith.constant 0 : i32
      %dma_wait3A_843 = tpu.memref_slice %arg9[%dma_wait3A_832, %dma_wait3A_833, %dma_wait3A_841, %dma_wait3A_842] : memref<2x8x16x128xf32, #tpu.memory_space<vmem>> -> memref<1x1x16x128xf32, #tpu.memory_space<vmem>>
      %dma_wait3A_844 = tpu.memref_squeeze %dma_wait3A_843 : memref<1x1x16x128xf32, #tpu.memory_space<vmem>> -> memref<16x128xf32, #tpu.memory_space<vmem>>
      %dma_wait3A_845 = arith.constant 0 : i32
      %dma_wait3A_846 = arith.constant 0 : i32
      %dma_wait3A_847 = tpu.memref_slice %arg4[%dma_wait3A_845, %dma_wait3A_846] : memref<16x1000000xf32, #tpu.memory_space<hbm>> -> memref<16x128xf32, #tpu.memory_space<hbm>>
      tpu.wait_dma2 semaphore(%arg12 : memref<!tpu.dma_semaphore, #tpu.memory_space<semaphore_mem>>) src(%dma_wait3A_847 : memref<16x128xf32, #tpu.memory_space<hbm>>) dst(%dma_wait3A_844 : memref<16x128xf32, #tpu.memory_space<vmem>>)
      %dma_wait3A_848 = arith.constant 0 : i32
      %dma_wait3A_849 = arith.constant 6 : i32
      %dma_wait3A_850 = arith.constant 0 : i32
      %dma_wait3A_851 = arith.constant 0 : i32
      %dma_wait3A_852 = tpu.memref_slice %arg10[%dma_wait3A_848, %dma_wait3A_849, %dma_wait3A_850, %dma_wait3A_851] : memref<2x8x16x128xf32, #tpu.memory_space<vmem>> -> memref<1x1x16x128xf32, #tpu.memory_space<vmem>>
      %dma_wait3A_853 = tpu.memref_squeeze %dma_wait3A_852 : memref<1x1x16x128xf32, #tpu.memory_space<vmem>> -> memref<16x128xf32, #tpu.memory_space<vmem>>
      %dma_wait3A_854 = arith.constant 0 : i32
      %dma_wait3A_855 = arith.constant 0 : i32
      %dma_wait3A_856 = tpu.memref_slice %arg4[%dma_wait3A_854, %dma_wait3A_855] : memref<16x1000000xf32, #tpu.memory_space<hbm>> -> memref<16x128xf32, #tpu.memory_space<hbm>>
      %dma_wait3A_857 = arith.constant 0 : i32
      %dma_wait3A_858 = arith.constant 0 : i32
      %dma_wait3A_859 = tpu.memref_slice %arg10[%dma_wait3A_848, %dma_wait3A_849, %dma_wait3A_857, %dma_wait3A_858] : memref<2x8x16x128xf32, #tpu.memory_space<vmem>> -> memref<1x1x16x128xf32, #tpu.memory_space<vmem>>
      %dma_wait3A_860 = tpu.memref_squeeze %dma_wait3A_859 : memref<1x1x16x128xf32, #tpu.memory_space<vmem>> -> memref<16x128xf32, #tpu.memory_space<vmem>>
      %dma_wait3A_861 = arith.constant 0 : i32
      %dma_wait3A_862 = arith.constant 0 : i32
      %dma_wait3A_863 = tpu.memref_slice %arg4[%dma_wait3A_861, %dma_wait3A_862] : memref<16x1000000xf32, #tpu.memory_space<hbm>> -> memref<16x128xf32, #tpu.memory_space<hbm>>
      tpu.wait_dma2 semaphore(%arg14 : memref<!tpu.dma_semaphore, #tpu.memory_space<semaphore_mem>>) src(%dma_wait3A_863 : memref<16x128xf32, #tpu.memory_space<hbm>>) dst(%dma_wait3A_860 : memref<16x128xf32, #tpu.memory_space<vmem>>)
      %dma_wait3A_864 = arith.constant 0 : i32
      %dma_wait3A_865 = arith.constant 7 : i32
      %dma_wait3A_866 = arith.constant 0 : i32
      %dma_wait3A_867 = arith.constant 0 : i32
      %dma_wait3A_868 = tpu.memref_slice %arg9[%dma_wait3A_864, %dma_wait3A_865, %dma_wait3A_866, %dma_wait3A_867] : memref<2x8x16x128xf32, #tpu.memory_space<vmem>> -> memref<1x1x16x128xf32, #tpu.memory_space<vmem>>
      %dma_wait3A_869 = tpu.memref_squeeze %dma_wait3A_868 : memref<1x1x16x128xf32, #tpu.memory_space<vmem>> -> memref<16x128xf32, #tpu.memory_space<vmem>>
      %dma_wait3A_870 = arith.constant 0 : i32
      %dma_wait3A_871 = arith.constant 0 : i32
      %dma_wait3A_872 = tpu.memref_slice %arg4[%dma_wait3A_870, %dma_wait3A_871] : memref<16x1000000xf32, #tpu.memory_space<hbm>> -> memref<16x128xf32, #tpu.memory_space<hbm>>
      %dma_wait3A_873 = arith.constant 0 : i32
      %dma_wait3A_874 = arith.constant 0 : i32
      %dma_wait3A_875 = tpu.memref_slice %arg9[%dma_wait3A_864, %dma_wait3A_865, %dma_wait3A_873, %dma_wait3A_874] : memref<2x8x16x128xf32, #tpu.memory_space<vmem>> -> memref<1x1x16x128xf32, #tpu.memory_space<vmem>>
      %dma_wait3A_876 = tpu.memref_squeeze %dma_wait3A_875 : memref<1x1x16x128xf32, #tpu.memory_space<vmem>> -> memref<16x128xf32, #tpu.memory_space<vmem>>
      %dma_wait3A_877 = arith.constant 0 : i32
      %dma_wait3A_878 = arith.constant 0 : i32
      %dma_wait3A_879 = tpu.memref_slice %arg4[%dma_wait3A_877, %dma_wait3A_878] : memref<16x1000000xf32, #tpu.memory_space<hbm>> -> memref<16x128xf32, #tpu.memory_space<hbm>>
      tpu.wait_dma2 semaphore(%arg12 : memref<!tpu.dma_semaphore, #tpu.memory_space<semaphore_mem>>) src(%dma_wait3A_879 : memref<16x128xf32, #tpu.memory_space<hbm>>) dst(%dma_wait3A_876 : memref<16x128xf32, #tpu.memory_space<vmem>>)
      %dma_wait3A_880 = arith.constant 0 : i32
      %dma_wait3A_881 = arith.constant 7 : i32
      %dma_wait3A_882 = arith.constant 0 : i32
      %dma_wait3A_883 = arith.constant 0 : i32
      %dma_wait3A_884 = tpu.memref_slice %arg10[%dma_wait3A_880, %dma_wait3A_881, %dma_wait3A_882, %dma_wait3A_883] : memref<2x8x16x128xf32, #tpu.memory_space<vmem>> -> memref<1x1x16x128xf32, #tpu.memory_space<vmem>>
      %dma_wait3A_885 = tpu.memref_squeeze %dma_wait3A_884 : memref<1x1x16x128xf32, #tpu.memory_space<vmem>> -> memref<16x128xf32, #tpu.memory_space<vmem>>
      %dma_wait3A_886 = arith.constant 0 : i32
      %dma_wait3A_887 = arith.constant 0 : i32
      %dma_wait3A_888 = tpu.memref_slice %arg4[%dma_wait3A_886, %dma_wait3A_887] : memref<16x1000000xf32, #tpu.memory_space<hbm>> -> memref<16x128xf32, #tpu.memory_space<hbm>>
      %dma_wait3A_889 = arith.constant 0 : i32
      %dma_wait3A_890 = arith.constant 0 : i32
      %dma_wait3A_891 = tpu.memref_slice %arg10[%dma_wait3A_880, %dma_wait3A_881, %dma_wait3A_889, %dma_wait3A_890] : memref<2x8x16x128xf32, #tpu.memory_space<vmem>> -> memref<1x1x16x128xf32, #tpu.memory_space<vmem>>
      %dma_wait3A_892 = tpu.memref_squeeze %dma_wait3A_891 : memref<1x1x16x128xf32, #tpu.memory_space<vmem>> -> memref<16x128xf32, #tpu.memory_space<vmem>>
      %dma_wait3A_893 = arith.constant 0 : i32
      %dma_wait3A_894 = arith.constant 0 : i32
      %dma_wait3A_895 = tpu.memref_slice %arg4[%dma_wait3A_893, %dma_wait3A_894] : memref<16x1000000xf32, #tpu.memory_space<hbm>> -> memref<16x128xf32, #tpu.memory_space<hbm>>
      tpu.wait_dma2 semaphore(%arg14 : memref<!tpu.dma_semaphore, #tpu.memory_space<semaphore_mem>>) src(%dma_wait3A_895 : memref<16x128xf32, #tpu.memory_space<hbm>>) dst(%dma_wait3A_892 : memref<16x128xf32, #tpu.memory_space<vmem>>)
      %mul3A_896 = arith.constant 2 : i32
      %mul3A_897 = arith.muli %mul3A_896, %scan3A_318 : i32
      %mul3A_898 = arith.constant 8 : i32
      %mul3A_899 = arith.muli %mul3A_897, %mul3A_898 : i32
      %add3A_900 = vector.broadcast %mul3A_899 : i32 to vector<16xi32>
      %add3A_901 = arith.addi %add3A_900, %and3A_4 : vector<16xi32>
      %gather3A = tpu.vector_load_idx %arg7[%add3A_901] : memref<528xi32, #tpu.memory_space<vmem>>[vector<16xi32>], vector<16xi32>,
      %and3A_902 = arith.constant 127 : i32
      %and3A_903 = vector.broadcast %and3A_902 : i32 to vector<16xi32>
      %and3A_904 = arith.andi %gather3A, %and3A_903 : vector<16xi32>
      %mul3A_905 = arith.constant 8 : i32
      %mul3A_906 = arith.muli %mul3A_897, %mul3A_905 : i32
      %add3A_907 = vector.broadcast %mul3A_906 : i32 to vector<16xi32>
      %add3A_908 = arith.addi %add3A_907, %and3A_4 : vector<16xi32>
      %gather3A_909 = tpu.vector_load_idx %arg8[%add3A_908] : memref<528xi32, #tpu.memory_space<vmem>>[vector<16xi32>], vector<16xi32>,
      %and3A_910 = arith.constant 127 : i32
      %and3A_911 = vector.broadcast %and3A_910 : i32 to vector<16xi32>
      %and3A_912 = arith.andi %gather3A_909, %and3A_911 : vector<16xi32>
      %broadcast_in_dim3A = arith.constant 0.000000e+00 : f32
      %broadcast_in_dim3A_913 = vector.broadcast %broadcast_in_dim3A : f32 to vector<16xf32>
      %broadcast_in_dim3A_914 = arith.constant 0 : i32
      %broadcast_in_dim3A_915 = vector.broadcast %broadcast_in_dim3A_914 : i32 to vector<16xi32>
      %gather3A_916 = arith.constant 0 : i32
      %gather3A_917 = arith.constant 0 : i32
      %gather3A_918 = arith.constant 0 : i32
      %gather3A_919 = arith.constant 0 : i32
      %gather3A_920 = tpu.memref_slice %arg9[%gather3A_916, %gather3A_917, %gather3A_918, %gather3A_919] : memref<2x8x16x128xf32, #tpu.memory_space<vmem>> -> memref<1x8x16x128xf32, #tpu.memory_space<vmem>>
      %gather3A_921 = tpu.memref_squeeze %gather3A_920 : memref<1x8x16x128xf32, #tpu.memory_space<vmem>> -> memref<8x16x128xf32, #tpu.memory_space<vmem>>
      %gather3A_922 = tpu.vector_load_idx %gather3A_921[%and3A_4, %broadcast_in_dim3A_915, %and3A_904] : memref<8x16x128xf32, #tpu.memory_space<vmem>>[vector<16xi32>, vector<16xi32>, vector<16xi32>], vector<16xf32>,
      %gather3A_923 = arith.constant 0 : i32
      %gather3A_924 = arith.constant 0 : i32
      %gather3A_925 = arith.constant 0 : i32
      %gather3A_926 = arith.constant 0 : i32
      %gather3A_927 = tpu.memref_slice %arg10[%gather3A_923, %gather3A_924, %gather3A_925, %gather3A_926] : memref<2x8x16x128xf32, #tpu.memory_space<vmem>> -> memref<1x8x16x128xf32, #tpu.memory_space<vmem>>
      %gather3A_928 = tpu.memref_squeeze %gather3A_927 : memref<1x8x16x128xf32, #tpu.memory_space<vmem>> -> memref<8x16x128xf32, #tpu.memory_space<vmem>>
      %gather3A_929 = tpu.vector_load_idx %gather3A_928[%and3A_4, %broadcast_in_dim3A_915, %and3A_912] : memref<8x16x128xf32, #tpu.memory_space<vmem>>[vector<16xi32>, vector<16xi32>, vector<16xi32>], vector<16xf32>,
      %mul3A_930 = arith.mulf %gather3A_922, %gather3A_929 : vector<16xf32>
      %add3A_931 = arith.addf %broadcast_in_dim3A_913, %mul3A_930 : vector<16xf32>
      %broadcast_in_dim3A_932 = arith.constant 1 : i32
      %broadcast_in_dim3A_933 = vector.broadcast %broadcast_in_dim3A_932 : i32 to vector<16xi32>
      %gather3A_934 = arith.constant 0 : i32
      %gather3A_935 = arith.constant 0 : i32
      %gather3A_936 = arith.constant 0 : i32
      %gather3A_937 = arith.constant 0 : i32
      %gather3A_938 = tpu.memref_slice %arg9[%gather3A_934, %gather3A_935, %gather3A_936, %gather3A_937] : memref<2x8x16x128xf32, #tpu.memory_space<vmem>> -> memref<1x8x16x128xf32, #tpu.memory_space<vmem>>
      %gather3A_939 = tpu.memref_squeeze %gather3A_938 : memref<1x8x16x128xf32, #tpu.memory_space<vmem>> -> memref<8x16x128xf32, #tpu.memory_space<vmem>>
      %gather3A_940 = tpu.vector_load_idx %gather3A_939[%and3A_4, %broadcast_in_dim3A_933, %and3A_904] : memref<8x16x128xf32, #tpu.memory_space<vmem>>[vector<16xi32>, vector<16xi32>, vector<16xi32>], vector<16xf32>,
      %gather3A_941 = arith.constant 0 : i32
      %gather3A_942 = arith.constant 0 : i32
      %gather3A_943 = arith.constant 0 : i32
      %gather3A_944 = arith.constant 0 : i32
      %gather3A_945 = tpu.memref_slice %arg10[%gather3A_941, %gather3A_942, %gather3A_943, %gather3A_944] : memref<2x8x16x128xf32, #tpu.memory_space<vmem>> -> memref<1x8x16x128xf32, #tpu.memory_space<vmem>>
      %gather3A_946 = tpu.memref_squeeze %gather3A_945 : memref<1x8x16x128xf32, #tpu.memory_space<vmem>> -> memref<8x16x128xf32, #tpu.memory_space<vmem>>
      %gather3A_947 = tpu.vector_load_idx %gather3A_946[%and3A_4, %broadcast_in_dim3A_933, %and3A_912] : memref<8x16x128xf32, #tpu.memory_space<vmem>>[vector<16xi32>, vector<16xi32>, vector<16xi32>], vector<16xf32>,
      %mul3A_948 = arith.mulf %gather3A_940, %gather3A_947 : vector<16xf32>
      %add3A_949 = arith.addf %add3A_931, %mul3A_948 : vector<16xf32>
      %broadcast_in_dim3A_950 = arith.constant 2 : i32
      %broadcast_in_dim3A_951 = vector.broadcast %broadcast_in_dim3A_950 : i32 to vector<16xi32>
      %gather3A_952 = arith.constant 0 : i32
      %gather3A_953 = arith.constant 0 : i32
      %gather3A_954 = arith.constant 0 : i32
      %gather3A_955 = arith.constant 0 : i32
      %gather3A_956 = tpu.memref_slice %arg9[%gather3A_952, %gather3A_953, %gather3A_954, %gather3A_955] : memref<2x8x16x128xf32, #tpu.memory_space<vmem>> -> memref<1x8x16x128xf32, #tpu.memory_space<vmem>>
      %gather3A_957 = tpu.memref_squeeze %gather3A_956 : memref<1x8x16x128xf32, #tpu.memory_space<vmem>> -> memref<8x16x128xf32, #tpu.memory_space<vmem>>
      %gather3A_958 = tpu.vector_load_idx %gather3A_957[%and3A_4, %broadcast_in_dim3A_951, %and3A_904] : memref<8x16x128xf32, #tpu.memory_space<vmem>>[vector<16xi32>, vector<16xi32>, vector<16xi32>], vector<16xf32>,
      %gather3A_959 = arith.constant 0 : i32
      %gather3A_960 = arith.constant 0 : i32
      %gather3A_961 = arith.constant 0 : i32
      %gather3A_962 = arith.constant 0 : i32
      %gather3A_963 = tpu.memref_slice %arg10[%gather3A_959, %gather3A_960, %gather3A_961, %gather3A_962] : memref<2x8x16x128xf32, #tpu.memory_space<vmem>> -> memref<1x8x16x128xf32, #tpu.memory_space<vmem>>
      %gather3A_964 = tpu.memref_squeeze %gather3A_963 : memref<1x8x16x128xf32, #tpu.memory_space<vmem>> -> memref<8x16x128xf32, #tpu.memory_space<vmem>>
      %gather3A_965 = tpu.vector_load_idx %gather3A_964[%and3A_4, %broadcast_in_dim3A_951, %and3A_912] : memref<8x16x128xf32, #tpu.memory_space<vmem>>[vector<16xi32>, vector<16xi32>, vector<16xi32>], vector<16xf32>,
      %mul3A_966 = arith.mulf %gather3A_958, %gather3A_965 : vector<16xf32>
      %add3A_967 = arith.addf %add3A_949, %mul3A_966 : vector<16xf32>
      %broadcast_in_dim3A_968 = arith.constant 3 : i32
      %broadcast_in_dim3A_969 = vector.broadcast %broadcast_in_dim3A_968 : i32 to vector<16xi32>
      %gather3A_970 = arith.constant 0 : i32
      %gather3A_971 = arith.constant 0 : i32
      %gather3A_972 = arith.constant 0 : i32
      %gather3A_973 = arith.constant 0 : i32
      %gather3A_974 = tpu.memref_slice %arg9[%gather3A_970, %gather3A_971, %gather3A_972, %gather3A_973] : memref<2x8x16x128xf32, #tpu.memory_space<vmem>> -> memref<1x8x16x128xf32, #tpu.memory_space<vmem>>
      %gather3A_975 = tpu.memref_squeeze %gather3A_974 : memref<1x8x16x128xf32, #tpu.memory_space<vmem>> -> memref<8x16x128xf32, #tpu.memory_space<vmem>>
      %gather3A_976 = tpu.vector_load_idx %gather3A_975[%and3A_4, %broadcast_in_dim3A_969, %and3A_904] : memref<8x16x128xf32, #tpu.memory_space<vmem>>[vector<16xi32>, vector<16xi32>, vector<16xi32>], vector<16xf32>,
      %gather3A_977 = arith.constant 0 : i32
      %gather3A_978 = arith.constant 0 : i32
      %gather3A_979 = arith.constant 0 : i32
      %gather3A_980 = arith.constant 0 : i32
      %gather3A_981 = tpu.memref_slice %arg10[%gather3A_977, %gather3A_978, %gather3A_979, %gather3A_980] : memref<2x8x16x128xf32, #tpu.memory_space<vmem>> -> memref<1x8x16x128xf32, #tpu.memory_space<vmem>>
      %gather3A_982 = tpu.memref_squeeze %gather3A_981 : memref<1x8x16x128xf32, #tpu.memory_space<vmem>> -> memref<8x16x128xf32, #tpu.memory_space<vmem>>
      %gather3A_983 = tpu.vector_load_idx %gather3A_982[%and3A_4, %broadcast_in_dim3A_969, %and3A_912] : memref<8x16x128xf32, #tpu.memory_space<vmem>>[vector<16xi32>, vector<16xi32>, vector<16xi32>], vector<16xf32>,
      %mul3A_984 = arith.mulf %gather3A_976, %gather3A_983 : vector<16xf32>
      %add3A_985 = arith.addf %add3A_967, %mul3A_984 : vector<16xf32>
      %broadcast_in_dim3A_986 = arith.constant 4 : i32
      %broadcast_in_dim3A_987 = vector.broadcast %broadcast_in_dim3A_986 : i32 to vector<16xi32>
      %gather3A_988 = arith.constant 0 : i32
      %gather3A_989 = arith.constant 0 : i32
      %gather3A_990 = arith.constant 0 : i32
      %gather3A_991 = arith.constant 0 : i32
      %gather3A_992 = tpu.memref_slice %arg9[%gather3A_988, %gather3A_989, %gather3A_990, %gather3A_991] : memref<2x8x16x128xf32, #tpu.memory_space<vmem>> -> memref<1x8x16x128xf32, #tpu.memory_space<vmem>>
      %gather3A_993 = tpu.memref_squeeze %gather3A_992 : memref<1x8x16x128xf32, #tpu.memory_space<vmem>> -> memref<8x16x128xf32, #tpu.memory_space<vmem>>
      %gather3A_994 = tpu.vector_load_idx %gather3A_993[%and3A_4, %broadcast_in_dim3A_987, %and3A_904] : memref<8x16x128xf32, #tpu.memory_space<vmem>>[vector<16xi32>, vector<16xi32>, vector<16xi32>], vector<16xf32>,
      %gather3A_995 = arith.constant 0 : i32
      %gather3A_996 = arith.constant 0 : i32
      %gather3A_997 = arith.constant 0 : i32
      %gather3A_998 = arith.constant 0 : i32
      %gather3A_999 = tpu.memref_slice %arg10[%gather3A_995, %gather3A_996, %gather3A_997, %gather3A_998] : memref<2x8x16x128xf32, #tpu.memory_space<vmem>> -> memref<1x8x16x128xf32, #tpu.memory_space<vmem>>
      %gather3A_1000 = tpu.memref_squeeze %gather3A_999 : memref<1x8x16x128xf32, #tpu.memory_space<vmem>> -> memref<8x16x128xf32, #tpu.memory_space<vmem>>
      %gather3A_1001 = tpu.vector_load_idx %gather3A_1000[%and3A_4, %broadcast_in_dim3A_987, %and3A_912] : memref<8x16x128xf32, #tpu.memory_space<vmem>>[vector<16xi32>, vector<16xi32>, vector<16xi32>], vector<16xf32>,
      %mul3A_1002 = arith.mulf %gather3A_994, %gather3A_1001 : vector<16xf32>
      %add3A_1003 = arith.addf %add3A_985, %mul3A_1002 : vector<16xf32>
      %broadcast_in_dim3A_1004 = arith.constant 5 : i32
      %broadcast_in_dim3A_1005 = vector.broadcast %broadcast_in_dim3A_1004 : i32 to vector<16xi32>
      %gather3A_1006 = arith.constant 0 : i32
      %gather3A_1007 = arith.constant 0 : i32
      %gather3A_1008 = arith.constant 0 : i32
      %gather3A_1009 = arith.constant 0 : i32
      %gather3A_1010 = tpu.memref_slice %arg9[%gather3A_1006, %gather3A_1007, %gather3A_1008, %gather3A_1009] : memref<2x8x16x128xf32, #tpu.memory_space<vmem>> -> memref<1x8x16x128xf32, #tpu.memory_space<vmem>>
      %gather3A_1011 = tpu.memref_squeeze %gather3A_1010 : memref<1x8x16x128xf32, #tpu.memory_space<vmem>> -> memref<8x16x128xf32, #tpu.memory_space<vmem>>
      %gather3A_1012 = tpu.vector_load_idx %gather3A_1011[%and3A_4, %broadcast_in_dim3A_1005, %and3A_904] : memref<8x16x128xf32, #tpu.memory_space<vmem>>[vector<16xi32>, vector<16xi32>, vector<16xi32>], vector<16xf32>,
      %gather3A_1013 = arith.constant 0 : i32
      %gather3A_1014 = arith.constant 0 : i32
      %gather3A_1015 = arith.constant 0 : i32
      %gather3A_1016 = arith.constant 0 : i32
      %gather3A_1017 = tpu.memref_slice %arg10[%gather3A_1013, %gather3A_1014, %gather3A_1015, %gather3A_1016] : memref<2x8x16x128xf32, #tpu.memory_space<vmem>> -> memref<1x8x16x128xf32, #tpu.memory_space<vmem>>
      %gather3A_1018 = tpu.memref_squeeze %gather3A_1017 : memref<1x8x16x128xf32, #tpu.memory_space<vmem>> -> memref<8x16x128xf32, #tpu.memory_space<vmem>>
      %gather3A_1019 = tpu.vector_load_idx %gather3A_1018[%and3A_4, %broadcast_in_dim3A_1005, %and3A_912] : memref<8x16x128xf32, #tpu.memory_space<vmem>>[vector<16xi32>, vector<16xi32>, vector<16xi32>], vector<16xf32>,
      %mul3A_1020 = arith.mulf %gather3A_1012, %gather3A_1019 : vector<16xf32>
      %add3A_1021 = arith.addf %add3A_1003, %mul3A_1020 : vector<16xf32>
      %broadcast_in_dim3A_1022 = arith.constant 6 : i32
      %broadcast_in_dim3A_1023 = vector.broadcast %broadcast_in_dim3A_1022 : i32 to vector<16xi32>
      %gather3A_1024 = arith.constant 0 : i32
      %gather3A_1025 = arith.constant 0 : i32
      %gather3A_1026 = arith.constant 0 : i32
      %gather3A_1027 = arith.constant 0 : i32
      %gather3A_1028 = tpu.memref_slice %arg9[%gather3A_1024, %gather3A_1025, %gather3A_1026, %gather3A_1027] : memref<2x8x16x128xf32, #tpu.memory_space<vmem>> -> memref<1x8x16x128xf32, #tpu.memory_space<vmem>>
      %gather3A_1029 = tpu.memref_squeeze %gather3A_1028 : memref<1x8x16x128xf32, #tpu.memory_space<vmem>> -> memref<8x16x128xf32, #tpu.memory_space<vmem>>
      %gather3A_1030 = tpu.vector_load_idx %gather3A_1029[%and3A_4, %broadcast_in_dim3A_1023, %and3A_904] : memref<8x16x128xf32, #tpu.memory_space<vmem>>[vector<16xi32>, vector<16xi32>, vector<16xi32>], vector<16xf32>,
      %gather3A_1031 = arith.constant 0 : i32
      %gather3A_1032 = arith.constant 0 : i32
      %gather3A_1033 = arith.constant 0 : i32
      %gather3A_1034 = arith.constant 0 : i32
      %gather3A_1035 = tpu.memref_slice %arg10[%gather3A_1031, %gather3A_1032, %gather3A_1033, %gather3A_1034] : memref<2x8x16x128xf32, #tpu.memory_space<vmem>> -> memref<1x8x16x128xf32, #tpu.memory_space<vmem>>
      %gather3A_1036 = tpu.memref_squeeze %gather3A_1035 : memref<1x8x16x128xf32, #tpu.memory_space<vmem>> -> memref<8x16x128xf32, #tpu.memory_space<vmem>>
      %gather3A_1037 = tpu.vector_load_idx %gather3A_1036[%and3A_4, %broadcast_in_dim3A_1023, %and3A_912] : memref<8x16x128xf32, #tpu.memory_space<vmem>>[vector<16xi32>, vector<16xi32>, vector<16xi32>], vector<16xf32>,
      %mul3A_1038 = arith.mulf %gather3A_1030, %gather3A_1037 : vector<16xf32>
      %add3A_1039 = arith.addf %add3A_1021, %mul3A_1038 : vector<16xf32>
      %broadcast_in_dim3A_1040 = arith.constant 7 : i32
      %broadcast_in_dim3A_1041 = vector.broadcast %broadcast_in_dim3A_1040 : i32 to vector<16xi32>
      %gather3A_1042 = arith.constant 0 : i32
      %gather3A_1043 = arith.constant 0 : i32
      %gather3A_1044 = arith.constant 0 : i32
      %gather3A_1045 = arith.constant 0 : i32
      %gather3A_1046 = tpu.memref_slice %arg9[%gather3A_1042, %gather3A_1043, %gather3A_1044, %gather3A_1045] : memref<2x8x16x128xf32, #tpu.memory_space<vmem>> -> memref<1x8x16x128xf32, #tpu.memory_space<vmem>>
      %gather3A_1047 = tpu.memref_squeeze %gather3A_1046 : memref<1x8x16x128xf32, #tpu.memory_space<vmem>> -> memref<8x16x128xf32, #tpu.memory_space<vmem>>
      %gather3A_1048 = tpu.vector_load_idx %gather3A_1047[%and3A_4, %broadcast_in_dim3A_1041, %and3A_904] : memref<8x16x128xf32, #tpu.memory_space<vmem>>[vector<16xi32>, vector<16xi32>, vector<16xi32>], vector<16xf32>,
      %gather3A_1049 = arith.constant 0 : i32
      %gather3A_1050 = arith.constant 0 : i32
      %gather3A_1051 = arith.constant 0 : i32
      %gather3A_1052 = arith.constant 0 : i32
      %gather3A_1053 = tpu.memref_slice %arg10[%gather3A_1049, %gather3A_1050, %gather3A_1051, %gather3A_1052] : memref<2x8x16x128xf32, #tpu.memory_space<vmem>> -> memref<1x8x16x128xf32, #tpu.memory_space<vmem>>
      %gather3A_1054 = tpu.memref_squeeze %gather3A_1053 : memref<1x8x16x128xf32, #tpu.memory_space<vmem>> -> memref<8x16x128xf32, #tpu.memory_space<vmem>>
      %gather3A_1055 = tpu.vector_load_idx %gather3A_1054[%and3A_4, %broadcast_in_dim3A_1041, %and3A_912] : memref<8x16x128xf32, #tpu.memory_space<vmem>>[vector<16xi32>, vector<16xi32>, vector<16xi32>], vector<16xf32>,
      %mul3A_1056 = arith.mulf %gather3A_1048, %gather3A_1055 : vector<16xf32>
      %add3A_1057 = arith.addf %add3A_1039, %mul3A_1056 : vector<16xf32>
      %broadcast_in_dim3A_1058 = arith.constant 8 : i32
      %broadcast_in_dim3A_1059 = vector.broadcast %broadcast_in_dim3A_1058 : i32 to vector<16xi32>
      %gather3A_1060 = arith.constant 0 : i32
      %gather3A_1061 = arith.constant 0 : i32
      %gather3A_1062 = arith.constant 0 : i32
      %gather3A_1063 = arith.constant 0 : i32
      %gather3A_1064 = tpu.memref_slice %arg9[%gather3A_1060, %gather3A_1061, %gather3A_1062, %gather3A_1063] : memref<2x8x16x128xf32, #tpu.memory_space<vmem>> -> memref<1x8x16x128xf32, #tpu.memory_space<vmem>>
      %gather3A_1065 = tpu.memref_squeeze %gather3A_1064 : memref<1x8x16x128xf32, #tpu.memory_space<vmem>> -> memref<8x16x128xf32, #tpu.memory_space<vmem>>
      %gather3A_1066 = tpu.vector_load_idx %gather3A_1065[%and3A_4, %broadcast_in_dim3A_1059, %and3A_904] : memref<8x16x128xf32, #tpu.memory_space<vmem>>[vector<16xi32>, vector<16xi32>, vector<16xi32>], vector<16xf32>,
      %gather3A_1067 = arith.constant 0 : i32
      %gather3A_1068 = arith.constant 0 : i32
      %gather3A_1069 = arith.constant 0 : i32
      %gather3A_1070 = arith.constant 0 : i32
      %gather3A_1071 = tpu.memref_slice %arg10[%gather3A_1067, %gather3A_1068, %gather3A_1069, %gather3A_1070] : memref<2x8x16x128xf32, #tpu.memory_space<vmem>> -> memref<1x8x16x128xf32, #tpu.memory_space<vmem>>
      %gather3A_1072 = tpu.memref_squeeze %gather3A_1071 : memref<1x8x16x128xf32, #tpu.memory_space<vmem>> -> memref<8x16x128xf32, #tpu.memory_space<vmem>>
      %gather3A_1073 = tpu.vector_load_idx %gather3A_1072[%and3A_4, %broadcast_in_dim3A_1059, %and3A_912] : memref<8x16x128xf32, #tpu.memory_space<vmem>>[vector<16xi32>, vector<16xi32>, vector<16xi32>], vector<16xf32>,
      %mul3A_1074 = arith.mulf %gather3A_1066, %gather3A_1073 : vector<16xf32>
      %add3A_1075 = arith.addf %add3A_1057, %mul3A_1074 : vector<16xf32>
      %broadcast_in_dim3A_1076 = arith.constant 9 : i32
      %broadcast_in_dim3A_1077 = vector.broadcast %broadcast_in_dim3A_1076 : i32 to vector<16xi32>
      %gather3A_1078 = arith.constant 0 : i32
      %gather3A_1079 = arith.constant 0 : i32
      %gather3A_1080 = arith.constant 0 : i32
      %gather3A_1081 = arith.constant 0 : i32
      %gather3A_1082 = tpu.memref_slice %arg9[%gather3A_1078, %gather3A_1079, %gather3A_1080, %gather3A_1081] : memref<2x8x16x128xf32, #tpu.memory_space<vmem>> -> memref<1x8x16x128xf32, #tpu.memory_space<vmem>>
      %gather3A_1083 = tpu.memref_squeeze %gather3A_1082 : memref<1x8x16x128xf32, #tpu.memory_space<vmem>> -> memref<8x16x128xf32, #tpu.memory_space<vmem>>
      %gather3A_1084 = tpu.vector_load_idx %gather3A_1083[%and3A_4, %broadcast_in_dim3A_1077, %and3A_904] : memref<8x16x128xf32, #tpu.memory_space<vmem>>[vector<16xi32>, vector<16xi32>, vector<16xi32>], vector<16xf32>,
      %gather3A_1085 = arith.constant 0 : i32
      %gather3A_1086 = arith.constant 0 : i32
      %gather3A_1087 = arith.constant 0 : i32
      %gather3A_1088 = arith.constant 0 : i32
      %gather3A_1089 = tpu.memref_slice %arg10[%gather3A_1085, %gather3A_1086, %gather3A_1087, %gather3A_1088] : memref<2x8x16x128xf32, #tpu.memory_space<vmem>> -> memref<1x8x16x128xf32, #tpu.memory_space<vmem>>
      %gather3A_1090 = tpu.memref_squeeze %gather3A_1089 : memref<1x8x16x128xf32, #tpu.memory_space<vmem>> -> memref<8x16x128xf32, #tpu.memory_space<vmem>>
      %gather3A_1091 = tpu.vector_load_idx %gather3A_1090[%and3A_4, %broadcast_in_dim3A_1077, %and3A_912] : memref<8x16x128xf32, #tpu.memory_space<vmem>>[vector<16xi32>, vector<16xi32>, vector<16xi32>], vector<16xf32>,
      %mul3A_1092 = arith.mulf %gather3A_1084, %gather3A_1091 : vector<16xf32>
      %add3A_1093 = arith.addf %add3A_1075, %mul3A_1092 : vector<16xf32>
      %broadcast_in_dim3A_1094 = arith.constant 10 : i32
      %broadcast_in_dim3A_1095 = vector.broadcast %broadcast_in_dim3A_1094 : i32 to vector<16xi32>
      %gather3A_1096 = arith.constant 0 : i32
      %gather3A_1097 = arith.constant 0 : i32
      %gather3A_1098 = arith.constant 0 : i32
      %gather3A_1099 = arith.constant 0 : i32
      %gather3A_1100 = tpu.memref_slice %arg9[%gather3A_1096, %gather3A_1097, %gather3A_1098, %gather3A_1099] : memref<2x8x16x128xf32, #tpu.memory_space<vmem>> -> memref<1x8x16x128xf32, #tpu.memory_space<vmem>>
      %gather3A_1101 = tpu.memref_squeeze %gather3A_1100 : memref<1x8x16x128xf32, #tpu.memory_space<vmem>> -> memref<8x16x128xf32, #tpu.memory_space<vmem>>
      %gather3A_1102 = tpu.vector_load_idx %gather3A_1101[%and3A_4, %broadcast_in_dim3A_1095, %and3A_904] : memref<8x16x128xf32, #tpu.memory_space<vmem>>[vector<16xi32>, vector<16xi32>, vector<16xi32>], vector<16xf32>,
      %gather3A_1103 = arith.constant 0 : i32
      %gather3A_1104 = arith.constant 0 : i32
      %gather3A_1105 = arith.constant 0 : i32
      %gather3A_1106 = arith.constant 0 : i32
      %gather3A_1107 = tpu.memref_slice %arg10[%gather3A_1103, %gather3A_1104, %gather3A_1105, %gather3A_1106] : memref<2x8x16x128xf32, #tpu.memory_space<vmem>> -> memref<1x8x16x128xf32, #tpu.memory_space<vmem>>
      %gather3A_1108 = tpu.memref_squeeze %gather3A_1107 : memref<1x8x16x128xf32, #tpu.memory_space<vmem>> -> memref<8x16x128xf32, #tpu.memory_space<vmem>>
      %gather3A_1109 = tpu.vector_load_idx %gather3A_1108[%and3A_4, %broadcast_in_dim3A_1095, %and3A_912] : memref<8x16x128xf32, #tpu.memory_space<vmem>>[vector<16xi32>, vector<16xi32>, vector<16xi32>], vector<16xf32>,
      %mul3A_1110 = arith.mulf %gather3A_1102, %gather3A_1109 : vector<16xf32>
      %add3A_1111 = arith.addf %add3A_1093, %mul3A_1110 : vector<16xf32>
      %broadcast_in_dim3A_1112 = arith.constant 11 : i32
      %broadcast_in_dim3A_1113 = vector.broadcast %broadcast_in_dim3A_1112 : i32 to vector<16xi32>
      %gather3A_1114 = arith.constant 0 : i32
      %gather3A_1115 = arith.constant 0 : i32
      %gather3A_1116 = arith.constant 0 : i32
      %gather3A_1117 = arith.constant 0 : i32
      %gather3A_1118 = tpu.memref_slice %arg9[%gather3A_1114, %gather3A_1115, %gather3A_1116, %gather3A_1117] : memref<2x8x16x128xf32, #tpu.memory_space<vmem>> -> memref<1x8x16x128xf32, #tpu.memory_space<vmem>>
      %gather3A_1119 = tpu.memref_squeeze %gather3A_1118 : memref<1x8x16x128xf32, #tpu.memory_space<vmem>> -> memref<8x16x128xf32, #tpu.memory_space<vmem>>
      %gather3A_1120 = tpu.vector_load_idx %gather3A_1119[%and3A_4, %broadcast_in_dim3A_1113, %and3A_904] : memref<8x16x128xf32, #tpu.memory_space<vmem>>[vector<16xi32>, vector<16xi32>, vector<16xi32>], vector<16xf32>,
      %gather3A_1121 = arith.constant 0 : i32
      %gather3A_1122 = arith.constant 0 : i32
      %gather3A_1123 = arith.constant 0 : i32
      %gather3A_1124 = arith.constant 0 : i32
      %gather3A_1125 = tpu.memref_slice %arg10[%gather3A_1121, %gather3A_1122, %gather3A_1123, %gather3A_1124] : memref<2x8x16x128xf32, #tpu.memory_space<vmem>> -> memref<1x8x16x128xf32, #tpu.memory_space<vmem>>
      %gather3A_1126 = tpu.memref_squeeze %gather3A_1125 : memref<1x8x16x128xf32, #tpu.memory_space<vmem>> -> memref<8x16x128xf32, #tpu.memory_space<vmem>>
      %gather3A_1127 = tpu.vector_load_idx %gather3A_1126[%and3A_4, %broadcast_in_dim3A_1113, %and3A_912] : memref<8x16x128xf32, #tpu.memory_space<vmem>>[vector<16xi32>, vector<16xi32>, vector<16xi32>], vector<16xf32>,
      %mul3A_1128 = arith.mulf %gather3A_1120, %gather3A_1127 : vector<16xf32>
      %add3A_1129 = arith.addf %add3A_1111, %mul3A_1128 : vector<16xf32>
      %broadcast_in_dim3A_1130 = arith.constant 12 : i32
      %broadcast_in_dim3A_1131 = vector.broadcast %broadcast_in_dim3A_1130 : i32 to vector<16xi32>
      %gather3A_1132 = arith.constant 0 : i32
      %gather3A_1133 = arith.constant 0 : i32
      %gather3A_1134 = arith.constant 0 : i32
      %gather3A_1135 = arith.constant 0 : i32
      %gather3A_1136 = tpu.memref_slice %arg9[%gather3A_1132, %gather3A_1133, %gather3A_1134, %gather3A_1135] : memref<2x8x16x128xf32, #tpu.memory_space<vmem>> -> memref<1x8x16x128xf32, #tpu.memory_space<vmem>>
      %gather3A_1137 = tpu.memref_squeeze %gather3A_1136 : memref<1x8x16x128xf32, #tpu.memory_space<vmem>> -> memref<8x16x128xf32, #tpu.memory_space<vmem>>
      %gather3A_1138 = tpu.vector_load_idx %gather3A_1137[%and3A_4, %broadcast_in_dim3A_1131, %and3A_904] : memref<8x16x128xf32, #tpu.memory_space<vmem>>[vector<16xi32>, vector<16xi32>, vector<16xi32>], vector<16xf32>,
      %gather3A_1139 = arith.constant 0 : i32
      %gather3A_1140 = arith.constant 0 : i32
      %gather3A_1141 = arith.constant 0 : i32
      %gather3A_1142 = arith.constant 0 : i32
      %gather3A_1143 = tpu.memref_slice %arg10[%gather3A_1139, %gather3A_1140, %gather3A_1141, %gather3A_1142] : memref<2x8x16x128xf32, #tpu.memory_space<vmem>> -> memref<1x8x16x128xf32, #tpu.memory_space<vmem>>
      %gather3A_1144 = tpu.memref_squeeze %gather3A_1143 : memref<1x8x16x128xf32, #tpu.memory_space<vmem>> -> memref<8x16x128xf32, #tpu.memory_space<vmem>>
      %gather3A_1145 = tpu.vector_load_idx %gather3A_1144[%and3A_4, %broadcast_in_dim3A_1131, %and3A_912] : memref<8x16x128xf32, #tpu.memory_space<vmem>>[vector<16xi32>, vector<16xi32>, vector<16xi32>], vector<16xf32>,
      %mul3A_1146 = arith.mulf %gather3A_1138, %gather3A_1145 : vector<16xf32>
      %add3A_1147 = arith.addf %add3A_1129, %mul3A_1146 : vector<16xf32>
      %broadcast_in_dim3A_1148 = arith.constant 13 : i32
      %broadcast_in_dim3A_1149 = vector.broadcast %broadcast_in_dim3A_1148 : i32 to vector<16xi32>
      %gather3A_1150 = arith.constant 0 : i32
      %gather3A_1151 = arith.constant 0 : i32
      %gather3A_1152 = arith.constant 0 : i32
      %gather3A_1153 = arith.constant 0 : i32
      %gather3A_1154 = tpu.memref_slice %arg9[%gather3A_1150, %gather3A_1151, %gather3A_1152, %gather3A_1153] : memref<2x8x16x128xf32, #tpu.memory_space<vmem>> -> memref<1x8x16x128xf32, #tpu.memory_space<vmem>>
      %gather3A_1155 = tpu.memref_squeeze %gather3A_1154 : memref<1x8x16x128xf32, #tpu.memory_space<vmem>> -> memref<8x16x128xf32, #tpu.memory_space<vmem>>
      %gather3A_1156 = tpu.vector_load_idx %gather3A_1155[%and3A_4, %broadcast_in_dim3A_1149, %and3A_904] : memref<8x16x128xf32, #tpu.memory_space<vmem>>[vector<16xi32>, vector<16xi32>, vector<16xi32>], vector<16xf32>,
      %gather3A_1157 = arith.constant 0 : i32
      %gather3A_1158 = arith.constant 0 : i32
      %gather3A_1159 = arith.constant 0 : i32
      %gather3A_1160 = arith.constant 0 : i32
      %gather3A_1161 = tpu.memref_slice %arg10[%gather3A_1157, %gather3A_1158, %gather3A_1159, %gather3A_1160] : memref<2x8x16x128xf32, #tpu.memory_space<vmem>> -> memref<1x8x16x128xf32, #tpu.memory_space<vmem>>
      %gather3A_1162 = tpu.memref_squeeze %gather3A_1161 : memref<1x8x16x128xf32, #tpu.memory_space<vmem>> -> memref<8x16x128xf32, #tpu.memory_space<vmem>>
      %gather3A_1163 = tpu.vector_load_idx %gather3A_1162[%and3A_4, %broadcast_in_dim3A_1149, %and3A_912] : memref<8x16x128xf32, #tpu.memory_space<vmem>>[vector<16xi32>, vector<16xi32>, vector<16xi32>], vector<16xf32>,
      %mul3A_1164 = arith.mulf %gather3A_1156, %gather3A_1163 : vector<16xf32>
      %add3A_1165 = arith.addf %add3A_1147, %mul3A_1164 : vector<16xf32>
      %broadcast_in_dim3A_1166 = arith.constant 14 : i32
      %broadcast_in_dim3A_1167 = vector.broadcast %broadcast_in_dim3A_1166 : i32 to vector<16xi32>
      %gather3A_1168 = arith.constant 0 : i32
      %gather3A_1169 = arith.constant 0 : i32
      %gather3A_1170 = arith.constant 0 : i32
      %gather3A_1171 = arith.constant 0 : i32
      %gather3A_1172 = tpu.memref_slice %arg9[%gather3A_1168, %gather3A_1169, %gather3A_1170, %gather3A_1171] : memref<2x8x16x128xf32, #tpu.memory_space<vmem>> -> memref<1x8x16x128xf32, #tpu.memory_space<vmem>>
      %gather3A_1173 = tpu.memref_squeeze %gather3A_1172 : memref<1x8x16x128xf32, #tpu.memory_space<vmem>> -> memref<8x16x128xf32, #tpu.memory_space<vmem>>
      %gather3A_1174 = tpu.vector_load_idx %gather3A_1173[%and3A_4, %broadcast_in_dim3A_1167, %and3A_904] : memref<8x16x128xf32, #tpu.memory_space<vmem>>[vector<16xi32>, vector<16xi32>, vector<16xi32>], vector<16xf32>,
      %gather3A_1175 = arith.constant 0 : i32
      %gather3A_1176 = arith.constant 0 : i32
      %gather3A_1177 = arith.constant 0 : i32
      %gather3A_1178 = arith.constant 0 : i32
      %gather3A_1179 = tpu.memref_slice %arg10[%gather3A_1175, %gather3A_1176, %gather3A_1177, %gather3A_1178] : memref<2x8x16x128xf32, #tpu.memory_space<vmem>> -> memref<1x8x16x128xf32, #tpu.memory_space<vmem>>
      %gather3A_1180 = tpu.memref_squeeze %gather3A_1179 : memref<1x8x16x128xf32, #tpu.memory_space<vmem>> -> memref<8x16x128xf32, #tpu.memory_space<vmem>>
      %gather3A_1181 = tpu.vector_load_idx %gather3A_1180[%and3A_4, %broadcast_in_dim3A_1167, %and3A_912] : memref<8x16x128xf32, #tpu.memory_space<vmem>>[vector<16xi32>, vector<16xi32>, vector<16xi32>], vector<16xf32>,
      %mul3A_1182 = arith.mulf %gather3A_1174, %gather3A_1181 : vector<16xf32>
      %add3A_1183 = arith.addf %add3A_1165, %mul3A_1182 : vector<16xf32>
      %broadcast_in_dim3A_1184 = arith.constant 15 : i32
      %broadcast_in_dim3A_1185 = vector.broadcast %broadcast_in_dim3A_1184 : i32 to vector<16xi32>
      %gather3A_1186 = arith.constant 0 : i32
      %gather3A_1187 = arith.constant 0 : i32
      %gather3A_1188 = arith.constant 0 : i32
      %gather3A_1189 = arith.constant 0 : i32
      %gather3A_1190 = tpu.memref_slice %arg9[%gather3A_1186, %gather3A_1187, %gather3A_1188, %gather3A_1189] : memref<2x8x16x128xf32, #tpu.memory_space<vmem>> -> memref<1x8x16x128xf32, #tpu.memory_space<vmem>>
      %gather3A_1191 = tpu.memref_squeeze %gather3A_1190 : memref<1x8x16x128xf32, #tpu.memory_space<vmem>> -> memref<8x16x128xf32, #tpu.memory_space<vmem>>
      %gather3A_1192 = tpu.vector_load_idx %gather3A_1191[%and3A_4, %broadcast_in_dim3A_1185, %and3A_904] : memref<8x16x128xf32, #tpu.memory_space<vmem>>[vector<16xi32>, vector<16xi32>, vector<16xi32>], vector<16xf32>,
      %gather3A_1193 = arith.constant 0 : i32
      %gather3A_1194 = arith.constant 0 : i32
      %gather3A_1195 = arith.constant 0 : i32
      %gather3A_1196 = arith.constant 0 : i32
      %gather3A_1197 = tpu.memref_slice %arg10[%gather3A_1193, %gather3A_1194, %gather3A_1195, %gather3A_1196] : memref<2x8x16x128xf32, #tpu.memory_space<vmem>> -> memref<1x8x16x128xf32, #tpu.memory_space<vmem>>
      %gather3A_1198 = tpu.memref_squeeze %gather3A_1197 : memref<1x8x16x128xf32, #tpu.memory_space<vmem>> -> memref<8x16x128xf32, #tpu.memory_space<vmem>>
      %gather3A_1199 = tpu.vector_load_idx %gather3A_1198[%and3A_4, %broadcast_in_dim3A_1185, %and3A_912] : memref<8x16x128xf32, #tpu.memory_space<vmem>>[vector<16xi32>, vector<16xi32>, vector<16xi32>], vector<16xf32>,
      %mul3A_1200 = arith.mulf %gather3A_1192, %gather3A_1199 : vector<16xf32>
      %add3A_1201 = arith.addf %add3A_1183, %mul3A_1200 : vector<16xf32>
      %add3A_1202 = arith.constant 1 : i32
      %add3A_1203 = arith.addi %scan3A_318, %add3A_1202 : i32
      %lt3A = arith.constant 32 : i32
      %lt3A_1204 = arith.cmpi slt, %add3A_1203, %lt3A : i32
      %convert_element_type3A = arith.extui %lt3A_1204 : i1 to i32
      %cond3A = arith.constant 0 : i32
      %cond3A_1205 = arith.cmpi ne, %convert_element_type3A, %cond3A : i32
      scf.if %cond3A_1205 {
        %mul3A_1778 = arith.constant 2 : i32
        %mul3A_1779 = arith.muli %mul3A_1778, %scan3A_318 : i32
        %add3A_1780 = arith.constant 2 : i32
        %add3A_1781 = arith.addi %mul3A_1779, %add3A_1780 : i32
        %mul3A_1782 = arith.constant 8 : i32
        %mul3A_1783 = arith.muli %add3A_1781, %mul3A_1782 : i32
        %get3A_1784 = arith.index_cast %mul3A_1783 : i32 to index
        %get3A_1785 = tpu.vector_load %arg7[%get3A_1784] {strides = array<i32>} : memref<528xi32, #tpu.memory_space<vmem>>, vector<16xi32>,
        %shift_right_logical3A_1786 = arith.constant 7 : i32
        %shift_right_logical3A_1787 = vector.broadcast %shift_right_logical3A_1786 : i32 to vector<16xi32>
        %shift_right_logical3A_1788 = arith.shrui %get3A_1785, %shift_right_logical3A_1787 : vector<16xi32>
        %mul3A_1789 = arith.constant 8 : i32
        %mul3A_1790 = arith.muli %add3A_1781, %mul3A_1789 : i32
        %get3A_1791 = arith.index_cast %mul3A_1790 : i32 to index
        %get3A_1792 = tpu.vector_load %arg8[%get3A_1791] {strides = array<i32>} : memref<528xi32, #tpu.memory_space<vmem>>, vector<16xi32>,
        %shift_right_logical3A_1793 = arith.constant 7 : i32
        %shift_right_logical3A_1794 = vector.broadcast %shift_right_logical3A_1793 : i32 to vector<16xi32>
        %shift_right_logical3A_1795 = arith.shrui %get3A_1792, %shift_right_logical3A_1794 : vector<16xi32>
        %slice3A_1796 = vector.extract_strided_slice %shift_right_logical3A_1788 {offsets = [0], sizes = [1], strides = [1]} : vector<16xi32> to vector<1xi32>
        %squeeze3A_1797 = vector.extract %slice3A_1796[0] : i32 from vector<1xi32>
        %mul3A_1798 = arith.constant 128 : i32
        %mul3A_1799 = arith.muli %squeeze3A_1797, %mul3A_1798 : i32
        %multiple_of3A_1800 = tpu.assume_multiple %mul3A_1799, 128 : i32
        %slice3A_1801 = vector.extract_strided_slice %shift_right_logical3A_1795 {offsets = [0], sizes = [1], strides = [1]} : vector<16xi32> to vector<1xi32>
        %squeeze3A_1802 = vector.extract %slice3A_1801[0] : i32 from vector<1xi32>
        %mul3A_1803 = arith.constant 128 : i32
        %mul3A_1804 = arith.muli %squeeze3A_1802, %mul3A_1803 : i32
        %multiple_of3A_1805 = tpu.assume_multiple %mul3A_1804, 128 : i32
        %dma_start3A_1806 = arith.constant 0 : i32
        %dma_start3A_1807 = arith.constant 0 : i32
        %dma_start3A_1808 = arith.constant 0 : i32
        %dma_start3A_1809 = arith.constant 0 : i32
        %dma_start3A_1810 = tpu.memref_slice %arg9[%dma_start3A_1806, %dma_start3A_1807, %dma_start3A_1808, %dma_start3A_1809] : memref<2x8x16x128xf32, #tpu.memory_space<vmem>> -> memref<1x1x16x128xf32, #tpu.memory_space<vmem>>
        %dma_start3A_1811 = tpu.memref_squeeze %dma_start3A_1810 : memref<1x1x16x128xf32, #tpu.memory_space<vmem>> -> memref<16x128xf32, #tpu.memory_space<vmem>>
        %dma_start3A_1812 = arith.constant 0 : i32
        %dma_start3A_1813 = tpu.memref_slice %arg4[%dma_start3A_1812, %multiple_of3A_1800] : memref<16x1000000xf32, #tpu.memory_space<hbm>> -> memref<16x128xf32, #tpu.memory_space<hbm>>
        %dma_start3A_1814 = arith.constant 0 : i32
        %dma_start3A_1815 = arith.constant 0 : i32
        %dma_start3A_1816 = tpu.memref_slice %arg9[%dma_start3A_1806, %dma_start3A_1807, %dma_start3A_1814, %dma_start3A_1815] : memref<2x8x16x128xf32, #tpu.memory_space<vmem>> -> memref<1x1x16x128xf32, #tpu.memory_space<vmem>>
        %dma_start3A_1817 = tpu.memref_squeeze %dma_start3A_1816 : memref<1x1x16x128xf32, #tpu.memory_space<vmem>> -> memref<16x128xf32, #tpu.memory_space<vmem>>
        %dma_start3A_1818 = arith.constant 0 : i32
        %dma_start3A_1819 = tpu.memref_slice %arg4[%dma_start3A_1818, %multiple_of3A_1800] : memref<16x1000000xf32, #tpu.memory_space<hbm>> -> memref<16x128xf32, #tpu.memory_space<hbm>>
        tpu.enqueue_dma source(%dma_start3A_1819 : memref<16x128xf32, #tpu.memory_space<hbm>>) target(%dma_start3A_1817 : memref<16x128xf32, #tpu.memory_space<vmem>>) target_semaphore(%arg12 : memref<!tpu.dma_semaphore, #tpu.memory_space<semaphore_mem>>)
        %dma_start3A_1820 = arith.constant 0 : i32
        %dma_start3A_1821 = arith.constant 0 : i32
        %dma_start3A_1822 = arith.constant 0 : i32
        %dma_start3A_1823 = arith.constant 0 : i32
        %dma_start3A_1824 = tpu.memref_slice %arg10[%dma_start3A_1820, %dma_start3A_1821, %dma_start3A_1822, %dma_start3A_1823] : memref<2x8x16x128xf32, #tpu.memory_space<vmem>> -> memref<1x1x16x128xf32, #tpu.memory_space<vmem>>
        %dma_start3A_1825 = tpu.memref_squeeze %dma_start3A_1824 : memref<1x1x16x128xf32, #tpu.memory_space<vmem>> -> memref<16x128xf32, #tpu.memory_space<vmem>>
        %dma_start3A_1826 = arith.constant 0 : i32
        %dma_start3A_1827 = tpu.memref_slice %arg5[%dma_start3A_1826, %multiple_of3A_1805] : memref<16x1000000xf32, #tpu.memory_space<hbm>> -> memref<16x128xf32, #tpu.memory_space<hbm>>
        %dma_start3A_1828 = arith.constant 0 : i32
        %dma_start3A_1829 = arith.constant 0 : i32
        %dma_start3A_1830 = tpu.memref_slice %arg10[%dma_start3A_1820, %dma_start3A_1821, %dma_start3A_1828, %dma_start3A_1829] : memref<2x8x16x128xf32, #tpu.memory_space<vmem>> -> memref<1x1x16x128xf32, #tpu.memory_space<vmem>>
        %dma_start3A_1831 = tpu.memref_squeeze %dma_start3A_1830 : memref<1x1x16x128xf32, #tpu.memory_space<vmem>> -> memref<16x128xf32, #tpu.memory_space<vmem>>
        %dma_start3A_1832 = arith.constant 0 : i32
        %dma_start3A_1833 = tpu.memref_slice %arg5[%dma_start3A_1832, %multiple_of3A_1805] : memref<16x1000000xf32, #tpu.memory_space<hbm>> -> memref<16x128xf32, #tpu.memory_space<hbm>>
        tpu.enqueue_dma source(%dma_start3A_1833 : memref<16x128xf32, #tpu.memory_space<hbm>>) target(%dma_start3A_1831 : memref<16x128xf32, #tpu.memory_space<vmem>>) target_semaphore(%arg14 : memref<!tpu.dma_semaphore, #tpu.memory_space<semaphore_mem>>)
        %slice3A_1834 = vector.extract_strided_slice %shift_right_logical3A_1788 {offsets = [1], sizes = [1], strides = [1]} : vector<16xi32> to vector<1xi32>
        %squeeze3A_1835 = vector.extract %slice3A_1834[0] : i32 from vector<1xi32>
        %mul3A_1836 = arith.constant 128 : i32
        %mul3A_1837 = arith.muli %squeeze3A_1835, %mul3A_1836 : i32
        %multiple_of3A_1838 = tpu.assume_multiple %mul3A_1837, 128 : i32
        %slice3A_1839 = vector.extract_strided_slice %shift_right_logical3A_1795 {offsets = [1], sizes = [1], strides = [1]} : vector<16xi32> to vector<1xi32>
        %squeeze3A_1840 = vector.extract %slice3A_1839[0] : i32 from vector<1xi32>
        %mul3A_1841 = arith.constant 128 : i32
        %mul3A_1842 = arith.muli %squeeze3A_1840, %mul3A_1841 : i32
        %multiple_of3A_1843 = tpu.assume_multiple %mul3A_1842, 128 : i32
        %dma_start3A_1844 = arith.constant 0 : i32
        %dma_start3A_1845 = arith.constant 1 : i32
        %dma_start3A_1846 = arith.constant 0 : i32
        %dma_start3A_1847 = arith.constant 0 : i32
        %dma_start3A_1848 = tpu.memref_slice %arg9[%dma_start3A_1844, %dma_start3A_1845, %dma_start3A_1846, %dma_start3A_1847] : memref<2x8x16x128xf32, #tpu.memory_space<vmem>> -> memref<1x1x16x128xf32, #tpu.memory_space<vmem>>
        %dma_start3A_1849 = tpu.memref_squeeze %dma_start3A_1848 : memref<1x1x16x128xf32, #tpu.memory_space<vmem>> -> memref<16x128xf32, #tpu.memory_space<vmem>>
        %dma_start3A_1850 = arith.constant 0 : i32
        %dma_start3A_1851 = tpu.memref_slice %arg4[%dma_start3A_1850, %multiple_of3A_1838] : memref<16x1000000xf32, #tpu.memory_space<hbm>> -> memref<16x128xf32, #tpu.memory_space<hbm>>
        %dma_start3A_1852 = arith.constant 0 : i32
        %dma_start3A_1853 = arith.constant 0 : i32
        %dma_start3A_1854 = tpu.memref_slice %arg9[%dma_start3A_1844, %dma_start3A_1845, %dma_start3A_1852, %dma_start3A_1853] : memref<2x8x16x128xf32, #tpu.memory_space<vmem>> -> memref<1x1x16x128xf32, #tpu.memory_space<vmem>>
        %dma_start3A_1855 = tpu.memref_squeeze %dma_start3A_1854 : memref<1x1x16x128xf32, #tpu.memory_space<vmem>> -> memref<16x128xf32, #tpu.memory_space<vmem>>
        %dma_start3A_1856 = arith.constant 0 : i32
        %dma_start3A_1857 = tpu.memref_slice %arg4[%dma_start3A_1856, %multiple_of3A_1838] : memref<16x1000000xf32, #tpu.memory_space<hbm>> -> memref<16x128xf32, #tpu.memory_space<hbm>>
        tpu.enqueue_dma source(%dma_start3A_1857 : memref<16x128xf32, #tpu.memory_space<hbm>>) target(%dma_start3A_1855 : memref<16x128xf32, #tpu.memory_space<vmem>>) target_semaphore(%arg12 : memref<!tpu.dma_semaphore, #tpu.memory_space<semaphore_mem>>)
        %dma_start3A_1858 = arith.constant 0 : i32
        %dma_start3A_1859 = arith.constant 1 : i32
        %dma_start3A_1860 = arith.constant 0 : i32
        %dma_start3A_1861 = arith.constant 0 : i32
        %dma_start3A_1862 = tpu.memref_slice %arg10[%dma_start3A_1858, %dma_start3A_1859, %dma_start3A_1860, %dma_start3A_1861] : memref<2x8x16x128xf32, #tpu.memory_space<vmem>> -> memref<1x1x16x128xf32, #tpu.memory_space<vmem>>
        %dma_start3A_1863 = tpu.memref_squeeze %dma_start3A_1862 : memref<1x1x16x128xf32, #tpu.memory_space<vmem>> -> memref<16x128xf32, #tpu.memory_space<vmem>>
        %dma_start3A_1864 = arith.constant 0 : i32
        %dma_start3A_1865 = tpu.memref_slice %arg5[%dma_start3A_1864, %multiple_of3A_1843] : memref<16x1000000xf32, #tpu.memory_space<hbm>> -> memref<16x128xf32, #tpu.memory_space<hbm>>
        %dma_start3A_1866 = arith.constant 0 : i32
        %dma_start3A_1867 = arith.constant 0 : i32
        %dma_start3A_1868 = tpu.memref_slice %arg10[%dma_start3A_1858, %dma_start3A_1859, %dma_start3A_1866, %dma_start3A_1867] : memref<2x8x16x128xf32, #tpu.memory_space<vmem>> -> memref<1x1x16x128xf32, #tpu.memory_space<vmem>>
        %dma_start3A_1869 = tpu.memref_squeeze %dma_start3A_1868 : memref<1x1x16x128xf32, #tpu.memory_space<vmem>> -> memref<16x128xf32, #tpu.memory_space<vmem>>
        %dma_start3A_1870 = arith.constant 0 : i32
        %dma_start3A_1871 = tpu.memref_slice %arg5[%dma_start3A_1870, %multiple_of3A_1843] : memref<16x1000000xf32, #tpu.memory_space<hbm>> -> memref<16x128xf32, #tpu.memory_space<hbm>>
        tpu.enqueue_dma source(%dma_start3A_1871 : memref<16x128xf32, #tpu.memory_space<hbm>>) target(%dma_start3A_1869 : memref<16x128xf32, #tpu.memory_space<vmem>>) target_semaphore(%arg14 : memref<!tpu.dma_semaphore, #tpu.memory_space<semaphore_mem>>)
        %slice3A_1872 = vector.extract_strided_slice %shift_right_logical3A_1788 {offsets = [2], sizes = [1], strides = [1]} : vector<16xi32> to vector<1xi32>
        %squeeze3A_1873 = vector.extract %slice3A_1872[0] : i32 from vector<1xi32>
        %mul3A_1874 = arith.constant 128 : i32
        %mul3A_1875 = arith.muli %squeeze3A_1873, %mul3A_1874 : i32
        %multiple_of3A_1876 = tpu.assume_multiple %mul3A_1875, 128 : i32
        %slice3A_1877 = vector.extract_strided_slice %shift_right_logical3A_1795 {offsets = [2], sizes = [1], strides = [1]} : vector<16xi32> to vector<1xi32>
        %squeeze3A_1878 = vector.extract %slice3A_1877[0] : i32 from vector<1xi32>
        %mul3A_1879 = arith.constant 128 : i32
        %mul3A_1880 = arith.muli %squeeze3A_1878, %mul3A_1879 : i32
        %multiple_of3A_1881 = tpu.assume_multiple %mul3A_1880, 128 : i32
        %dma_start3A_1882 = arith.constant 0 : i32
        %dma_start3A_1883 = arith.constant 2 : i32
        %dma_start3A_1884 = arith.constant 0 : i32
        %dma_start3A_1885 = arith.constant 0 : i32
        %dma_start3A_1886 = tpu.memref_slice %arg9[%dma_start3A_1882, %dma_start3A_1883, %dma_start3A_1884, %dma_start3A_1885] : memref<2x8x16x128xf32, #tpu.memory_space<vmem>> -> memref<1x1x16x128xf32, #tpu.memory_space<vmem>>
        %dma_start3A_1887 = tpu.memref_squeeze %dma_start3A_1886 : memref<1x1x16x128xf32, #tpu.memory_space<vmem>> -> memref<16x128xf32, #tpu.memory_space<vmem>>
        %dma_start3A_1888 = arith.constant 0 : i32
        %dma_start3A_1889 = tpu.memref_slice %arg4[%dma_start3A_1888, %multiple_of3A_1876] : memref<16x1000000xf32, #tpu.memory_space<hbm>> -> memref<16x128xf32, #tpu.memory_space<hbm>>
        %dma_start3A_1890 = arith.constant 0 : i32
        %dma_start3A_1891 = arith.constant 0 : i32
        %dma_start3A_1892 = tpu.memref_slice %arg9[%dma_start3A_1882, %dma_start3A_1883, %dma_start3A_1890, %dma_start3A_1891] : memref<2x8x16x128xf32, #tpu.memory_space<vmem>> -> memref<1x1x16x128xf32, #tpu.memory_space<vmem>>
        %dma_start3A_1893 = tpu.memref_squeeze %dma_start3A_1892 : memref<1x1x16x128xf32, #tpu.memory_space<vmem>> -> memref<16x128xf32, #tpu.memory_space<vmem>>
        %dma_start3A_1894 = arith.constant 0 : i32
        %dma_start3A_1895 = tpu.memref_slice %arg4[%dma_start3A_1894, %multiple_of3A_1876] : memref<16x1000000xf32, #tpu.memory_space<hbm>> -> memref<16x128xf32, #tpu.memory_space<hbm>>
        tpu.enqueue_dma source(%dma_start3A_1895 : memref<16x128xf32, #tpu.memory_space<hbm>>) target(%dma_start3A_1893 : memref<16x128xf32, #tpu.memory_space<vmem>>) target_semaphore(%arg12 : memref<!tpu.dma_semaphore, #tpu.memory_space<semaphore_mem>>)
        %dma_start3A_1896 = arith.constant 0 : i32
        %dma_start3A_1897 = arith.constant 2 : i32
        %dma_start3A_1898 = arith.constant 0 : i32
        %dma_start3A_1899 = arith.constant 0 : i32
        %dma_start3A_1900 = tpu.memref_slice %arg10[%dma_start3A_1896, %dma_start3A_1897, %dma_start3A_1898, %dma_start3A_1899] : memref<2x8x16x128xf32, #tpu.memory_space<vmem>> -> memref<1x1x16x128xf32, #tpu.memory_space<vmem>>
        %dma_start3A_1901 = tpu.memref_squeeze %dma_start3A_1900 : memref<1x1x16x128xf32, #tpu.memory_space<vmem>> -> memref<16x128xf32, #tpu.memory_space<vmem>>
        %dma_start3A_1902 = arith.constant 0 : i32
        %dma_start3A_1903 = tpu.memref_slice %arg5[%dma_start3A_1902, %multiple_of3A_1881] : memref<16x1000000xf32, #tpu.memory_space<hbm>> -> memref<16x128xf32, #tpu.memory_space<hbm>>
        %dma_start3A_1904 = arith.constant 0 : i32
        %dma_start3A_1905 = arith.constant 0 : i32
        %dma_start3A_1906 = tpu.memref_slice %arg10[%dma_start3A_1896, %dma_start3A_1897, %dma_start3A_1904, %dma_start3A_1905] : memref<2x8x16x128xf32, #tpu.memory_space<vmem>> -> memref<1x1x16x128xf32, #tpu.memory_space<vmem>>
        %dma_start3A_1907 = tpu.memref_squeeze %dma_start3A_1906 : memref<1x1x16x128xf32, #tpu.memory_space<vmem>> -> memref<16x128xf32, #tpu.memory_space<vmem>>
        %dma_start3A_1908 = arith.constant 0 : i32
        %dma_start3A_1909 = tpu.memref_slice %arg5[%dma_start3A_1908, %multiple_of3A_1881] : memref<16x1000000xf32, #tpu.memory_space<hbm>> -> memref<16x128xf32, #tpu.memory_space<hbm>>
        tpu.enqueue_dma source(%dma_start3A_1909 : memref<16x128xf32, #tpu.memory_space<hbm>>) target(%dma_start3A_1907 : memref<16x128xf32, #tpu.memory_space<vmem>>) target_semaphore(%arg14 : memref<!tpu.dma_semaphore, #tpu.memory_space<semaphore_mem>>)
        %slice3A_1910 = vector.extract_strided_slice %shift_right_logical3A_1788 {offsets = [3], sizes = [1], strides = [1]} : vector<16xi32> to vector<1xi32>
        %squeeze3A_1911 = vector.extract %slice3A_1910[0] : i32 from vector<1xi32>
        %mul3A_1912 = arith.constant 128 : i32
        %mul3A_1913 = arith.muli %squeeze3A_1911, %mul3A_1912 : i32
        %multiple_of3A_1914 = tpu.assume_multiple %mul3A_1913, 128 : i32
        %slice3A_1915 = vector.extract_strided_slice %shift_right_logical3A_1795 {offsets = [3], sizes = [1], strides = [1]} : vector<16xi32> to vector<1xi32>
        %squeeze3A_1916 = vector.extract %slice3A_1915[0] : i32 from vector<1xi32>
        %mul3A_1917 = arith.constant 128 : i32
        %mul3A_1918 = arith.muli %squeeze3A_1916, %mul3A_1917 : i32
        %multiple_of3A_1919 = tpu.assume_multiple %mul3A_1918, 128 : i32
        %dma_start3A_1920 = arith.constant 0 : i32
        %dma_start3A_1921 = arith.constant 3 : i32
        %dma_start3A_1922 = arith.constant 0 : i32
        %dma_start3A_1923 = arith.constant 0 : i32
        %dma_start3A_1924 = tpu.memref_slice %arg9[%dma_start3A_1920, %dma_start3A_1921, %dma_start3A_1922, %dma_start3A_1923] : memref<2x8x16x128xf32, #tpu.memory_space<vmem>> -> memref<1x1x16x128xf32, #tpu.memory_space<vmem>>
        %dma_start3A_1925 = tpu.memref_squeeze %dma_start3A_1924 : memref<1x1x16x128xf32, #tpu.memory_space<vmem>> -> memref<16x128xf32, #tpu.memory_space<vmem>>
        %dma_start3A_1926 = arith.constant 0 : i32
        %dma_start3A_1927 = tpu.memref_slice %arg4[%dma_start3A_1926, %multiple_of3A_1914] : memref<16x1000000xf32, #tpu.memory_space<hbm>> -> memref<16x128xf32, #tpu.memory_space<hbm>>
        %dma_start3A_1928 = arith.constant 0 : i32
        %dma_start3A_1929 = arith.constant 0 : i32
        %dma_start3A_1930 = tpu.memref_slice %arg9[%dma_start3A_1920, %dma_start3A_1921, %dma_start3A_1928, %dma_start3A_1929] : memref<2x8x16x128xf32, #tpu.memory_space<vmem>> -> memref<1x1x16x128xf32, #tpu.memory_space<vmem>>
        %dma_start3A_1931 = tpu.memref_squeeze %dma_start3A_1930 : memref<1x1x16x128xf32, #tpu.memory_space<vmem>> -> memref<16x128xf32, #tpu.memory_space<vmem>>
        %dma_start3A_1932 = arith.constant 0 : i32
        %dma_start3A_1933 = tpu.memref_slice %arg4[%dma_start3A_1932, %multiple_of3A_1914] : memref<16x1000000xf32, #tpu.memory_space<hbm>> -> memref<16x128xf32, #tpu.memory_space<hbm>>
        tpu.enqueue_dma source(%dma_start3A_1933 : memref<16x128xf32, #tpu.memory_space<hbm>>) target(%dma_start3A_1931 : memref<16x128xf32, #tpu.memory_space<vmem>>) target_semaphore(%arg12 : memref<!tpu.dma_semaphore, #tpu.memory_space<semaphore_mem>>)
        %dma_start3A_1934 = arith.constant 0 : i32
        %dma_start3A_1935 = arith.constant 3 : i32
        %dma_start3A_1936 = arith.constant 0 : i32
        %dma_start3A_1937 = arith.constant 0 : i32
        %dma_start3A_1938 = tpu.memref_slice %arg10[%dma_start3A_1934, %dma_start3A_1935, %dma_start3A_1936, %dma_start3A_1937] : memref<2x8x16x128xf32, #tpu.memory_space<vmem>> -> memref<1x1x16x128xf32, #tpu.memory_space<vmem>>
        %dma_start3A_1939 = tpu.memref_squeeze %dma_start3A_1938 : memref<1x1x16x128xf32, #tpu.memory_space<vmem>> -> memref<16x128xf32, #tpu.memory_space<vmem>>
        %dma_start3A_1940 = arith.constant 0 : i32
        %dma_start3A_1941 = tpu.memref_slice %arg5[%dma_start3A_1940, %multiple_of3A_1919] : memref<16x1000000xf32, #tpu.memory_space<hbm>> -> memref<16x128xf32, #tpu.memory_space<hbm>>
        %dma_start3A_1942 = arith.constant 0 : i32
        %dma_start3A_1943 = arith.constant 0 : i32
        %dma_start3A_1944 = tpu.memref_slice %arg10[%dma_start3A_1934, %dma_start3A_1935, %dma_start3A_1942, %dma_start3A_1943] : memref<2x8x16x128xf32, #tpu.memory_space<vmem>> -> memref<1x1x16x128xf32, #tpu.memory_space<vmem>>
        %dma_start3A_1945 = tpu.memref_squeeze %dma_start3A_1944 : memref<1x1x16x128xf32, #tpu.memory_space<vmem>> -> memref<16x128xf32, #tpu.memory_space<vmem>>
        %dma_start3A_1946 = arith.constant 0 : i32
        %dma_start3A_1947 = tpu.memref_slice %arg5[%dma_start3A_1946, %multiple_of3A_1919] : memref<16x1000000xf32, #tpu.memory_space<hbm>> -> memref<16x128xf32, #tpu.memory_space<hbm>>
        tpu.enqueue_dma source(%dma_start3A_1947 : memref<16x128xf32, #tpu.memory_space<hbm>>) target(%dma_start3A_1945 : memref<16x128xf32, #tpu.memory_space<vmem>>) target_semaphore(%arg14 : memref<!tpu.dma_semaphore, #tpu.memory_space<semaphore_mem>>)
        %slice3A_1948 = vector.extract_strided_slice %shift_right_logical3A_1788 {offsets = [4], sizes = [1], strides = [1]} : vector<16xi32> to vector<1xi32>
        %squeeze3A_1949 = vector.extract %slice3A_1948[0] : i32 from vector<1xi32>
        %mul3A_1950 = arith.constant 128 : i32
        %mul3A_1951 = arith.muli %squeeze3A_1949, %mul3A_1950 : i32
        %multiple_of3A_1952 = tpu.assume_multiple %mul3A_1951, 128 : i32
        %slice3A_1953 = vector.extract_strided_slice %shift_right_logical3A_1795 {offsets = [4], sizes = [1], strides = [1]} : vector<16xi32> to vector<1xi32>
        %squeeze3A_1954 = vector.extract %slice3A_1953[0] : i32 from vector<1xi32>
        %mul3A_1955 = arith.constant 128 : i32
        %mul3A_1956 = arith.muli %squeeze3A_1954, %mul3A_1955 : i32
        %multiple_of3A_1957 = tpu.assume_multiple %mul3A_1956, 128 : i32
        %dma_start3A_1958 = arith.constant 0 : i32
        %dma_start3A_1959 = arith.constant 4 : i32
        %dma_start3A_1960 = arith.constant 0 : i32
        %dma_start3A_1961 = arith.constant 0 : i32
        %dma_start3A_1962 = tpu.memref_slice %arg9[%dma_start3A_1958, %dma_start3A_1959, %dma_start3A_1960, %dma_start3A_1961] : memref<2x8x16x128xf32, #tpu.memory_space<vmem>> -> memref<1x1x16x128xf32, #tpu.memory_space<vmem>>
        %dma_start3A_1963 = tpu.memref_squeeze %dma_start3A_1962 : memref<1x1x16x128xf32, #tpu.memory_space<vmem>> -> memref<16x128xf32, #tpu.memory_space<vmem>>
        %dma_start3A_1964 = arith.constant 0 : i32
        %dma_start3A_1965 = tpu.memref_slice %arg4[%dma_start3A_1964, %multiple_of3A_1952] : memref<16x1000000xf32, #tpu.memory_space<hbm>> -> memref<16x128xf32, #tpu.memory_space<hbm>>
        %dma_start3A_1966 = arith.constant 0 : i32
        %dma_start3A_1967 = arith.constant 0 : i32
        %dma_start3A_1968 = tpu.memref_slice %arg9[%dma_start3A_1958, %dma_start3A_1959, %dma_start3A_1966, %dma_start3A_1967] : memref<2x8x16x128xf32, #tpu.memory_space<vmem>> -> memref<1x1x16x128xf32, #tpu.memory_space<vmem>>
        %dma_start3A_1969 = tpu.memref_squeeze %dma_start3A_1968 : memref<1x1x16x128xf32, #tpu.memory_space<vmem>> -> memref<16x128xf32, #tpu.memory_space<vmem>>
        %dma_start3A_1970 = arith.constant 0 : i32
        %dma_start3A_1971 = tpu.memref_slice %arg4[%dma_start3A_1970, %multiple_of3A_1952] : memref<16x1000000xf32, #tpu.memory_space<hbm>> -> memref<16x128xf32, #tpu.memory_space<hbm>>
        tpu.enqueue_dma source(%dma_start3A_1971 : memref<16x128xf32, #tpu.memory_space<hbm>>) target(%dma_start3A_1969 : memref<16x128xf32, #tpu.memory_space<vmem>>) target_semaphore(%arg12 : memref<!tpu.dma_semaphore, #tpu.memory_space<semaphore_mem>>)
        %dma_start3A_1972 = arith.constant 0 : i32
        %dma_start3A_1973 = arith.constant 4 : i32
        %dma_start3A_1974 = arith.constant 0 : i32
        %dma_start3A_1975 = arith.constant 0 : i32
        %dma_start3A_1976 = tpu.memref_slice %arg10[%dma_start3A_1972, %dma_start3A_1973, %dma_start3A_1974, %dma_start3A_1975] : memref<2x8x16x128xf32, #tpu.memory_space<vmem>> -> memref<1x1x16x128xf32, #tpu.memory_space<vmem>>
        %dma_start3A_1977 = tpu.memref_squeeze %dma_start3A_1976 : memref<1x1x16x128xf32, #tpu.memory_space<vmem>> -> memref<16x128xf32, #tpu.memory_space<vmem>>
        %dma_start3A_1978 = arith.constant 0 : i32
        %dma_start3A_1979 = tpu.memref_slice %arg5[%dma_start3A_1978, %multiple_of3A_1957] : memref<16x1000000xf32, #tpu.memory_space<hbm>> -> memref<16x128xf32, #tpu.memory_space<hbm>>
        %dma_start3A_1980 = arith.constant 0 : i32
        %dma_start3A_1981 = arith.constant 0 : i32
        %dma_start3A_1982 = tpu.memref_slice %arg10[%dma_start3A_1972, %dma_start3A_1973, %dma_start3A_1980, %dma_start3A_1981] : memref<2x8x16x128xf32, #tpu.memory_space<vmem>> -> memref<1x1x16x128xf32, #tpu.memory_space<vmem>>
        %dma_start3A_1983 = tpu.memref_squeeze %dma_start3A_1982 : memref<1x1x16x128xf32, #tpu.memory_space<vmem>> -> memref<16x128xf32, #tpu.memory_space<vmem>>
        %dma_start3A_1984 = arith.constant 0 : i32
        %dma_start3A_1985 = tpu.memref_slice %arg5[%dma_start3A_1984, %multiple_of3A_1957] : memref<16x1000000xf32, #tpu.memory_space<hbm>> -> memref<16x128xf32, #tpu.memory_space<hbm>>
        tpu.enqueue_dma source(%dma_start3A_1985 : memref<16x128xf32, #tpu.memory_space<hbm>>) target(%dma_start3A_1983 : memref<16x128xf32, #tpu.memory_space<vmem>>) target_semaphore(%arg14 : memref<!tpu.dma_semaphore, #tpu.memory_space<semaphore_mem>>)
        %slice3A_1986 = vector.extract_strided_slice %shift_right_logical3A_1788 {offsets = [5], sizes = [1], strides = [1]} : vector<16xi32> to vector<1xi32>
        %squeeze3A_1987 = vector.extract %slice3A_1986[0] : i32 from vector<1xi32>
        %mul3A_1988 = arith.constant 128 : i32
        %mul3A_1989 = arith.muli %squeeze3A_1987, %mul3A_1988 : i32
        %multiple_of3A_1990 = tpu.assume_multiple %mul3A_1989, 128 : i32
        %slice3A_1991 = vector.extract_strided_slice %shift_right_logical3A_1795 {offsets = [5], sizes = [1], strides = [1]} : vector<16xi32> to vector<1xi32>
        %squeeze3A_1992 = vector.extract %slice3A_1991[0] : i32 from vector<1xi32>
        %mul3A_1993 = arith.constant 128 : i32
        %mul3A_1994 = arith.muli %squeeze3A_1992, %mul3A_1993 : i32
        %multiple_of3A_1995 = tpu.assume_multiple %mul3A_1994, 128 : i32
        %dma_start3A_1996 = arith.constant 0 : i32
        %dma_start3A_1997 = arith.constant 5 : i32
        %dma_start3A_1998 = arith.constant 0 : i32
        %dma_start3A_1999 = arith.constant 0 : i32
        %dma_start3A_2000 = tpu.memref_slice %arg9[%dma_start3A_1996, %dma_start3A_1997, %dma_start3A_1998, %dma_start3A_1999] : memref<2x8x16x128xf32, #tpu.memory_space<vmem>> -> memref<1x1x16x128xf32, #tpu.memory_space<vmem>>
        %dma_start3A_2001 = tpu.memref_squeeze %dma_start3A_2000 : memref<1x1x16x128xf32, #tpu.memory_space<vmem>> -> memref<16x128xf32, #tpu.memory_space<vmem>>
        %dma_start3A_2002 = arith.constant 0 : i32
        %dma_start3A_2003 = tpu.memref_slice %arg4[%dma_start3A_2002, %multiple_of3A_1990] : memref<16x1000000xf32, #tpu.memory_space<hbm>> -> memref<16x128xf32, #tpu.memory_space<hbm>>
        %dma_start3A_2004 = arith.constant 0 : i32
        %dma_start3A_2005 = arith.constant 0 : i32
        %dma_start3A_2006 = tpu.memref_slice %arg9[%dma_start3A_1996, %dma_start3A_1997, %dma_start3A_2004, %dma_start3A_2005] : memref<2x8x16x128xf32, #tpu.memory_space<vmem>> -> memref<1x1x16x128xf32, #tpu.memory_space<vmem>>
        %dma_start3A_2007 = tpu.memref_squeeze %dma_start3A_2006 : memref<1x1x16x128xf32, #tpu.memory_space<vmem>> -> memref<16x128xf32, #tpu.memory_space<vmem>>
        %dma_start3A_2008 = arith.constant 0 : i32
        %dma_start3A_2009 = tpu.memref_slice %arg4[%dma_start3A_2008, %multiple_of3A_1990] : memref<16x1000000xf32, #tpu.memory_space<hbm>> -> memref<16x128xf32, #tpu.memory_space<hbm>>
        tpu.enqueue_dma source(%dma_start3A_2009 : memref<16x128xf32, #tpu.memory_space<hbm>>) target(%dma_start3A_2007 : memref<16x128xf32, #tpu.memory_space<vmem>>) target_semaphore(%arg12 : memref<!tpu.dma_semaphore, #tpu.memory_space<semaphore_mem>>)
        %dma_start3A_2010 = arith.constant 0 : i32
        %dma_start3A_2011 = arith.constant 5 : i32
        %dma_start3A_2012 = arith.constant 0 : i32
        %dma_start3A_2013 = arith.constant 0 : i32
        %dma_start3A_2014 = tpu.memref_slice %arg10[%dma_start3A_2010, %dma_start3A_2011, %dma_start3A_2012, %dma_start3A_2013] : memref<2x8x16x128xf32, #tpu.memory_space<vmem>> -> memref<1x1x16x128xf32, #tpu.memory_space<vmem>>
        %dma_start3A_2015 = tpu.memref_squeeze %dma_start3A_2014 : memref<1x1x16x128xf32, #tpu.memory_space<vmem>> -> memref<16x128xf32, #tpu.memory_space<vmem>>
        %dma_start3A_2016 = arith.constant 0 : i32
        %dma_start3A_2017 = tpu.memref_slice %arg5[%dma_start3A_2016, %multiple_of3A_1995] : memref<16x1000000xf32, #tpu.memory_space<hbm>> -> memref<16x128xf32, #tpu.memory_space<hbm>>
        %dma_start3A_2018 = arith.constant 0 : i32
        %dma_start3A_2019 = arith.constant 0 : i32
        %dma_start3A_2020 = tpu.memref_slice %arg10[%dma_start3A_2010, %dma_start3A_2011, %dma_start3A_2018, %dma_start3A_2019] : memref<2x8x16x128xf32, #tpu.memory_space<vmem>> -> memref<1x1x16x128xf32, #tpu.memory_space<vmem>>
        %dma_start3A_2021 = tpu.memref_squeeze %dma_start3A_2020 : memref<1x1x16x128xf32, #tpu.memory_space<vmem>> -> memref<16x128xf32, #tpu.memory_space<vmem>>
        %dma_start3A_2022 = arith.constant 0 : i32
        %dma_start3A_2023 = tpu.memref_slice %arg5[%dma_start3A_2022, %multiple_of3A_1995] : memref<16x1000000xf32, #tpu.memory_space<hbm>> -> memref<16x128xf32, #tpu.memory_space<hbm>>
        tpu.enqueue_dma source(%dma_start3A_2023 : memref<16x128xf32, #tpu.memory_space<hbm>>) target(%dma_start3A_2021 : memref<16x128xf32, #tpu.memory_space<vmem>>) target_semaphore(%arg14 : memref<!tpu.dma_semaphore, #tpu.memory_space<semaphore_mem>>)
        %slice3A_2024 = vector.extract_strided_slice %shift_right_logical3A_1788 {offsets = [6], sizes = [1], strides = [1]} : vector<16xi32> to vector<1xi32>
        %squeeze3A_2025 = vector.extract %slice3A_2024[0] : i32 from vector<1xi32>
        %mul3A_2026 = arith.constant 128 : i32
        %mul3A_2027 = arith.muli %squeeze3A_2025, %mul3A_2026 : i32
        %multiple_of3A_2028 = tpu.assume_multiple %mul3A_2027, 128 : i32
        %slice3A_2029 = vector.extract_strided_slice %shift_right_logical3A_1795 {offsets = [6], sizes = [1], strides = [1]} : vector<16xi32> to vector<1xi32>
        %squeeze3A_2030 = vector.extract %slice3A_2029[0] : i32 from vector<1xi32>
        %mul3A_2031 = arith.constant 128 : i32
        %mul3A_2032 = arith.muli %squeeze3A_2030, %mul3A_2031 : i32
        %multiple_of3A_2033 = tpu.assume_multiple %mul3A_2032, 128 : i32
        %dma_start3A_2034 = arith.constant 0 : i32
        %dma_start3A_2035 = arith.constant 6 : i32
        %dma_start3A_2036 = arith.constant 0 : i32
        %dma_start3A_2037 = arith.constant 0 : i32
        %dma_start3A_2038 = tpu.memref_slice %arg9[%dma_start3A_2034, %dma_start3A_2035, %dma_start3A_2036, %dma_start3A_2037] : memref<2x8x16x128xf32, #tpu.memory_space<vmem>> -> memref<1x1x16x128xf32, #tpu.memory_space<vmem>>
        %dma_start3A_2039 = tpu.memref_squeeze %dma_start3A_2038 : memref<1x1x16x128xf32, #tpu.memory_space<vmem>> -> memref<16x128xf32, #tpu.memory_space<vmem>>
        %dma_start3A_2040 = arith.constant 0 : i32
        %dma_start3A_2041 = tpu.memref_slice %arg4[%dma_start3A_2040, %multiple_of3A_2028] : memref<16x1000000xf32, #tpu.memory_space<hbm>> -> memref<16x128xf32, #tpu.memory_space<hbm>>
        %dma_start3A_2042 = arith.constant 0 : i32
        %dma_start3A_2043 = arith.constant 0 : i32
        %dma_start3A_2044 = tpu.memref_slice %arg9[%dma_start3A_2034, %dma_start3A_2035, %dma_start3A_2042, %dma_start3A_2043] : memref<2x8x16x128xf32, #tpu.memory_space<vmem>> -> memref<1x1x16x128xf32, #tpu.memory_space<vmem>>
        %dma_start3A_2045 = tpu.memref_squeeze %dma_start3A_2044 : memref<1x1x16x128xf32, #tpu.memory_space<vmem>> -> memref<16x128xf32, #tpu.memory_space<vmem>>
        %dma_start3A_2046 = arith.constant 0 : i32
        %dma_start3A_2047 = tpu.memref_slice %arg4[%dma_start3A_2046, %multiple_of3A_2028] : memref<16x1000000xf32, #tpu.memory_space<hbm>> -> memref<16x128xf32, #tpu.memory_space<hbm>>
        tpu.enqueue_dma source(%dma_start3A_2047 : memref<16x128xf32, #tpu.memory_space<hbm>>) target(%dma_start3A_2045 : memref<16x128xf32, #tpu.memory_space<vmem>>) target_semaphore(%arg12 : memref<!tpu.dma_semaphore, #tpu.memory_space<semaphore_mem>>)
        %dma_start3A_2048 = arith.constant 0 : i32
        %dma_start3A_2049 = arith.constant 6 : i32
        %dma_start3A_2050 = arith.constant 0 : i32
        %dma_start3A_2051 = arith.constant 0 : i32
        %dma_start3A_2052 = tpu.memref_slice %arg10[%dma_start3A_2048, %dma_start3A_2049, %dma_start3A_2050, %dma_start3A_2051] : memref<2x8x16x128xf32, #tpu.memory_space<vmem>> -> memref<1x1x16x128xf32, #tpu.memory_space<vmem>>
        %dma_start3A_2053 = tpu.memref_squeeze %dma_start3A_2052 : memref<1x1x16x128xf32, #tpu.memory_space<vmem>> -> memref<16x128xf32, #tpu.memory_space<vmem>>
        %dma_start3A_2054 = arith.constant 0 : i32
        %dma_start3A_2055 = tpu.memref_slice %arg5[%dma_start3A_2054, %multiple_of3A_2033] : memref<16x1000000xf32, #tpu.memory_space<hbm>> -> memref<16x128xf32, #tpu.memory_space<hbm>>
        %dma_start3A_2056 = arith.constant 0 : i32
        %dma_start3A_2057 = arith.constant 0 : i32
        %dma_start3A_2058 = tpu.memref_slice %arg10[%dma_start3A_2048, %dma_start3A_2049, %dma_start3A_2056, %dma_start3A_2057] : memref<2x8x16x128xf32, #tpu.memory_space<vmem>> -> memref<1x1x16x128xf32, #tpu.memory_space<vmem>>
        %dma_start3A_2059 = tpu.memref_squeeze %dma_start3A_2058 : memref<1x1x16x128xf32, #tpu.memory_space<vmem>> -> memref<16x128xf32, #tpu.memory_space<vmem>>
        %dma_start3A_2060 = arith.constant 0 : i32
        %dma_start3A_2061 = tpu.memref_slice %arg5[%dma_start3A_2060, %multiple_of3A_2033] : memref<16x1000000xf32, #tpu.memory_space<hbm>> -> memref<16x128xf32, #tpu.memory_space<hbm>>
        tpu.enqueue_dma source(%dma_start3A_2061 : memref<16x128xf32, #tpu.memory_space<hbm>>) target(%dma_start3A_2059 : memref<16x128xf32, #tpu.memory_space<vmem>>) target_semaphore(%arg14 : memref<!tpu.dma_semaphore, #tpu.memory_space<semaphore_mem>>)
        %slice3A_2062 = vector.extract_strided_slice %shift_right_logical3A_1788 {offsets = [7], sizes = [1], strides = [1]} : vector<16xi32> to vector<1xi32>
        %squeeze3A_2063 = vector.extract %slice3A_2062[0] : i32 from vector<1xi32>
        %mul3A_2064 = arith.constant 128 : i32
        %mul3A_2065 = arith.muli %squeeze3A_2063, %mul3A_2064 : i32
        %multiple_of3A_2066 = tpu.assume_multiple %mul3A_2065, 128 : i32
        %slice3A_2067 = vector.extract_strided_slice %shift_right_logical3A_1795 {offsets = [7], sizes = [1], strides = [1]} : vector<16xi32> to vector<1xi32>
        %squeeze3A_2068 = vector.extract %slice3A_2067[0] : i32 from vector<1xi32>
        %mul3A_2069 = arith.constant 128 : i32
        %mul3A_2070 = arith.muli %squeeze3A_2068, %mul3A_2069 : i32
        %multiple_of3A_2071 = tpu.assume_multiple %mul3A_2070, 128 : i32
        %dma_start3A_2072 = arith.constant 0 : i32
        %dma_start3A_2073 = arith.constant 7 : i32
        %dma_start3A_2074 = arith.constant 0 : i32
        %dma_start3A_2075 = arith.constant 0 : i32
        %dma_start3A_2076 = tpu.memref_slice %arg9[%dma_start3A_2072, %dma_start3A_2073, %dma_start3A_2074, %dma_start3A_2075] : memref<2x8x16x128xf32, #tpu.memory_space<vmem>> -> memref<1x1x16x128xf32, #tpu.memory_space<vmem>>
        %dma_start3A_2077 = tpu.memref_squeeze %dma_start3A_2076 : memref<1x1x16x128xf32, #tpu.memory_space<vmem>> -> memref<16x128xf32, #tpu.memory_space<vmem>>
        %dma_start3A_2078 = arith.constant 0 : i32
        %dma_start3A_2079 = tpu.memref_slice %arg4[%dma_start3A_2078, %multiple_of3A_2066] : memref<16x1000000xf32, #tpu.memory_space<hbm>> -> memref<16x128xf32, #tpu.memory_space<hbm>>
        %dma_start3A_2080 = arith.constant 0 : i32
        %dma_start3A_2081 = arith.constant 0 : i32
        %dma_start3A_2082 = tpu.memref_slice %arg9[%dma_start3A_2072, %dma_start3A_2073, %dma_start3A_2080, %dma_start3A_2081] : memref<2x8x16x128xf32, #tpu.memory_space<vmem>> -> memref<1x1x16x128xf32, #tpu.memory_space<vmem>>
        %dma_start3A_2083 = tpu.memref_squeeze %dma_start3A_2082 : memref<1x1x16x128xf32, #tpu.memory_space<vmem>> -> memref<16x128xf32, #tpu.memory_space<vmem>>
        %dma_start3A_2084 = arith.constant 0 : i32
        %dma_start3A_2085 = tpu.memref_slice %arg4[%dma_start3A_2084, %multiple_of3A_2066] : memref<16x1000000xf32, #tpu.memory_space<hbm>> -> memref<16x128xf32, #tpu.memory_space<hbm>>
        tpu.enqueue_dma source(%dma_start3A_2085 : memref<16x128xf32, #tpu.memory_space<hbm>>) target(%dma_start3A_2083 : memref<16x128xf32, #tpu.memory_space<vmem>>) target_semaphore(%arg12 : memref<!tpu.dma_semaphore, #tpu.memory_space<semaphore_mem>>)
        %dma_start3A_2086 = arith.constant 0 : i32
        %dma_start3A_2087 = arith.constant 7 : i32
        %dma_start3A_2088 = arith.constant 0 : i32
        %dma_start3A_2089 = arith.constant 0 : i32
        %dma_start3A_2090 = tpu.memref_slice %arg10[%dma_start3A_2086, %dma_start3A_2087, %dma_start3A_2088, %dma_start3A_2089] : memref<2x8x16x128xf32, #tpu.memory_space<vmem>> -> memref<1x1x16x128xf32, #tpu.memory_space<vmem>>
        %dma_start3A_2091 = tpu.memref_squeeze %dma_start3A_2090 : memref<1x1x16x128xf32, #tpu.memory_space<vmem>> -> memref<16x128xf32, #tpu.memory_space<vmem>>
        %dma_start3A_2092 = arith.constant 0 : i32
        %dma_start3A_2093 = tpu.memref_slice %arg5[%dma_start3A_2092, %multiple_of3A_2071] : memref<16x1000000xf32, #tpu.memory_space<hbm>> -> memref<16x128xf32, #tpu.memory_space<hbm>>
        %dma_start3A_2094 = arith.constant 0 : i32
        %dma_start3A_2095 = arith.constant 0 : i32
        %dma_start3A_2096 = tpu.memref_slice %arg10[%dma_start3A_2086, %dma_start3A_2087, %dma_start3A_2094, %dma_start3A_2095] : memref<2x8x16x128xf32, #tpu.memory_space<vmem>> -> memref<1x1x16x128xf32, #tpu.memory_space<vmem>>
        %dma_start3A_2097 = tpu.memref_squeeze %dma_start3A_2096 : memref<1x1x16x128xf32, #tpu.memory_space<vmem>> -> memref<16x128xf32, #tpu.memory_space<vmem>>
        %dma_start3A_2098 = arith.constant 0 : i32
        %dma_start3A_2099 = tpu.memref_slice %arg5[%dma_start3A_2098, %multiple_of3A_2071] : memref<16x1000000xf32, #tpu.memory_space<hbm>> -> memref<16x128xf32, #tpu.memory_space<hbm>>
        tpu.enqueue_dma source(%dma_start3A_2099 : memref<16x128xf32, #tpu.memory_space<hbm>>) target(%dma_start3A_2097 : memref<16x128xf32, #tpu.memory_space<vmem>>) target_semaphore(%arg14 : memref<!tpu.dma_semaphore, #tpu.memory_space<semaphore_mem>>)
      } else {
      }
      %dma_wait3A_1206 = arith.constant 1 : i32
      %dma_wait3A_1207 = arith.constant 0 : i32
      %dma_wait3A_1208 = arith.constant 0 : i32
      %dma_wait3A_1209 = arith.constant 0 : i32
      %dma_wait3A_1210 = tpu.memref_slice %arg9[%dma_wait3A_1206, %dma_wait3A_1207, %dma_wait3A_1208, %dma_wait3A_1209] : memref<2x8x16x128xf32, #tpu.memory_space<vmem>> -> memref<1x1x16x128xf32, #tpu.memory_space<vmem>>
      %dma_wait3A_1211 = tpu.memref_squeeze %dma_wait3A_1210 : memref<1x1x16x128xf32, #tpu.memory_space<vmem>> -> memref<16x128xf32, #tpu.memory_space<vmem>>
      %dma_wait3A_1212 = arith.constant 0 : i32
      %dma_wait3A_1213 = arith.constant 0 : i32
      %dma_wait3A_1214 = tpu.memref_slice %arg4[%dma_wait3A_1212, %dma_wait3A_1213] : memref<16x1000000xf32, #tpu.memory_space<hbm>> -> memref<16x128xf32, #tpu.memory_space<hbm>>
      %dma_wait3A_1215 = arith.constant 0 : i32
      %dma_wait3A_1216 = arith.constant 0 : i32
      %dma_wait3A_1217 = tpu.memref_slice %arg9[%dma_wait3A_1206, %dma_wait3A_1207, %dma_wait3A_1215, %dma_wait3A_1216] : memref<2x8x16x128xf32, #tpu.memory_space<vmem>> -> memref<1x1x16x128xf32, #tpu.memory_space<vmem>>
      %dma_wait3A_1218 = tpu.memref_squeeze %dma_wait3A_1217 : memref<1x1x16x128xf32, #tpu.memory_space<vmem>> -> memref<16x128xf32, #tpu.memory_space<vmem>>
      %dma_wait3A_1219 = arith.constant 0 : i32
      %dma_wait3A_1220 = arith.constant 0 : i32
      %dma_wait3A_1221 = tpu.memref_slice %arg4[%dma_wait3A_1219, %dma_wait3A_1220] : memref<16x1000000xf32, #tpu.memory_space<hbm>> -> memref<16x128xf32, #tpu.memory_space<hbm>>
      tpu.wait_dma2 semaphore(%arg13 : memref<!tpu.dma_semaphore, #tpu.memory_space<semaphore_mem>>) src(%dma_wait3A_1221 : memref<16x128xf32, #tpu.memory_space<hbm>>) dst(%dma_wait3A_1218 : memref<16x128xf32, #tpu.memory_space<vmem>>)
      %dma_wait3A_1222 = arith.constant 1 : i32
      %dma_wait3A_1223 = arith.constant 0 : i32
      %dma_wait3A_1224 = arith.constant 0 : i32
      %dma_wait3A_1225 = arith.constant 0 : i32
      %dma_wait3A_1226 = tpu.memref_slice %arg10[%dma_wait3A_1222, %dma_wait3A_1223, %dma_wait3A_1224, %dma_wait3A_1225] : memref<2x8x16x128xf32, #tpu.memory_space<vmem>> -> memref<1x1x16x128xf32, #tpu.memory_space<vmem>>
      %dma_wait3A_1227 = tpu.memref_squeeze %dma_wait3A_1226 : memref<1x1x16x128xf32, #tpu.memory_space<vmem>> -> memref<16x128xf32, #tpu.memory_space<vmem>>
      %dma_wait3A_1228 = arith.constant 0 : i32
      %dma_wait3A_1229 = arith.constant 0 : i32
      %dma_wait3A_1230 = tpu.memref_slice %arg4[%dma_wait3A_1228, %dma_wait3A_1229] : memref<16x1000000xf32, #tpu.memory_space<hbm>> -> memref<16x128xf32, #tpu.memory_space<hbm>>
      %dma_wait3A_1231 = arith.constant 0 : i32
      %dma_wait3A_1232 = arith.constant 0 : i32
      %dma_wait3A_1233 = tpu.memref_slice %arg10[%dma_wait3A_1222, %dma_wait3A_1223, %dma_wait3A_1231, %dma_wait3A_1232] : memref<2x8x16x128xf32, #tpu.memory_space<vmem>> -> memref<1x1x16x128xf32, #tpu.memory_space<vmem>>
      %dma_wait3A_1234 = tpu.memref_squeeze %dma_wait3A_1233 : memref<1x1x16x128xf32, #tpu.memory_space<vmem>> -> memref<16x128xf32, #tpu.memory_space<vmem>>
      %dma_wait3A_1235 = arith.constant 0 : i32
      %dma_wait3A_1236 = arith.constant 0 : i32
      %dma_wait3A_1237 = tpu.memref_slice %arg4[%dma_wait3A_1235, %dma_wait3A_1236] : memref<16x1000000xf32, #tpu.memory_space<hbm>> -> memref<16x128xf32, #tpu.memory_space<hbm>>
      tpu.wait_dma2 semaphore(%arg15 : memref<!tpu.dma_semaphore, #tpu.memory_space<semaphore_mem>>) src(%dma_wait3A_1237 : memref<16x128xf32, #tpu.memory_space<hbm>>) dst(%dma_wait3A_1234 : memref<16x128xf32, #tpu.memory_space<vmem>>)
      %dma_wait3A_1238 = arith.constant 1 : i32
      %dma_wait3A_1239 = arith.constant 1 : i32
      %dma_wait3A_1240 = arith.constant 0 : i32
      %dma_wait3A_1241 = arith.constant 0 : i32
      %dma_wait3A_1242 = tpu.memref_slice %arg9[%dma_wait3A_1238, %dma_wait3A_1239, %dma_wait3A_1240, %dma_wait3A_1241] : memref<2x8x16x128xf32, #tpu.memory_space<vmem>> -> memref<1x1x16x128xf32, #tpu.memory_space<vmem>>
      %dma_wait3A_1243 = tpu.memref_squeeze %dma_wait3A_1242 : memref<1x1x16x128xf32, #tpu.memory_space<vmem>> -> memref<16x128xf32, #tpu.memory_space<vmem>>
      %dma_wait3A_1244 = arith.constant 0 : i32
      %dma_wait3A_1245 = arith.constant 0 : i32
      %dma_wait3A_1246 = tpu.memref_slice %arg4[%dma_wait3A_1244, %dma_wait3A_1245] : memref<16x1000000xf32, #tpu.memory_space<hbm>> -> memref<16x128xf32, #tpu.memory_space<hbm>>
      %dma_wait3A_1247 = arith.constant 0 : i32
      %dma_wait3A_1248 = arith.constant 0 : i32
      %dma_wait3A_1249 = tpu.memref_slice %arg9[%dma_wait3A_1238, %dma_wait3A_1239, %dma_wait3A_1247, %dma_wait3A_1248] : memref<2x8x16x128xf32, #tpu.memory_space<vmem>> -> memref<1x1x16x128xf32, #tpu.memory_space<vmem>>
      %dma_wait3A_1250 = tpu.memref_squeeze %dma_wait3A_1249 : memref<1x1x16x128xf32, #tpu.memory_space<vmem>> -> memref<16x128xf32, #tpu.memory_space<vmem>>
      %dma_wait3A_1251 = arith.constant 0 : i32
      %dma_wait3A_1252 = arith.constant 0 : i32
      %dma_wait3A_1253 = tpu.memref_slice %arg4[%dma_wait3A_1251, %dma_wait3A_1252] : memref<16x1000000xf32, #tpu.memory_space<hbm>> -> memref<16x128xf32, #tpu.memory_space<hbm>>
      tpu.wait_dma2 semaphore(%arg13 : memref<!tpu.dma_semaphore, #tpu.memory_space<semaphore_mem>>) src(%dma_wait3A_1253 : memref<16x128xf32, #tpu.memory_space<hbm>>) dst(%dma_wait3A_1250 : memref<16x128xf32, #tpu.memory_space<vmem>>)
      %dma_wait3A_1254 = arith.constant 1 : i32
      %dma_wait3A_1255 = arith.constant 1 : i32
      %dma_wait3A_1256 = arith.constant 0 : i32
      %dma_wait3A_1257 = arith.constant 0 : i32
      %dma_wait3A_1258 = tpu.memref_slice %arg10[%dma_wait3A_1254, %dma_wait3A_1255, %dma_wait3A_1256, %dma_wait3A_1257] : memref<2x8x16x128xf32, #tpu.memory_space<vmem>> -> memref<1x1x16x128xf32, #tpu.memory_space<vmem>>
      %dma_wait3A_1259 = tpu.memref_squeeze %dma_wait3A_1258 : memref<1x1x16x128xf32, #tpu.memory_space<vmem>> -> memref<16x128xf32, #tpu.memory_space<vmem>>
      %dma_wait3A_1260 = arith.constant 0 : i32
      %dma_wait3A_1261 = arith.constant 0 : i32
      %dma_wait3A_1262 = tpu.memref_slice %arg4[%dma_wait3A_1260, %dma_wait3A_1261] : memref<16x1000000xf32, #tpu.memory_space<hbm>> -> memref<16x128xf32, #tpu.memory_space<hbm>>
      %dma_wait3A_1263 = arith.constant 0 : i32
      %dma_wait3A_1264 = arith.constant 0 : i32
      %dma_wait3A_1265 = tpu.memref_slice %arg10[%dma_wait3A_1254, %dma_wait3A_1255, %dma_wait3A_1263, %dma_wait3A_1264] : memref<2x8x16x128xf32, #tpu.memory_space<vmem>> -> memref<1x1x16x128xf32, #tpu.memory_space<vmem>>
      %dma_wait3A_1266 = tpu.memref_squeeze %dma_wait3A_1265 : memref<1x1x16x128xf32, #tpu.memory_space<vmem>> -> memref<16x128xf32, #tpu.memory_space<vmem>>
      %dma_wait3A_1267 = arith.constant 0 : i32
      %dma_wait3A_1268 = arith.constant 0 : i32
      %dma_wait3A_1269 = tpu.memref_slice %arg4[%dma_wait3A_1267, %dma_wait3A_1268] : memref<16x1000000xf32, #tpu.memory_space<hbm>> -> memref<16x128xf32, #tpu.memory_space<hbm>>
      tpu.wait_dma2 semaphore(%arg15 : memref<!tpu.dma_semaphore, #tpu.memory_space<semaphore_mem>>) src(%dma_wait3A_1269 : memref<16x128xf32, #tpu.memory_space<hbm>>) dst(%dma_wait3A_1266 : memref<16x128xf32, #tpu.memory_space<vmem>>)
      %dma_wait3A_1270 = arith.constant 1 : i32
      %dma_wait3A_1271 = arith.constant 2 : i32
      %dma_wait3A_1272 = arith.constant 0 : i32
      %dma_wait3A_1273 = arith.constant 0 : i32
      %dma_wait3A_1274 = tpu.memref_slice %arg9[%dma_wait3A_1270, %dma_wait3A_1271, %dma_wait3A_1272, %dma_wait3A_1273] : memref<2x8x16x128xf32, #tpu.memory_space<vmem>> -> memref<1x1x16x128xf32, #tpu.memory_space<vmem>>
      %dma_wait3A_1275 = tpu.memref_squeeze %dma_wait3A_1274 : memref<1x1x16x128xf32, #tpu.memory_space<vmem>> -> memref<16x128xf32, #tpu.memory_space<vmem>>
      %dma_wait3A_1276 = arith.constant 0 : i32
      %dma_wait3A_1277 = arith.constant 0 : i32
      %dma_wait3A_1278 = tpu.memref_slice %arg4[%dma_wait3A_1276, %dma_wait3A_1277] : memref<16x1000000xf32, #tpu.memory_space<hbm>> -> memref<16x128xf32, #tpu.memory_space<hbm>>
      %dma_wait3A_1279 = arith.constant 0 : i32
      %dma_wait3A_1280 = arith.constant 0 : i32
      %dma_wait3A_1281 = tpu.memref_slice %arg9[%dma_wait3A_1270, %dma_wait3A_1271, %dma_wait3A_1279, %dma_wait3A_1280] : memref<2x8x16x128xf32, #tpu.memory_space<vmem>> -> memref<1x1x16x128xf32, #tpu.memory_space<vmem>>
      %dma_wait3A_1282 = tpu.memref_squeeze %dma_wait3A_1281 : memref<1x1x16x128xf32, #tpu.memory_space<vmem>> -> memref<16x128xf32, #tpu.memory_space<vmem>>
      %dma_wait3A_1283 = arith.constant 0 : i32
      %dma_wait3A_1284 = arith.constant 0 : i32
      %dma_wait3A_1285 = tpu.memref_slice %arg4[%dma_wait3A_1283, %dma_wait3A_1284] : memref<16x1000000xf32, #tpu.memory_space<hbm>> -> memref<16x128xf32, #tpu.memory_space<hbm>>
      tpu.wait_dma2 semaphore(%arg13 : memref<!tpu.dma_semaphore, #tpu.memory_space<semaphore_mem>>) src(%dma_wait3A_1285 : memref<16x128xf32, #tpu.memory_space<hbm>>) dst(%dma_wait3A_1282 : memref<16x128xf32, #tpu.memory_space<vmem>>)
      %dma_wait3A_1286 = arith.constant 1 : i32
      %dma_wait3A_1287 = arith.constant 2 : i32
      %dma_wait3A_1288 = arith.constant 0 : i32
      %dma_wait3A_1289 = arith.constant 0 : i32
      %dma_wait3A_1290 = tpu.memref_slice %arg10[%dma_wait3A_1286, %dma_wait3A_1287, %dma_wait3A_1288, %dma_wait3A_1289] : memref<2x8x16x128xf32, #tpu.memory_space<vmem>> -> memref<1x1x16x128xf32, #tpu.memory_space<vmem>>
      %dma_wait3A_1291 = tpu.memref_squeeze %dma_wait3A_1290 : memref<1x1x16x128xf32, #tpu.memory_space<vmem>> -> memref<16x128xf32, #tpu.memory_space<vmem>>
      %dma_wait3A_1292 = arith.constant 0 : i32
      %dma_wait3A_1293 = arith.constant 0 : i32
      %dma_wait3A_1294 = tpu.memref_slice %arg4[%dma_wait3A_1292, %dma_wait3A_1293] : memref<16x1000000xf32, #tpu.memory_space<hbm>> -> memref<16x128xf32, #tpu.memory_space<hbm>>
      %dma_wait3A_1295 = arith.constant 0 : i32
      %dma_wait3A_1296 = arith.constant 0 : i32
      %dma_wait3A_1297 = tpu.memref_slice %arg10[%dma_wait3A_1286, %dma_wait3A_1287, %dma_wait3A_1295, %dma_wait3A_1296] : memref<2x8x16x128xf32, #tpu.memory_space<vmem>> -> memref<1x1x16x128xf32, #tpu.memory_space<vmem>>
      %dma_wait3A_1298 = tpu.memref_squeeze %dma_wait3A_1297 : memref<1x1x16x128xf32, #tpu.memory_space<vmem>> -> memref<16x128xf32, #tpu.memory_space<vmem>>
      %dma_wait3A_1299 = arith.constant 0 : i32
      %dma_wait3A_1300 = arith.constant 0 : i32
      %dma_wait3A_1301 = tpu.memref_slice %arg4[%dma_wait3A_1299, %dma_wait3A_1300] : memref<16x1000000xf32, #tpu.memory_space<hbm>> -> memref<16x128xf32, #tpu.memory_space<hbm>>
      tpu.wait_dma2 semaphore(%arg15 : memref<!tpu.dma_semaphore, #tpu.memory_space<semaphore_mem>>) src(%dma_wait3A_1301 : memref<16x128xf32, #tpu.memory_space<hbm>>) dst(%dma_wait3A_1298 : memref<16x128xf32, #tpu.memory_space<vmem>>)
      %dma_wait3A_1302 = arith.constant 1 : i32
      %dma_wait3A_1303 = arith.constant 3 : i32
      %dma_wait3A_1304 = arith.constant 0 : i32
      %dma_wait3A_1305 = arith.constant 0 : i32
      %dma_wait3A_1306 = tpu.memref_slice %arg9[%dma_wait3A_1302, %dma_wait3A_1303, %dma_wait3A_1304, %dma_wait3A_1305] : memref<2x8x16x128xf32, #tpu.memory_space<vmem>> -> memref<1x1x16x128xf32, #tpu.memory_space<vmem>>
      %dma_wait3A_1307 = tpu.memref_squeeze %dma_wait3A_1306 : memref<1x1x16x128xf32, #tpu.memory_space<vmem>> -> memref<16x128xf32, #tpu.memory_space<vmem>>
      %dma_wait3A_1308 = arith.constant 0 : i32
      %dma_wait3A_1309 = arith.constant 0 : i32
      %dma_wait3A_1310 = tpu.memref_slice %arg4[%dma_wait3A_1308, %dma_wait3A_1309] : memref<16x1000000xf32, #tpu.memory_space<hbm>> -> memref<16x128xf32, #tpu.memory_space<hbm>>
      %dma_wait3A_1311 = arith.constant 0 : i32
      %dma_wait3A_1312 = arith.constant 0 : i32
      %dma_wait3A_1313 = tpu.memref_slice %arg9[%dma_wait3A_1302, %dma_wait3A_1303, %dma_wait3A_1311, %dma_wait3A_1312] : memref<2x8x16x128xf32, #tpu.memory_space<vmem>> -> memref<1x1x16x128xf32, #tpu.memory_space<vmem>>
      %dma_wait3A_1314 = tpu.memref_squeeze %dma_wait3A_1313 : memref<1x1x16x128xf32, #tpu.memory_space<vmem>> -> memref<16x128xf32, #tpu.memory_space<vmem>>
      %dma_wait3A_1315 = arith.constant 0 : i32
      %dma_wait3A_1316 = arith.constant 0 : i32
      %dma_wait3A_1317 = tpu.memref_slice %arg4[%dma_wait3A_1315, %dma_wait3A_1316] : memref<16x1000000xf32, #tpu.memory_space<hbm>> -> memref<16x128xf32, #tpu.memory_space<hbm>>
      tpu.wait_dma2 semaphore(%arg13 : memref<!tpu.dma_semaphore, #tpu.memory_space<semaphore_mem>>) src(%dma_wait3A_1317 : memref<16x128xf32, #tpu.memory_space<hbm>>) dst(%dma_wait3A_1314 : memref<16x128xf32, #tpu.memory_space<vmem>>)
      %dma_wait3A_1318 = arith.constant 1 : i32
      %dma_wait3A_1319 = arith.constant 3 : i32
      %dma_wait3A_1320 = arith.constant 0 : i32
      %dma_wait3A_1321 = arith.constant 0 : i32
      %dma_wait3A_1322 = tpu.memref_slice %arg10[%dma_wait3A_1318, %dma_wait3A_1319, %dma_wait3A_1320, %dma_wait3A_1321] : memref<2x8x16x128xf32, #tpu.memory_space<vmem>> -> memref<1x1x16x128xf32, #tpu.memory_space<vmem>>
      %dma_wait3A_1323 = tpu.memref_squeeze %dma_wait3A_1322 : memref<1x1x16x128xf32, #tpu.memory_space<vmem>> -> memref<16x128xf32, #tpu.memory_space<vmem>>
      %dma_wait3A_1324 = arith.constant 0 : i32
      %dma_wait3A_1325 = arith.constant 0 : i32
      %dma_wait3A_1326 = tpu.memref_slice %arg4[%dma_wait3A_1324, %dma_wait3A_1325] : memref<16x1000000xf32, #tpu.memory_space<hbm>> -> memref<16x128xf32, #tpu.memory_space<hbm>>
      %dma_wait3A_1327 = arith.constant 0 : i32
      %dma_wait3A_1328 = arith.constant 0 : i32
      %dma_wait3A_1329 = tpu.memref_slice %arg10[%dma_wait3A_1318, %dma_wait3A_1319, %dma_wait3A_1327, %dma_wait3A_1328] : memref<2x8x16x128xf32, #tpu.memory_space<vmem>> -> memref<1x1x16x128xf32, #tpu.memory_space<vmem>>
      %dma_wait3A_1330 = tpu.memref_squeeze %dma_wait3A_1329 : memref<1x1x16x128xf32, #tpu.memory_space<vmem>> -> memref<16x128xf32, #tpu.memory_space<vmem>>
      %dma_wait3A_1331 = arith.constant 0 : i32
      %dma_wait3A_1332 = arith.constant 0 : i32
      %dma_wait3A_1333 = tpu.memref_slice %arg4[%dma_wait3A_1331, %dma_wait3A_1332] : memref<16x1000000xf32, #tpu.memory_space<hbm>> -> memref<16x128xf32, #tpu.memory_space<hbm>>
      tpu.wait_dma2 semaphore(%arg15 : memref<!tpu.dma_semaphore, #tpu.memory_space<semaphore_mem>>) src(%dma_wait3A_1333 : memref<16x128xf32, #tpu.memory_space<hbm>>) dst(%dma_wait3A_1330 : memref<16x128xf32, #tpu.memory_space<vmem>>)
      %dma_wait3A_1334 = arith.constant 1 : i32
      %dma_wait3A_1335 = arith.constant 4 : i32
      %dma_wait3A_1336 = arith.constant 0 : i32
      %dma_wait3A_1337 = arith.constant 0 : i32
      %dma_wait3A_1338 = tpu.memref_slice %arg9[%dma_wait3A_1334, %dma_wait3A_1335, %dma_wait3A_1336, %dma_wait3A_1337] : memref<2x8x16x128xf32, #tpu.memory_space<vmem>> -> memref<1x1x16x128xf32, #tpu.memory_space<vmem>>
      %dma_wait3A_1339 = tpu.memref_squeeze %dma_wait3A_1338 : memref<1x1x16x128xf32, #tpu.memory_space<vmem>> -> memref<16x128xf32, #tpu.memory_space<vmem>>
      %dma_wait3A_1340 = arith.constant 0 : i32
      %dma_wait3A_1341 = arith.constant 0 : i32
      %dma_wait3A_1342 = tpu.memref_slice %arg4[%dma_wait3A_1340, %dma_wait3A_1341] : memref<16x1000000xf32, #tpu.memory_space<hbm>> -> memref<16x128xf32, #tpu.memory_space<hbm>>
      %dma_wait3A_1343 = arith.constant 0 : i32
      %dma_wait3A_1344 = arith.constant 0 : i32
      %dma_wait3A_1345 = tpu.memref_slice %arg9[%dma_wait3A_1334, %dma_wait3A_1335, %dma_wait3A_1343, %dma_wait3A_1344] : memref<2x8x16x128xf32, #tpu.memory_space<vmem>> -> memref<1x1x16x128xf32, #tpu.memory_space<vmem>>
      %dma_wait3A_1346 = tpu.memref_squeeze %dma_wait3A_1345 : memref<1x1x16x128xf32, #tpu.memory_space<vmem>> -> memref<16x128xf32, #tpu.memory_space<vmem>>
      %dma_wait3A_1347 = arith.constant 0 : i32
      %dma_wait3A_1348 = arith.constant 0 : i32
      %dma_wait3A_1349 = tpu.memref_slice %arg4[%dma_wait3A_1347, %dma_wait3A_1348] : memref<16x1000000xf32, #tpu.memory_space<hbm>> -> memref<16x128xf32, #tpu.memory_space<hbm>>
      tpu.wait_dma2 semaphore(%arg13 : memref<!tpu.dma_semaphore, #tpu.memory_space<semaphore_mem>>) src(%dma_wait3A_1349 : memref<16x128xf32, #tpu.memory_space<hbm>>) dst(%dma_wait3A_1346 : memref<16x128xf32, #tpu.memory_space<vmem>>)
      %dma_wait3A_1350 = arith.constant 1 : i32
      %dma_wait3A_1351 = arith.constant 4 : i32
      %dma_wait3A_1352 = arith.constant 0 : i32
      %dma_wait3A_1353 = arith.constant 0 : i32
      %dma_wait3A_1354 = tpu.memref_slice %arg10[%dma_wait3A_1350, %dma_wait3A_1351, %dma_wait3A_1352, %dma_wait3A_1353] : memref<2x8x16x128xf32, #tpu.memory_space<vmem>> -> memref<1x1x16x128xf32, #tpu.memory_space<vmem>>
      %dma_wait3A_1355 = tpu.memref_squeeze %dma_wait3A_1354 : memref<1x1x16x128xf32, #tpu.memory_space<vmem>> -> memref<16x128xf32, #tpu.memory_space<vmem>>
      %dma_wait3A_1356 = arith.constant 0 : i32
      %dma_wait3A_1357 = arith.constant 0 : i32
      %dma_wait3A_1358 = tpu.memref_slice %arg4[%dma_wait3A_1356, %dma_wait3A_1357] : memref<16x1000000xf32, #tpu.memory_space<hbm>> -> memref<16x128xf32, #tpu.memory_space<hbm>>
      %dma_wait3A_1359 = arith.constant 0 : i32
      %dma_wait3A_1360 = arith.constant 0 : i32
      %dma_wait3A_1361 = tpu.memref_slice %arg10[%dma_wait3A_1350, %dma_wait3A_1351, %dma_wait3A_1359, %dma_wait3A_1360] : memref<2x8x16x128xf32, #tpu.memory_space<vmem>> -> memref<1x1x16x128xf32, #tpu.memory_space<vmem>>
      %dma_wait3A_1362 = tpu.memref_squeeze %dma_wait3A_1361 : memref<1x1x16x128xf32, #tpu.memory_space<vmem>> -> memref<16x128xf32, #tpu.memory_space<vmem>>
      %dma_wait3A_1363 = arith.constant 0 : i32
      %dma_wait3A_1364 = arith.constant 0 : i32
      %dma_wait3A_1365 = tpu.memref_slice %arg4[%dma_wait3A_1363, %dma_wait3A_1364] : memref<16x1000000xf32, #tpu.memory_space<hbm>> -> memref<16x128xf32, #tpu.memory_space<hbm>>
      tpu.wait_dma2 semaphore(%arg15 : memref<!tpu.dma_semaphore, #tpu.memory_space<semaphore_mem>>) src(%dma_wait3A_1365 : memref<16x128xf32, #tpu.memory_space<hbm>>) dst(%dma_wait3A_1362 : memref<16x128xf32, #tpu.memory_space<vmem>>)
      %dma_wait3A_1366 = arith.constant 1 : i32
      %dma_wait3A_1367 = arith.constant 5 : i32
      %dma_wait3A_1368 = arith.constant 0 : i32
      %dma_wait3A_1369 = arith.constant 0 : i32
      %dma_wait3A_1370 = tpu.memref_slice %arg9[%dma_wait3A_1366, %dma_wait3A_1367, %dma_wait3A_1368, %dma_wait3A_1369] : memref<2x8x16x128xf32, #tpu.memory_space<vmem>> -> memref<1x1x16x128xf32, #tpu.memory_space<vmem>>
      %dma_wait3A_1371 = tpu.memref_squeeze %dma_wait3A_1370 : memref<1x1x16x128xf32, #tpu.memory_space<vmem>> -> memref<16x128xf32, #tpu.memory_space<vmem>>
      %dma_wait3A_1372 = arith.constant 0 : i32
      %dma_wait3A_1373 = arith.constant 0 : i32
      %dma_wait3A_1374 = tpu.memref_slice %arg4[%dma_wait3A_1372, %dma_wait3A_1373] : memref<16x1000000xf32, #tpu.memory_space<hbm>> -> memref<16x128xf32, #tpu.memory_space<hbm>>
      %dma_wait3A_1375 = arith.constant 0 : i32
      %dma_wait3A_1376 = arith.constant 0 : i32
      %dma_wait3A_1377 = tpu.memref_slice %arg9[%dma_wait3A_1366, %dma_wait3A_1367, %dma_wait3A_1375, %dma_wait3A_1376] : memref<2x8x16x128xf32, #tpu.memory_space<vmem>> -> memref<1x1x16x128xf32, #tpu.memory_space<vmem>>
      %dma_wait3A_1378 = tpu.memref_squeeze %dma_wait3A_1377 : memref<1x1x16x128xf32, #tpu.memory_space<vmem>> -> memref<16x128xf32, #tpu.memory_space<vmem>>
      %dma_wait3A_1379 = arith.constant 0 : i32
      %dma_wait3A_1380 = arith.constant 0 : i32
      %dma_wait3A_1381 = tpu.memref_slice %arg4[%dma_wait3A_1379, %dma_wait3A_1380] : memref<16x1000000xf32, #tpu.memory_space<hbm>> -> memref<16x128xf32, #tpu.memory_space<hbm>>
      tpu.wait_dma2 semaphore(%arg13 : memref<!tpu.dma_semaphore, #tpu.memory_space<semaphore_mem>>) src(%dma_wait3A_1381 : memref<16x128xf32, #tpu.memory_space<hbm>>) dst(%dma_wait3A_1378 : memref<16x128xf32, #tpu.memory_space<vmem>>)
      %dma_wait3A_1382 = arith.constant 1 : i32
      %dma_wait3A_1383 = arith.constant 5 : i32
      %dma_wait3A_1384 = arith.constant 0 : i32
      %dma_wait3A_1385 = arith.constant 0 : i32
      %dma_wait3A_1386 = tpu.memref_slice %arg10[%dma_wait3A_1382, %dma_wait3A_1383, %dma_wait3A_1384, %dma_wait3A_1385] : memref<2x8x16x128xf32, #tpu.memory_space<vmem>> -> memref<1x1x16x128xf32, #tpu.memory_space<vmem>>
      %dma_wait3A_1387 = tpu.memref_squeeze %dma_wait3A_1386 : memref<1x1x16x128xf32, #tpu.memory_space<vmem>> -> memref<16x128xf32, #tpu.memory_space<vmem>>
      %dma_wait3A_1388 = arith.constant 0 : i32
      %dma_wait3A_1389 = arith.constant 0 : i32
      %dma_wait3A_1390 = tpu.memref_slice %arg4[%dma_wait3A_1388, %dma_wait3A_1389] : memref<16x1000000xf32, #tpu.memory_space<hbm>> -> memref<16x128xf32, #tpu.memory_space<hbm>>
      %dma_wait3A_1391 = arith.constant 0 : i32
      %dma_wait3A_1392 = arith.constant 0 : i32
      %dma_wait3A_1393 = tpu.memref_slice %arg10[%dma_wait3A_1382, %dma_wait3A_1383, %dma_wait3A_1391, %dma_wait3A_1392] : memref<2x8x16x128xf32, #tpu.memory_space<vmem>> -> memref<1x1x16x128xf32, #tpu.memory_space<vmem>>
      %dma_wait3A_1394 = tpu.memref_squeeze %dma_wait3A_1393 : memref<1x1x16x128xf32, #tpu.memory_space<vmem>> -> memref<16x128xf32, #tpu.memory_space<vmem>>
      %dma_wait3A_1395 = arith.constant 0 : i32
      %dma_wait3A_1396 = arith.constant 0 : i32
      %dma_wait3A_1397 = tpu.memref_slice %arg4[%dma_wait3A_1395, %dma_wait3A_1396] : memref<16x1000000xf32, #tpu.memory_space<hbm>> -> memref<16x128xf32, #tpu.memory_space<hbm>>
      tpu.wait_dma2 semaphore(%arg15 : memref<!tpu.dma_semaphore, #tpu.memory_space<semaphore_mem>>) src(%dma_wait3A_1397 : memref<16x128xf32, #tpu.memory_space<hbm>>) dst(%dma_wait3A_1394 : memref<16x128xf32, #tpu.memory_space<vmem>>)
      %dma_wait3A_1398 = arith.constant 1 : i32
      %dma_wait3A_1399 = arith.constant 6 : i32
      %dma_wait3A_1400 = arith.constant 0 : i32
      %dma_wait3A_1401 = arith.constant 0 : i32
      %dma_wait3A_1402 = tpu.memref_slice %arg9[%dma_wait3A_1398, %dma_wait3A_1399, %dma_wait3A_1400, %dma_wait3A_1401] : memref<2x8x16x128xf32, #tpu.memory_space<vmem>> -> memref<1x1x16x128xf32, #tpu.memory_space<vmem>>
      %dma_wait3A_1403 = tpu.memref_squeeze %dma_wait3A_1402 : memref<1x1x16x128xf32, #tpu.memory_space<vmem>> -> memref<16x128xf32, #tpu.memory_space<vmem>>
      %dma_wait3A_1404 = arith.constant 0 : i32
      %dma_wait3A_1405 = arith.constant 0 : i32
      %dma_wait3A_1406 = tpu.memref_slice %arg4[%dma_wait3A_1404, %dma_wait3A_1405] : memref<16x1000000xf32, #tpu.memory_space<hbm>> -> memref<16x128xf32, #tpu.memory_space<hbm>>
      %dma_wait3A_1407 = arith.constant 0 : i32
      %dma_wait3A_1408 = arith.constant 0 : i32
      %dma_wait3A_1409 = tpu.memref_slice %arg9[%dma_wait3A_1398, %dma_wait3A_1399, %dma_wait3A_1407, %dma_wait3A_1408] : memref<2x8x16x128xf32, #tpu.memory_space<vmem>> -> memref<1x1x16x128xf32, #tpu.memory_space<vmem>>
      %dma_wait3A_1410 = tpu.memref_squeeze %dma_wait3A_1409 : memref<1x1x16x128xf32, #tpu.memory_space<vmem>> -> memref<16x128xf32, #tpu.memory_space<vmem>>
      %dma_wait3A_1411 = arith.constant 0 : i32
      %dma_wait3A_1412 = arith.constant 0 : i32
      %dma_wait3A_1413 = tpu.memref_slice %arg4[%dma_wait3A_1411, %dma_wait3A_1412] : memref<16x1000000xf32, #tpu.memory_space<hbm>> -> memref<16x128xf32, #tpu.memory_space<hbm>>
      tpu.wait_dma2 semaphore(%arg13 : memref<!tpu.dma_semaphore, #tpu.memory_space<semaphore_mem>>) src(%dma_wait3A_1413 : memref<16x128xf32, #tpu.memory_space<hbm>>) dst(%dma_wait3A_1410 : memref<16x128xf32, #tpu.memory_space<vmem>>)
      %dma_wait3A_1414 = arith.constant 1 : i32
      %dma_wait3A_1415 = arith.constant 6 : i32
      %dma_wait3A_1416 = arith.constant 0 : i32
      %dma_wait3A_1417 = arith.constant 0 : i32
      %dma_wait3A_1418 = tpu.memref_slice %arg10[%dma_wait3A_1414, %dma_wait3A_1415, %dma_wait3A_1416, %dma_wait3A_1417] : memref<2x8x16x128xf32, #tpu.memory_space<vmem>> -> memref<1x1x16x128xf32, #tpu.memory_space<vmem>>
      %dma_wait3A_1419 = tpu.memref_squeeze %dma_wait3A_1418 : memref<1x1x16x128xf32, #tpu.memory_space<vmem>> -> memref<16x128xf32, #tpu.memory_space<vmem>>
      %dma_wait3A_1420 = arith.constant 0 : i32
      %dma_wait3A_1421 = arith.constant 0 : i32
      %dma_wait3A_1422 = tpu.memref_slice %arg4[%dma_wait3A_1420, %dma_wait3A_1421] : memref<16x1000000xf32, #tpu.memory_space<hbm>> -> memref<16x128xf32, #tpu.memory_space<hbm>>
      %dma_wait3A_1423 = arith.constant 0 : i32
      %dma_wait3A_1424 = arith.constant 0 : i32
      %dma_wait3A_1425 = tpu.memref_slice %arg10[%dma_wait3A_1414, %dma_wait3A_1415, %dma_wait3A_1423, %dma_wait3A_1424] : memref<2x8x16x128xf32, #tpu.memory_space<vmem>> -> memref<1x1x16x128xf32, #tpu.memory_space<vmem>>
      %dma_wait3A_1426 = tpu.memref_squeeze %dma_wait3A_1425 : memref<1x1x16x128xf32, #tpu.memory_space<vmem>> -> memref<16x128xf32, #tpu.memory_space<vmem>>
      %dma_wait3A_1427 = arith.constant 0 : i32
      %dma_wait3A_1428 = arith.constant 0 : i32
      %dma_wait3A_1429 = tpu.memref_slice %arg4[%dma_wait3A_1427, %dma_wait3A_1428] : memref<16x1000000xf32, #tpu.memory_space<hbm>> -> memref<16x128xf32, #tpu.memory_space<hbm>>
      tpu.wait_dma2 semaphore(%arg15 : memref<!tpu.dma_semaphore, #tpu.memory_space<semaphore_mem>>) src(%dma_wait3A_1429 : memref<16x128xf32, #tpu.memory_space<hbm>>) dst(%dma_wait3A_1426 : memref<16x128xf32, #tpu.memory_space<vmem>>)
      %dma_wait3A_1430 = arith.constant 1 : i32
      %dma_wait3A_1431 = arith.constant 7 : i32
      %dma_wait3A_1432 = arith.constant 0 : i32
      %dma_wait3A_1433 = arith.constant 0 : i32
      %dma_wait3A_1434 = tpu.memref_slice %arg9[%dma_wait3A_1430, %dma_wait3A_1431, %dma_wait3A_1432, %dma_wait3A_1433] : memref<2x8x16x128xf32, #tpu.memory_space<vmem>> -> memref<1x1x16x128xf32, #tpu.memory_space<vmem>>
      %dma_wait3A_1435 = tpu.memref_squeeze %dma_wait3A_1434 : memref<1x1x16x128xf32, #tpu.memory_space<vmem>> -> memref<16x128xf32, #tpu.memory_space<vmem>>
      %dma_wait3A_1436 = arith.constant 0 : i32
      %dma_wait3A_1437 = arith.constant 0 : i32
      %dma_wait3A_1438 = tpu.memref_slice %arg4[%dma_wait3A_1436, %dma_wait3A_1437] : memref<16x1000000xf32, #tpu.memory_space<hbm>> -> memref<16x128xf32, #tpu.memory_space<hbm>>
      %dma_wait3A_1439 = arith.constant 0 : i32
      %dma_wait3A_1440 = arith.constant 0 : i32
      %dma_wait3A_1441 = tpu.memref_slice %arg9[%dma_wait3A_1430, %dma_wait3A_1431, %dma_wait3A_1439, %dma_wait3A_1440] : memref<2x8x16x128xf32, #tpu.memory_space<vmem>> -> memref<1x1x16x128xf32, #tpu.memory_space<vmem>>
      %dma_wait3A_1442 = tpu.memref_squeeze %dma_wait3A_1441 : memref<1x1x16x128xf32, #tpu.memory_space<vmem>> -> memref<16x128xf32, #tpu.memory_space<vmem>>
      %dma_wait3A_1443 = arith.constant 0 : i32
      %dma_wait3A_1444 = arith.constant 0 : i32
      %dma_wait3A_1445 = tpu.memref_slice %arg4[%dma_wait3A_1443, %dma_wait3A_1444] : memref<16x1000000xf32, #tpu.memory_space<hbm>> -> memref<16x128xf32, #tpu.memory_space<hbm>>
      tpu.wait_dma2 semaphore(%arg13 : memref<!tpu.dma_semaphore, #tpu.memory_space<semaphore_mem>>) src(%dma_wait3A_1445 : memref<16x128xf32, #tpu.memory_space<hbm>>) dst(%dma_wait3A_1442 : memref<16x128xf32, #tpu.memory_space<vmem>>)
      %dma_wait3A_1446 = arith.constant 1 : i32
      %dma_wait3A_1447 = arith.constant 7 : i32
      %dma_wait3A_1448 = arith.constant 0 : i32
      %dma_wait3A_1449 = arith.constant 0 : i32
      %dma_wait3A_1450 = tpu.memref_slice %arg10[%dma_wait3A_1446, %dma_wait3A_1447, %dma_wait3A_1448, %dma_wait3A_1449] : memref<2x8x16x128xf32, #tpu.memory_space<vmem>> -> memref<1x1x16x128xf32, #tpu.memory_space<vmem>>
      %dma_wait3A_1451 = tpu.memref_squeeze %dma_wait3A_1450 : memref<1x1x16x128xf32, #tpu.memory_space<vmem>> -> memref<16x128xf32, #tpu.memory_space<vmem>>
      %dma_wait3A_1452 = arith.constant 0 : i32
      %dma_wait3A_1453 = arith.constant 0 : i32
      %dma_wait3A_1454 = tpu.memref_slice %arg4[%dma_wait3A_1452, %dma_wait3A_1453] : memref<16x1000000xf32, #tpu.memory_space<hbm>> -> memref<16x128xf32, #tpu.memory_space<hbm>>
      %dma_wait3A_1455 = arith.constant 0 : i32
      %dma_wait3A_1456 = arith.constant 0 : i32
      %dma_wait3A_1457 = tpu.memref_slice %arg10[%dma_wait3A_1446, %dma_wait3A_1447, %dma_wait3A_1455, %dma_wait3A_1456] : memref<2x8x16x128xf32, #tpu.memory_space<vmem>> -> memref<1x1x16x128xf32, #tpu.memory_space<vmem>>
      %dma_wait3A_1458 = tpu.memref_squeeze %dma_wait3A_1457 : memref<1x1x16x128xf32, #tpu.memory_space<vmem>> -> memref<16x128xf32, #tpu.memory_space<vmem>>
      %dma_wait3A_1459 = arith.constant 0 : i32
      %dma_wait3A_1460 = arith.constant 0 : i32
      %dma_wait3A_1461 = tpu.memref_slice %arg4[%dma_wait3A_1459, %dma_wait3A_1460] : memref<16x1000000xf32, #tpu.memory_space<hbm>> -> memref<16x128xf32, #tpu.memory_space<hbm>>
      tpu.wait_dma2 semaphore(%arg15 : memref<!tpu.dma_semaphore, #tpu.memory_space<semaphore_mem>>) src(%dma_wait3A_1461 : memref<16x128xf32, #tpu.memory_space<hbm>>) dst(%dma_wait3A_1458 : memref<16x128xf32, #tpu.memory_space<vmem>>)
      %mul3A_1462 = arith.constant 2 : i32
      %mul3A_1463 = arith.muli %mul3A_1462, %scan3A_318 : i32
      %add3A_1464 = arith.constant 1 : i32
      %add3A_1465 = arith.addi %mul3A_1463, %add3A_1464 : i32
      %mul3A_1466 = arith.constant 8 : i32
      %mul3A_1467 = arith.muli %add3A_1465, %mul3A_1466 : i32
      %add3A_1468 = vector.broadcast %mul3A_1467 : i32 to vector<16xi32>
      %add3A_1469 = arith.addi %add3A_1468, %and3A_4 : vector<16xi32>
      %gather3A_1470 = tpu.vector_load_idx %arg7[%add3A_1469] : memref<528xi32, #tpu.memory_space<vmem>>[vector<16xi32>], vector<16xi32>,
      %and3A_1471 = arith.constant 127 : i32
      %and3A_1472 = vector.broadcast %and3A_1471 : i32 to vector<16xi32>
      %and3A_1473 = arith.andi %gather3A_1470, %and3A_1472 : vector<16xi32>
      %mul3A_1474 = arith.constant 8 : i32
      %mul3A_1475 = arith.muli %add3A_1465, %mul3A_1474 : i32
      %add3A_1476 = vector.broadcast %mul3A_1475 : i32 to vector<16xi32>
      %add3A_1477 = arith.addi %add3A_1476, %and3A_4 : vector<16xi32>
      %gather3A_1478 = tpu.vector_load_idx %arg8[%add3A_1477] : memref<528xi32, #tpu.memory_space<vmem>>[vector<16xi32>], vector<16xi32>,
      %and3A_1479 = arith.constant 127 : i32
      %and3A_1480 = vector.broadcast %and3A_1479 : i32 to vector<16xi32>
      %and3A_1481 = arith.andi %gather3A_1478, %and3A_1480 : vector<16xi32>
      %broadcast_in_dim3A_1482 = arith.constant 0.000000e+00 : f32
      %broadcast_in_dim3A_1483 = vector.broadcast %broadcast_in_dim3A_1482 : f32 to vector<16xf32>
      %broadcast_in_dim3A_1484 = arith.constant 0 : i32
      %broadcast_in_dim3A_1485 = vector.broadcast %broadcast_in_dim3A_1484 : i32 to vector<16xi32>
      %gather3A_1486 = arith.constant 1 : i32
      %gather3A_1487 = arith.constant 0 : i32
      %gather3A_1488 = arith.constant 0 : i32
      %gather3A_1489 = arith.constant 0 : i32
      %gather3A_1490 = tpu.memref_slice %arg9[%gather3A_1486, %gather3A_1487, %gather3A_1488, %gather3A_1489] : memref<2x8x16x128xf32, #tpu.memory_space<vmem>> -> memref<1x8x16x128xf32, #tpu.memory_space<vmem>>
      %gather3A_1491 = tpu.memref_squeeze %gather3A_1490 : memref<1x8x16x128xf32, #tpu.memory_space<vmem>> -> memref<8x16x128xf32, #tpu.memory_space<vmem>>
      %gather3A_1492 = tpu.vector_load_idx %gather3A_1491[%and3A_4, %broadcast_in_dim3A_1485, %and3A_1473] : memref<8x16x128xf32, #tpu.memory_space<vmem>>[vector<16xi32>, vector<16xi32>, vector<16xi32>], vector<16xf32>,
      %gather3A_1493 = arith.constant 1 : i32
      %gather3A_1494 = arith.constant 0 : i32
      %gather3A_1495 = arith.constant 0 : i32
      %gather3A_1496 = arith.constant 0 : i32
      %gather3A_1497 = tpu.memref_slice %arg10[%gather3A_1493, %gather3A_1494, %gather3A_1495, %gather3A_1496] : memref<2x8x16x128xf32, #tpu.memory_space<vmem>> -> memref<1x8x16x128xf32, #tpu.memory_space<vmem>>
      %gather3A_1498 = tpu.memref_squeeze %gather3A_1497 : memref<1x8x16x128xf32, #tpu.memory_space<vmem>> -> memref<8x16x128xf32, #tpu.memory_space<vmem>>
      %gather3A_1499 = tpu.vector_load_idx %gather3A_1498[%and3A_4, %broadcast_in_dim3A_1485, %and3A_1481] : memref<8x16x128xf32, #tpu.memory_space<vmem>>[vector<16xi32>, vector<16xi32>, vector<16xi32>], vector<16xf32>,
      %mul3A_1500 = arith.mulf %gather3A_1492, %gather3A_1499 : vector<16xf32>
      %add3A_1501 = arith.addf %broadcast_in_dim3A_1483, %mul3A_1500 : vector<16xf32>
      %broadcast_in_dim3A_1502 = arith.constant 1 : i32
      %broadcast_in_dim3A_1503 = vector.broadcast %broadcast_in_dim3A_1502 : i32 to vector<16xi32>
      %gather3A_1504 = arith.constant 1 : i32
      %gather3A_1505 = arith.constant 0 : i32
      %gather3A_1506 = arith.constant 0 : i32
      %gather3A_1507 = arith.constant 0 : i32
      %gather3A_1508 = tpu.memref_slice %arg9[%gather3A_1504, %gather3A_1505, %gather3A_1506, %gather3A_1507] : memref<2x8x16x128xf32, #tpu.memory_space<vmem>> -> memref<1x8x16x128xf32, #tpu.memory_space<vmem>>
      %gather3A_1509 = tpu.memref_squeeze %gather3A_1508 : memref<1x8x16x128xf32, #tpu.memory_space<vmem>> -> memref<8x16x128xf32, #tpu.memory_space<vmem>>
      %gather3A_1510 = tpu.vector_load_idx %gather3A_1509[%and3A_4, %broadcast_in_dim3A_1503, %and3A_1473] : memref<8x16x128xf32, #tpu.memory_space<vmem>>[vector<16xi32>, vector<16xi32>, vector<16xi32>], vector<16xf32>,
      %gather3A_1511 = arith.constant 1 : i32
      %gather3A_1512 = arith.constant 0 : i32
      %gather3A_1513 = arith.constant 0 : i32
      %gather3A_1514 = arith.constant 0 : i32
      %gather3A_1515 = tpu.memref_slice %arg10[%gather3A_1511, %gather3A_1512, %gather3A_1513, %gather3A_1514] : memref<2x8x16x128xf32, #tpu.memory_space<vmem>> -> memref<1x8x16x128xf32, #tpu.memory_space<vmem>>
      %gather3A_1516 = tpu.memref_squeeze %gather3A_1515 : memref<1x8x16x128xf32, #tpu.memory_space<vmem>> -> memref<8x16x128xf32, #tpu.memory_space<vmem>>
      %gather3A_1517 = tpu.vector_load_idx %gather3A_1516[%and3A_4, %broadcast_in_dim3A_1503, %and3A_1481] : memref<8x16x128xf32, #tpu.memory_space<vmem>>[vector<16xi32>, vector<16xi32>, vector<16xi32>], vector<16xf32>,
      %mul3A_1518 = arith.mulf %gather3A_1510, %gather3A_1517 : vector<16xf32>
      %add3A_1519 = arith.addf %add3A_1501, %mul3A_1518 : vector<16xf32>
      %broadcast_in_dim3A_1520 = arith.constant 2 : i32
      %broadcast_in_dim3A_1521 = vector.broadcast %broadcast_in_dim3A_1520 : i32 to vector<16xi32>
      %gather3A_1522 = arith.constant 1 : i32
      %gather3A_1523 = arith.constant 0 : i32
      %gather3A_1524 = arith.constant 0 : i32
      %gather3A_1525 = arith.constant 0 : i32
      %gather3A_1526 = tpu.memref_slice %arg9[%gather3A_1522, %gather3A_1523, %gather3A_1524, %gather3A_1525] : memref<2x8x16x128xf32, #tpu.memory_space<vmem>> -> memref<1x8x16x128xf32, #tpu.memory_space<vmem>>
      %gather3A_1527 = tpu.memref_squeeze %gather3A_1526 : memref<1x8x16x128xf32, #tpu.memory_space<vmem>> -> memref<8x16x128xf32, #tpu.memory_space<vmem>>
      %gather3A_1528 = tpu.vector_load_idx %gather3A_1527[%and3A_4, %broadcast_in_dim3A_1521, %and3A_1473] : memref<8x16x128xf32, #tpu.memory_space<vmem>>[vector<16xi32>, vector<16xi32>, vector<16xi32>], vector<16xf32>,
      %gather3A_1529 = arith.constant 1 : i32
      %gather3A_1530 = arith.constant 0 : i32
      %gather3A_1531 = arith.constant 0 : i32
      %gather3A_1532 = arith.constant 0 : i32
      %gather3A_1533 = tpu.memref_slice %arg10[%gather3A_1529, %gather3A_1530, %gather3A_1531, %gather3A_1532] : memref<2x8x16x128xf32, #tpu.memory_space<vmem>> -> memref<1x8x16x128xf32, #tpu.memory_space<vmem>>
      %gather3A_1534 = tpu.memref_squeeze %gather3A_1533 : memref<1x8x16x128xf32, #tpu.memory_space<vmem>> -> memref<8x16x128xf32, #tpu.memory_space<vmem>>
      %gather3A_1535 = tpu.vector_load_idx %gather3A_1534[%and3A_4, %broadcast_in_dim3A_1521, %and3A_1481] : memref<8x16x128xf32, #tpu.memory_space<vmem>>[vector<16xi32>, vector<16xi32>, vector<16xi32>], vector<16xf32>,
      %mul3A_1536 = arith.mulf %gather3A_1528, %gather3A_1535 : vector<16xf32>
      %add3A_1537 = arith.addf %add3A_1519, %mul3A_1536 : vector<16xf32>
      %broadcast_in_dim3A_1538 = arith.constant 3 : i32
      %broadcast_in_dim3A_1539 = vector.broadcast %broadcast_in_dim3A_1538 : i32 to vector<16xi32>
      %gather3A_1540 = arith.constant 1 : i32
      %gather3A_1541 = arith.constant 0 : i32
      %gather3A_1542 = arith.constant 0 : i32
      %gather3A_1543 = arith.constant 0 : i32
      %gather3A_1544 = tpu.memref_slice %arg9[%gather3A_1540, %gather3A_1541, %gather3A_1542, %gather3A_1543] : memref<2x8x16x128xf32, #tpu.memory_space<vmem>> -> memref<1x8x16x128xf32, #tpu.memory_space<vmem>>
      %gather3A_1545 = tpu.memref_squeeze %gather3A_1544 : memref<1x8x16x128xf32, #tpu.memory_space<vmem>> -> memref<8x16x128xf32, #tpu.memory_space<vmem>>
      %gather3A_1546 = tpu.vector_load_idx %gather3A_1545[%and3A_4, %broadcast_in_dim3A_1539, %and3A_1473] : memref<8x16x128xf32, #tpu.memory_space<vmem>>[vector<16xi32>, vector<16xi32>, vector<16xi32>], vector<16xf32>,
      %gather3A_1547 = arith.constant 1 : i32
      %gather3A_1548 = arith.constant 0 : i32
      %gather3A_1549 = arith.constant 0 : i32
      %gather3A_1550 = arith.constant 0 : i32
      %gather3A_1551 = tpu.memref_slice %arg10[%gather3A_1547, %gather3A_1548, %gather3A_1549, %gather3A_1550] : memref<2x8x16x128xf32, #tpu.memory_space<vmem>> -> memref<1x8x16x128xf32, #tpu.memory_space<vmem>>
      %gather3A_1552 = tpu.memref_squeeze %gather3A_1551 : memref<1x8x16x128xf32, #tpu.memory_space<vmem>> -> memref<8x16x128xf32, #tpu.memory_space<vmem>>
      %gather3A_1553 = tpu.vector_load_idx %gather3A_1552[%and3A_4, %broadcast_in_dim3A_1539, %and3A_1481] : memref<8x16x128xf32, #tpu.memory_space<vmem>>[vector<16xi32>, vector<16xi32>, vector<16xi32>], vector<16xf32>,
      %mul3A_1554 = arith.mulf %gather3A_1546, %gather3A_1553 : vector<16xf32>
      %add3A_1555 = arith.addf %add3A_1537, %mul3A_1554 : vector<16xf32>
      %broadcast_in_dim3A_1556 = arith.constant 4 : i32
      %broadcast_in_dim3A_1557 = vector.broadcast %broadcast_in_dim3A_1556 : i32 to vector<16xi32>
      %gather3A_1558 = arith.constant 1 : i32
      %gather3A_1559 = arith.constant 0 : i32
      %gather3A_1560 = arith.constant 0 : i32
      %gather3A_1561 = arith.constant 0 : i32
      %gather3A_1562 = tpu.memref_slice %arg9[%gather3A_1558, %gather3A_1559, %gather3A_1560, %gather3A_1561] : memref<2x8x16x128xf32, #tpu.memory_space<vmem>> -> memref<1x8x16x128xf32, #tpu.memory_space<vmem>>
      %gather3A_1563 = tpu.memref_squeeze %gather3A_1562 : memref<1x8x16x128xf32, #tpu.memory_space<vmem>> -> memref<8x16x128xf32, #tpu.memory_space<vmem>>
      %gather3A_1564 = tpu.vector_load_idx %gather3A_1563[%and3A_4, %broadcast_in_dim3A_1557, %and3A_1473] : memref<8x16x128xf32, #tpu.memory_space<vmem>>[vector<16xi32>, vector<16xi32>, vector<16xi32>], vector<16xf32>,
      %gather3A_1565 = arith.constant 1 : i32
      %gather3A_1566 = arith.constant 0 : i32
      %gather3A_1567 = arith.constant 0 : i32
      %gather3A_1568 = arith.constant 0 : i32
      %gather3A_1569 = tpu.memref_slice %arg10[%gather3A_1565, %gather3A_1566, %gather3A_1567, %gather3A_1568] : memref<2x8x16x128xf32, #tpu.memory_space<vmem>> -> memref<1x8x16x128xf32, #tpu.memory_space<vmem>>
      %gather3A_1570 = tpu.memref_squeeze %gather3A_1569 : memref<1x8x16x128xf32, #tpu.memory_space<vmem>> -> memref<8x16x128xf32, #tpu.memory_space<vmem>>
      %gather3A_1571 = tpu.vector_load_idx %gather3A_1570[%and3A_4, %broadcast_in_dim3A_1557, %and3A_1481] : memref<8x16x128xf32, #tpu.memory_space<vmem>>[vector<16xi32>, vector<16xi32>, vector<16xi32>], vector<16xf32>,
      %mul3A_1572 = arith.mulf %gather3A_1564, %gather3A_1571 : vector<16xf32>
      %add3A_1573 = arith.addf %add3A_1555, %mul3A_1572 : vector<16xf32>
      %broadcast_in_dim3A_1574 = arith.constant 5 : i32
      %broadcast_in_dim3A_1575 = vector.broadcast %broadcast_in_dim3A_1574 : i32 to vector<16xi32>
      %gather3A_1576 = arith.constant 1 : i32
      %gather3A_1577 = arith.constant 0 : i32
      %gather3A_1578 = arith.constant 0 : i32
      %gather3A_1579 = arith.constant 0 : i32
      %gather3A_1580 = tpu.memref_slice %arg9[%gather3A_1576, %gather3A_1577, %gather3A_1578, %gather3A_1579] : memref<2x8x16x128xf32, #tpu.memory_space<vmem>> -> memref<1x8x16x128xf32, #tpu.memory_space<vmem>>
      %gather3A_1581 = tpu.memref_squeeze %gather3A_1580 : memref<1x8x16x128xf32, #tpu.memory_space<vmem>> -> memref<8x16x128xf32, #tpu.memory_space<vmem>>
      %gather3A_1582 = tpu.vector_load_idx %gather3A_1581[%and3A_4, %broadcast_in_dim3A_1575, %and3A_1473] : memref<8x16x128xf32, #tpu.memory_space<vmem>>[vector<16xi32>, vector<16xi32>, vector<16xi32>], vector<16xf32>,
      %gather3A_1583 = arith.constant 1 : i32
      %gather3A_1584 = arith.constant 0 : i32
      %gather3A_1585 = arith.constant 0 : i32
      %gather3A_1586 = arith.constant 0 : i32
      %gather3A_1587 = tpu.memref_slice %arg10[%gather3A_1583, %gather3A_1584, %gather3A_1585, %gather3A_1586] : memref<2x8x16x128xf32, #tpu.memory_space<vmem>> -> memref<1x8x16x128xf32, #tpu.memory_space<vmem>>
      %gather3A_1588 = tpu.memref_squeeze %gather3A_1587 : memref<1x8x16x128xf32, #tpu.memory_space<vmem>> -> memref<8x16x128xf32, #tpu.memory_space<vmem>>
      %gather3A_1589 = tpu.vector_load_idx %gather3A_1588[%and3A_4, %broadcast_in_dim3A_1575, %and3A_1481] : memref<8x16x128xf32, #tpu.memory_space<vmem>>[vector<16xi32>, vector<16xi32>, vector<16xi32>], vector<16xf32>,
      %mul3A_1590 = arith.mulf %gather3A_1582, %gather3A_1589 : vector<16xf32>
      %add3A_1591 = arith.addf %add3A_1573, %mul3A_1590 : vector<16xf32>
      %broadcast_in_dim3A_1592 = arith.constant 6 : i32
      %broadcast_in_dim3A_1593 = vector.broadcast %broadcast_in_dim3A_1592 : i32 to vector<16xi32>
      %gather3A_1594 = arith.constant 1 : i32
      %gather3A_1595 = arith.constant 0 : i32
      %gather3A_1596 = arith.constant 0 : i32
      %gather3A_1597 = arith.constant 0 : i32
      %gather3A_1598 = tpu.memref_slice %arg9[%gather3A_1594, %gather3A_1595, %gather3A_1596, %gather3A_1597] : memref<2x8x16x128xf32, #tpu.memory_space<vmem>> -> memref<1x8x16x128xf32, #tpu.memory_space<vmem>>
      %gather3A_1599 = tpu.memref_squeeze %gather3A_1598 : memref<1x8x16x128xf32, #tpu.memory_space<vmem>> -> memref<8x16x128xf32, #tpu.memory_space<vmem>>
      %gather3A_1600 = tpu.vector_load_idx %gather3A_1599[%and3A_4, %broadcast_in_dim3A_1593, %and3A_1473] : memref<8x16x128xf32, #tpu.memory_space<vmem>>[vector<16xi32>, vector<16xi32>, vector<16xi32>], vector<16xf32>,
      %gather3A_1601 = arith.constant 1 : i32
      %gather3A_1602 = arith.constant 0 : i32
      %gather3A_1603 = arith.constant 0 : i32
      %gather3A_1604 = arith.constant 0 : i32
      %gather3A_1605 = tpu.memref_slice %arg10[%gather3A_1601, %gather3A_1602, %gather3A_1603, %gather3A_1604] : memref<2x8x16x128xf32, #tpu.memory_space<vmem>> -> memref<1x8x16x128xf32, #tpu.memory_space<vmem>>
      %gather3A_1606 = tpu.memref_squeeze %gather3A_1605 : memref<1x8x16x128xf32, #tpu.memory_space<vmem>> -> memref<8x16x128xf32, #tpu.memory_space<vmem>>
      %gather3A_1607 = tpu.vector_load_idx %gather3A_1606[%and3A_4, %broadcast_in_dim3A_1593, %and3A_1481] : memref<8x16x128xf32, #tpu.memory_space<vmem>>[vector<16xi32>, vector<16xi32>, vector<16xi32>], vector<16xf32>,
      %mul3A_1608 = arith.mulf %gather3A_1600, %gather3A_1607 : vector<16xf32>
      %add3A_1609 = arith.addf %add3A_1591, %mul3A_1608 : vector<16xf32>
      %broadcast_in_dim3A_1610 = arith.constant 7 : i32
      %broadcast_in_dim3A_1611 = vector.broadcast %broadcast_in_dim3A_1610 : i32 to vector<16xi32>
      %gather3A_1612 = arith.constant 1 : i32
      %gather3A_1613 = arith.constant 0 : i32
      %gather3A_1614 = arith.constant 0 : i32
      %gather3A_1615 = arith.constant 0 : i32
      %gather3A_1616 = tpu.memref_slice %arg9[%gather3A_1612, %gather3A_1613, %gather3A_1614, %gather3A_1615] : memref<2x8x16x128xf32, #tpu.memory_space<vmem>> -> memref<1x8x16x128xf32, #tpu.memory_space<vmem>>
      %gather3A_1617 = tpu.memref_squeeze %gather3A_1616 : memref<1x8x16x128xf32, #tpu.memory_space<vmem>> -> memref<8x16x128xf32, #tpu.memory_space<vmem>>
      %gather3A_1618 = tpu.vector_load_idx %gather3A_1617[%and3A_4, %broadcast_in_dim3A_1611, %and3A_1473] : memref<8x16x128xf32, #tpu.memory_space<vmem>>[vector<16xi32>, vector<16xi32>, vector<16xi32>], vector<16xf32>,
      %gather3A_1619 = arith.constant 1 : i32
      %gather3A_1620 = arith.constant 0 : i32
      %gather3A_1621 = arith.constant 0 : i32
      %gather3A_1622 = arith.constant 0 : i32
      %gather3A_1623 = tpu.memref_slice %arg10[%gather3A_1619, %gather3A_1620, %gather3A_1621, %gather3A_1622] : memref<2x8x16x128xf32, #tpu.memory_space<vmem>> -> memref<1x8x16x128xf32, #tpu.memory_space<vmem>>
      %gather3A_1624 = tpu.memref_squeeze %gather3A_1623 : memref<1x8x16x128xf32, #tpu.memory_space<vmem>> -> memref<8x16x128xf32, #tpu.memory_space<vmem>>
      %gather3A_1625 = tpu.vector_load_idx %gather3A_1624[%and3A_4, %broadcast_in_dim3A_1611, %and3A_1481] : memref<8x16x128xf32, #tpu.memory_space<vmem>>[vector<16xi32>, vector<16xi32>, vector<16xi32>], vector<16xf32>,
      %mul3A_1626 = arith.mulf %gather3A_1618, %gather3A_1625 : vector<16xf32>
      %add3A_1627 = arith.addf %add3A_1609, %mul3A_1626 : vector<16xf32>
      %broadcast_in_dim3A_1628 = arith.constant 8 : i32
      %broadcast_in_dim3A_1629 = vector.broadcast %broadcast_in_dim3A_1628 : i32 to vector<16xi32>
      %gather3A_1630 = arith.constant 1 : i32
      %gather3A_1631 = arith.constant 0 : i32
      %gather3A_1632 = arith.constant 0 : i32
      %gather3A_1633 = arith.constant 0 : i32
      %gather3A_1634 = tpu.memref_slice %arg9[%gather3A_1630, %gather3A_1631, %gather3A_1632, %gather3A_1633] : memref<2x8x16x128xf32, #tpu.memory_space<vmem>> -> memref<1x8x16x128xf32, #tpu.memory_space<vmem>>
      %gather3A_1635 = tpu.memref_squeeze %gather3A_1634 : memref<1x8x16x128xf32, #tpu.memory_space<vmem>> -> memref<8x16x128xf32, #tpu.memory_space<vmem>>
      %gather3A_1636 = tpu.vector_load_idx %gather3A_1635[%and3A_4, %broadcast_in_dim3A_1629, %and3A_1473] : memref<8x16x128xf32, #tpu.memory_space<vmem>>[vector<16xi32>, vector<16xi32>, vector<16xi32>], vector<16xf32>,
      %gather3A_1637 = arith.constant 1 : i32
      %gather3A_1638 = arith.constant 0 : i32
      %gather3A_1639 = arith.constant 0 : i32
      %gather3A_1640 = arith.constant 0 : i32
      %gather3A_1641 = tpu.memref_slice %arg10[%gather3A_1637, %gather3A_1638, %gather3A_1639, %gather3A_1640] : memref<2x8x16x128xf32, #tpu.memory_space<vmem>> -> memref<1x8x16x128xf32, #tpu.memory_space<vmem>>
      %gather3A_1642 = tpu.memref_squeeze %gather3A_1641 : memref<1x8x16x128xf32, #tpu.memory_space<vmem>> -> memref<8x16x128xf32, #tpu.memory_space<vmem>>
      %gather3A_1643 = tpu.vector_load_idx %gather3A_1642[%and3A_4, %broadcast_in_dim3A_1629, %and3A_1481] : memref<8x16x128xf32, #tpu.memory_space<vmem>>[vector<16xi32>, vector<16xi32>, vector<16xi32>], vector<16xf32>,
      %mul3A_1644 = arith.mulf %gather3A_1636, %gather3A_1643 : vector<16xf32>
      %add3A_1645 = arith.addf %add3A_1627, %mul3A_1644 : vector<16xf32>
      %broadcast_in_dim3A_1646 = arith.constant 9 : i32
      %broadcast_in_dim3A_1647 = vector.broadcast %broadcast_in_dim3A_1646 : i32 to vector<16xi32>
      %gather3A_1648 = arith.constant 1 : i32
      %gather3A_1649 = arith.constant 0 : i32
      %gather3A_1650 = arith.constant 0 : i32
      %gather3A_1651 = arith.constant 0 : i32
      %gather3A_1652 = tpu.memref_slice %arg9[%gather3A_1648, %gather3A_1649, %gather3A_1650, %gather3A_1651] : memref<2x8x16x128xf32, #tpu.memory_space<vmem>> -> memref<1x8x16x128xf32, #tpu.memory_space<vmem>>
      %gather3A_1653 = tpu.memref_squeeze %gather3A_1652 : memref<1x8x16x128xf32, #tpu.memory_space<vmem>> -> memref<8x16x128xf32, #tpu.memory_space<vmem>>
      %gather3A_1654 = tpu.vector_load_idx %gather3A_1653[%and3A_4, %broadcast_in_dim3A_1647, %and3A_1473] : memref<8x16x128xf32, #tpu.memory_space<vmem>>[vector<16xi32>, vector<16xi32>, vector<16xi32>], vector<16xf32>,
      %gather3A_1655 = arith.constant 1 : i32
      %gather3A_1656 = arith.constant 0 : i32
      %gather3A_1657 = arith.constant 0 : i32
      %gather3A_1658 = arith.constant 0 : i32
      %gather3A_1659 = tpu.memref_slice %arg10[%gather3A_1655, %gather3A_1656, %gather3A_1657, %gather3A_1658] : memref<2x8x16x128xf32, #tpu.memory_space<vmem>> -> memref<1x8x16x128xf32, #tpu.memory_space<vmem>>
      %gather3A_1660 = tpu.memref_squeeze %gather3A_1659 : memref<1x8x16x128xf32, #tpu.memory_space<vmem>> -> memref<8x16x128xf32, #tpu.memory_space<vmem>>
      %gather3A_1661 = tpu.vector_load_idx %gather3A_1660[%and3A_4, %broadcast_in_dim3A_1647, %and3A_1481] : memref<8x16x128xf32, #tpu.memory_space<vmem>>[vector<16xi32>, vector<16xi32>, vector<16xi32>], vector<16xf32>,
      %mul3A_1662 = arith.mulf %gather3A_1654, %gather3A_1661 : vector<16xf32>
      %add3A_1663 = arith.addf %add3A_1645, %mul3A_1662 : vector<16xf32>
      %broadcast_in_dim3A_1664 = arith.constant 10 : i32
      %broadcast_in_dim3A_1665 = vector.broadcast %broadcast_in_dim3A_1664 : i32 to vector<16xi32>
      %gather3A_1666 = arith.constant 1 : i32
      %gather3A_1667 = arith.constant 0 : i32
      %gather3A_1668 = arith.constant 0 : i32
      %gather3A_1669 = arith.constant 0 : i32
      %gather3A_1670 = tpu.memref_slice %arg9[%gather3A_1666, %gather3A_1667, %gather3A_1668, %gather3A_1669] : memref<2x8x16x128xf32, #tpu.memory_space<vmem>> -> memref<1x8x16x128xf32, #tpu.memory_space<vmem>>
      %gather3A_1671 = tpu.memref_squeeze %gather3A_1670 : memref<1x8x16x128xf32, #tpu.memory_space<vmem>> -> memref<8x16x128xf32, #tpu.memory_space<vmem>>
      %gather3A_1672 = tpu.vector_load_idx %gather3A_1671[%and3A_4, %broadcast_in_dim3A_1665, %and3A_1473] : memref<8x16x128xf32, #tpu.memory_space<vmem>>[vector<16xi32>, vector<16xi32>, vector<16xi32>], vector<16xf32>,
      %gather3A_1673 = arith.constant 1 : i32
      %gather3A_1674 = arith.constant 0 : i32
      %gather3A_1675 = arith.constant 0 : i32
      %gather3A_1676 = arith.constant 0 : i32
      %gather3A_1677 = tpu.memref_slice %arg10[%gather3A_1673, %gather3A_1674, %gather3A_1675, %gather3A_1676] : memref<2x8x16x128xf32, #tpu.memory_space<vmem>> -> memref<1x8x16x128xf32, #tpu.memory_space<vmem>>
      %gather3A_1678 = tpu.memref_squeeze %gather3A_1677 : memref<1x8x16x128xf32, #tpu.memory_space<vmem>> -> memref<8x16x128xf32, #tpu.memory_space<vmem>>
      %gather3A_1679 = tpu.vector_load_idx %gather3A_1678[%and3A_4, %broadcast_in_dim3A_1665, %and3A_1481] : memref<8x16x128xf32, #tpu.memory_space<vmem>>[vector<16xi32>, vector<16xi32>, vector<16xi32>], vector<16xf32>,
      %mul3A_1680 = arith.mulf %gather3A_1672, %gather3A_1679 : vector<16xf32>
      %add3A_1681 = arith.addf %add3A_1663, %mul3A_1680 : vector<16xf32>
      %broadcast_in_dim3A_1682 = arith.constant 11 : i32
      %broadcast_in_dim3A_1683 = vector.broadcast %broadcast_in_dim3A_1682 : i32 to vector<16xi32>
      %gather3A_1684 = arith.constant 1 : i32
      %gather3A_1685 = arith.constant 0 : i32
      %gather3A_1686 = arith.constant 0 : i32
      %gather3A_1687 = arith.constant 0 : i32
      %gather3A_1688 = tpu.memref_slice %arg9[%gather3A_1684, %gather3A_1685, %gather3A_1686, %gather3A_1687] : memref<2x8x16x128xf32, #tpu.memory_space<vmem>> -> memref<1x8x16x128xf32, #tpu.memory_space<vmem>>
      %gather3A_1689 = tpu.memref_squeeze %gather3A_1688 : memref<1x8x16x128xf32, #tpu.memory_space<vmem>> -> memref<8x16x128xf32, #tpu.memory_space<vmem>>
      %gather3A_1690 = tpu.vector_load_idx %gather3A_1689[%and3A_4, %broadcast_in_dim3A_1683, %and3A_1473] : memref<8x16x128xf32, #tpu.memory_space<vmem>>[vector<16xi32>, vector<16xi32>, vector<16xi32>], vector<16xf32>,
      %gather3A_1691 = arith.constant 1 : i32
      %gather3A_1692 = arith.constant 0 : i32
      %gather3A_1693 = arith.constant 0 : i32
      %gather3A_1694 = arith.constant 0 : i32
      %gather3A_1695 = tpu.memref_slice %arg10[%gather3A_1691, %gather3A_1692, %gather3A_1693, %gather3A_1694] : memref<2x8x16x128xf32, #tpu.memory_space<vmem>> -> memref<1x8x16x128xf32, #tpu.memory_space<vmem>>
      %gather3A_1696 = tpu.memref_squeeze %gather3A_1695 : memref<1x8x16x128xf32, #tpu.memory_space<vmem>> -> memref<8x16x128xf32, #tpu.memory_space<vmem>>
      %gather3A_1697 = tpu.vector_load_idx %gather3A_1696[%and3A_4, %broadcast_in_dim3A_1683, %and3A_1481] : memref<8x16x128xf32, #tpu.memory_space<vmem>>[vector<16xi32>, vector<16xi32>, vector<16xi32>], vector<16xf32>,
      %mul3A_1698 = arith.mulf %gather3A_1690, %gather3A_1697 : vector<16xf32>
      %add3A_1699 = arith.addf %add3A_1681, %mul3A_1698 : vector<16xf32>
      %broadcast_in_dim3A_1700 = arith.constant 12 : i32
      %broadcast_in_dim3A_1701 = vector.broadcast %broadcast_in_dim3A_1700 : i32 to vector<16xi32>
      %gather3A_1702 = arith.constant 1 : i32
      %gather3A_1703 = arith.constant 0 : i32
      %gather3A_1704 = arith.constant 0 : i32
      %gather3A_1705 = arith.constant 0 : i32
      %gather3A_1706 = tpu.memref_slice %arg9[%gather3A_1702, %gather3A_1703, %gather3A_1704, %gather3A_1705] : memref<2x8x16x128xf32, #tpu.memory_space<vmem>> -> memref<1x8x16x128xf32, #tpu.memory_space<vmem>>
      %gather3A_1707 = tpu.memref_squeeze %gather3A_1706 : memref<1x8x16x128xf32, #tpu.memory_space<vmem>> -> memref<8x16x128xf32, #tpu.memory_space<vmem>>
      %gather3A_1708 = tpu.vector_load_idx %gather3A_1707[%and3A_4, %broadcast_in_dim3A_1701, %and3A_1473] : memref<8x16x128xf32, #tpu.memory_space<vmem>>[vector<16xi32>, vector<16xi32>, vector<16xi32>], vector<16xf32>,
      %gather3A_1709 = arith.constant 1 : i32
      %gather3A_1710 = arith.constant 0 : i32
      %gather3A_1711 = arith.constant 0 : i32
      %gather3A_1712 = arith.constant 0 : i32
      %gather3A_1713 = tpu.memref_slice %arg10[%gather3A_1709, %gather3A_1710, %gather3A_1711, %gather3A_1712] : memref<2x8x16x128xf32, #tpu.memory_space<vmem>> -> memref<1x8x16x128xf32, #tpu.memory_space<vmem>>
      %gather3A_1714 = tpu.memref_squeeze %gather3A_1713 : memref<1x8x16x128xf32, #tpu.memory_space<vmem>> -> memref<8x16x128xf32, #tpu.memory_space<vmem>>
      %gather3A_1715 = tpu.vector_load_idx %gather3A_1714[%and3A_4, %broadcast_in_dim3A_1701, %and3A_1481] : memref<8x16x128xf32, #tpu.memory_space<vmem>>[vector<16xi32>, vector<16xi32>, vector<16xi32>], vector<16xf32>,
      %mul3A_1716 = arith.mulf %gather3A_1708, %gather3A_1715 : vector<16xf32>
      %add3A_1717 = arith.addf %add3A_1699, %mul3A_1716 : vector<16xf32>
      %broadcast_in_dim3A_1718 = arith.constant 13 : i32
      %broadcast_in_dim3A_1719 = vector.broadcast %broadcast_in_dim3A_1718 : i32 to vector<16xi32>
      %gather3A_1720 = arith.constant 1 : i32
      %gather3A_1721 = arith.constant 0 : i32
      %gather3A_1722 = arith.constant 0 : i32
      %gather3A_1723 = arith.constant 0 : i32
      %gather3A_1724 = tpu.memref_slice %arg9[%gather3A_1720, %gather3A_1721, %gather3A_1722, %gather3A_1723] : memref<2x8x16x128xf32, #tpu.memory_space<vmem>> -> memref<1x8x16x128xf32, #tpu.memory_space<vmem>>
      %gather3A_1725 = tpu.memref_squeeze %gather3A_1724 : memref<1x8x16x128xf32, #tpu.memory_space<vmem>> -> memref<8x16x128xf32, #tpu.memory_space<vmem>>
      %gather3A_1726 = tpu.vector_load_idx %gather3A_1725[%and3A_4, %broadcast_in_dim3A_1719, %and3A_1473] : memref<8x16x128xf32, #tpu.memory_space<vmem>>[vector<16xi32>, vector<16xi32>, vector<16xi32>], vector<16xf32>,
      %gather3A_1727 = arith.constant 1 : i32
      %gather3A_1728 = arith.constant 0 : i32
      %gather3A_1729 = arith.constant 0 : i32
      %gather3A_1730 = arith.constant 0 : i32
      %gather3A_1731 = tpu.memref_slice %arg10[%gather3A_1727, %gather3A_1728, %gather3A_1729, %gather3A_1730] : memref<2x8x16x128xf32, #tpu.memory_space<vmem>> -> memref<1x8x16x128xf32, #tpu.memory_space<vmem>>
      %gather3A_1732 = tpu.memref_squeeze %gather3A_1731 : memref<1x8x16x128xf32, #tpu.memory_space<vmem>> -> memref<8x16x128xf32, #tpu.memory_space<vmem>>
      %gather3A_1733 = tpu.vector_load_idx %gather3A_1732[%and3A_4, %broadcast_in_dim3A_1719, %and3A_1481] : memref<8x16x128xf32, #tpu.memory_space<vmem>>[vector<16xi32>, vector<16xi32>, vector<16xi32>], vector<16xf32>,
      %mul3A_1734 = arith.mulf %gather3A_1726, %gather3A_1733 : vector<16xf32>
      %add3A_1735 = arith.addf %add3A_1717, %mul3A_1734 : vector<16xf32>
      %broadcast_in_dim3A_1736 = arith.constant 14 : i32
      %broadcast_in_dim3A_1737 = vector.broadcast %broadcast_in_dim3A_1736 : i32 to vector<16xi32>
      %gather3A_1738 = arith.constant 1 : i32
      %gather3A_1739 = arith.constant 0 : i32
      %gather3A_1740 = arith.constant 0 : i32
      %gather3A_1741 = arith.constant 0 : i32
      %gather3A_1742 = tpu.memref_slice %arg9[%gather3A_1738, %gather3A_1739, %gather3A_1740, %gather3A_1741] : memref<2x8x16x128xf32, #tpu.memory_space<vmem>> -> memref<1x8x16x128xf32, #tpu.memory_space<vmem>>
      %gather3A_1743 = tpu.memref_squeeze %gather3A_1742 : memref<1x8x16x128xf32, #tpu.memory_space<vmem>> -> memref<8x16x128xf32, #tpu.memory_space<vmem>>
      %gather3A_1744 = tpu.vector_load_idx %gather3A_1743[%and3A_4, %broadcast_in_dim3A_1737, %and3A_1473] : memref<8x16x128xf32, #tpu.memory_space<vmem>>[vector<16xi32>, vector<16xi32>, vector<16xi32>], vector<16xf32>,
      %gather3A_1745 = arith.constant 1 : i32
      %gather3A_1746 = arith.constant 0 : i32
      %gather3A_1747 = arith.constant 0 : i32
      %gather3A_1748 = arith.constant 0 : i32
      %gather3A_1749 = tpu.memref_slice %arg10[%gather3A_1745, %gather3A_1746, %gather3A_1747, %gather3A_1748] : memref<2x8x16x128xf32, #tpu.memory_space<vmem>> -> memref<1x8x16x128xf32, #tpu.memory_space<vmem>>
      %gather3A_1750 = tpu.memref_squeeze %gather3A_1749 : memref<1x8x16x128xf32, #tpu.memory_space<vmem>> -> memref<8x16x128xf32, #tpu.memory_space<vmem>>
      %gather3A_1751 = tpu.vector_load_idx %gather3A_1750[%and3A_4, %broadcast_in_dim3A_1737, %and3A_1481] : memref<8x16x128xf32, #tpu.memory_space<vmem>>[vector<16xi32>, vector<16xi32>, vector<16xi32>], vector<16xf32>,
      %mul3A_1752 = arith.mulf %gather3A_1744, %gather3A_1751 : vector<16xf32>
      %add3A_1753 = arith.addf %add3A_1735, %mul3A_1752 : vector<16xf32>
      %broadcast_in_dim3A_1754 = arith.constant 15 : i32
      %broadcast_in_dim3A_1755 = vector.broadcast %broadcast_in_dim3A_1754 : i32 to vector<16xi32>
      %gather3A_1756 = arith.constant 1 : i32
      %gather3A_1757 = arith.constant 0 : i32
      %gather3A_1758 = arith.constant 0 : i32
      %gather3A_1759 = arith.constant 0 : i32
      %gather3A_1760 = tpu.memref_slice %arg9[%gather3A_1756, %gather3A_1757, %gather3A_1758, %gather3A_1759] : memref<2x8x16x128xf32, #tpu.memory_space<vmem>> -> memref<1x8x16x128xf32, #tpu.memory_space<vmem>>
      %gather3A_1761 = tpu.memref_squeeze %gather3A_1760 : memref<1x8x16x128xf32, #tpu.memory_space<vmem>> -> memref<8x16x128xf32, #tpu.memory_space<vmem>>
      %gather3A_1762 = tpu.vector_load_idx %gather3A_1761[%and3A_4, %broadcast_in_dim3A_1755, %and3A_1473] : memref<8x16x128xf32, #tpu.memory_space<vmem>>[vector<16xi32>, vector<16xi32>, vector<16xi32>], vector<16xf32>,
      %gather3A_1763 = arith.constant 1 : i32
      %gather3A_1764 = arith.constant 0 : i32
      %gather3A_1765 = arith.constant 0 : i32
      %gather3A_1766 = arith.constant 0 : i32
      %gather3A_1767 = tpu.memref_slice %arg10[%gather3A_1763, %gather3A_1764, %gather3A_1765, %gather3A_1766] : memref<2x8x16x128xf32, #tpu.memory_space<vmem>> -> memref<1x8x16x128xf32, #tpu.memory_space<vmem>>
      %gather3A_1768 = tpu.memref_squeeze %gather3A_1767 : memref<1x8x16x128xf32, #tpu.memory_space<vmem>> -> memref<8x16x128xf32, #tpu.memory_space<vmem>>
      %gather3A_1769 = tpu.vector_load_idx %gather3A_1768[%and3A_4, %broadcast_in_dim3A_1755, %and3A_1481] : memref<8x16x128xf32, #tpu.memory_space<vmem>>[vector<16xi32>, vector<16xi32>, vector<16xi32>], vector<16xf32>,
      %mul3A_1770 = arith.mulf %gather3A_1762, %gather3A_1769 : vector<16xf32>
      %add3A_1771 = arith.addf %add3A_1753, %mul3A_1770 : vector<16xf32>
      %lt3A_1772 = arith.constant 8 : i32
      %lt3A_1773 = vector.broadcast %lt3A_1772 : i32 to vector<16xi32>
      %lt3A_1774 = arith.cmpi slt, %iota3A, %lt3A_1773 : vector<16xi32>
      %select_n3A = arith.select %lt3A_1774, %add3A_1201, %add3A_1771 : vector<16xi1>, vector<16xf32>
      %mul3A_1775 = arith.constant 16 : i32
      %mul3A_1776 = arith.muli %scan3A_318, %mul3A_1775 : i32
      %swap3A = arith.index_cast %mul3A_1776 : i32 to index
      %swap3A_1777 = tpu.vector_load %arg11[%swap3A] {strides = array<i32>} : memref<512xf32, #tpu.memory_space<vmem>>, vector<16xf32>,
      tpu.vector_store %arg11[%swap3A], %select_n3A {strides = array<i32>} : memref<512xf32, #tpu.memory_space<vmem>>, vector<16xf32>,
    }
    %scan3A_317 = arith.constant 32 : i32
    "tpu.region"() ({
      %run_scoped3A = tpu.sem_alloc : memref<!tpu.dma_semaphore, #tpu.memory_space<semaphore_mem>>
      %dma_start3A_318 = tpu.memref_slice %arg6[%mul3A_2] : memref<16384xf32, #tpu.memory_space<hbm>> -> memref<512xf32, #tpu.memory_space<hbm>>
      %dma_start3A_319 = tpu.memref_slice %arg6[%mul3A_2] : memref<16384xf32, #tpu.memory_space<hbm>> -> memref<512xf32, #tpu.memory_space<hbm>>
      tpu.enqueue_dma source(%arg11 : memref<512xf32, #tpu.memory_space<vmem>>) target(%dma_start3A_319 : memref<512xf32, #tpu.memory_space<hbm>>) target_semaphore(%run_scoped3A : memref<!tpu.dma_semaphore, #tpu.memory_space<semaphore_mem>>)
      %dma_wait3A = tpu.memref_slice %arg6[%mul3A_2] : memref<16384xf32, #tpu.memory_space<hbm>> -> memref<512xf32, #tpu.memory_space<hbm>>
      %dma_wait3A_320 = tpu.memref_slice %arg6[%mul3A_2] : memref<16384xf32, #tpu.memory_space<hbm>> -> memref<512xf32, #tpu.memory_space<hbm>>
      tpu.wait_dma2 semaphore(%run_scoped3A : memref<!tpu.dma_semaphore, #tpu.memory_space<semaphore_mem>>) src(%arg11 : memref<512xf32, #tpu.memory_space<vmem>>) dst(%dma_wait3A_320 : memref<512xf32, #tpu.memory_space<hbm>>)
      tpu.yield
    }) : () -> ()
    return
  }
}

</mosaic_0001>

<sc_bundles>
// kernel: kernel.3.cloned.1.call-start
scs
__scs_entry_jumppad:
0x0: {  	(pc) =	sbr.rel $0x88, $3  }
0x1: {  	(tag) =	ssettag $0x0;
	lr =	simm.s32 $0x1  }
0x2: {  	[smem:$0x3F9D] =	sst lr;
	_ =	strace $0xD0000000  }
0x3: {  	_ = 	snop  }
0x4: {  	_ = 	snop  }
0x5: {  	_ = 	snop  }
0x6: {  	_ = 	snop  }
0x7: {  	_ = 	snop  }
__scs_overlays_trampoline_lowered:
0x8: {  	[smem:$0x3FAC] =	sst s0  }
0x9: {  	[smem:$0x3FAD] =	sst s1  }
0xa: {  	[smem:$0x3FAE] =	sst s2  }
0xb: {  	[smem:$0x3FAF] =	sst s3  }
0xc: {  	[smem:$0x3FB0] =	sst s4  }
0xd: {  	[smem:$0x3FB1] =	sst s5  }
0xe: {  	[smem:$0x3FB2] =	sst s6  }
0xf: {  	[smem:$0x3FB3] =	sst s7  }
0x10: {  	[smem:$0x3FB4] =	sst s8  }
0x11: {  	[smem:$0x3FB5] =	sst s9;
	s0 =	simm.s32 @!p0 $0x0  }
0x12: {  	s1 =	sld [smem:$0x3F9B];
	s0 =	simm.s32 @p0 $0x1  }
0x13: {  	[smem:$0x3FB6] =	sst s0;
	s0 =	simm.s32 @!p1 $0x0  }
0x14: {  	s2 =	sld [smem:$0x3F9A];
	s0 =	simm.s32 @p1 $0x1  }
0x15: {  	[smem:$0x3FB7] =	sst s0;
	s0 =	simm.s32 @!p2 $0x0  }
0x16: {  	s3 =	sld [smem:$0x3FDB];
	s0 =	simm.s32 @p2 $0x1  }
0x17: {  	s4 =	simm.s32 $0x1BF5;
	[smem:$0x3FB9] =	sst s0  }
0x18: {  	s0 =	sld [smem:$0x3F9C];
	_ =	swait.ge [sflag:s4], $0x0  }
0x19: {  	s7 =	sld [smem:$0x3F9D]  }
0x1a: {  	s8 =	sadd.s32 $0xFFFFE003, lr  }
0x1b: {  	s9 =	sadd.s32 $0xFFFFFEF7, lr;
	s5 =	simm.s32 $0xFFFFFFFF;
	p2 =	slt.u32 s8, $0xFFFFF086  }
0x1c: {  	p1 =	slt.u32 s9, $0xF7A;
	s5 =	simm.s32 @!p2 $0x0  }
0x1d: {  	s5 =	simm.s32 @p1 $0x1;
	p0 =	seq.s32 s7, s2  }
0x1e: {  	s7 =	smul.u32 @!p0 $0xF7A, s2;
	p2 =	seq.s32 @!p0 s5, $0x0  }
0x1f: {  	s9 =	smul.u32 $0xF7A, s1;
	s8 =	simm.s32 @!p0 $0x1BF5;
	p2 =	por !p2, p0  }
0x20: {  	[sflag:s8] =	ssyncset.s32 @!p0 $0xFFFFF086;
	s6 =	sadd.s32 @!p0 s3, s7;
	s7 =	simm.s32 @!p0 $0x108  }
0x21: {  	s3 =	sadd.s32 s3, s9;
	s6 =	sadd.s32 @!p0 $0x88, s6;
	s7 =	simm.s32 @p2 $0x1082  }
0x22: {  	[simem:s7], [sflag:s8] =	dma.local @!p0 [hbm:s6], $0xF7A  }
0x23: {  	s9 =	sor.u32 $0xD0000000, s2;
	s6 =	simm.s32 $0x108;
	_ =	swait.ge @!p0 [sflag:s8], $0x0  }
0x24: {  	s3 =	sadd.s32 $0x88, s3;
	s6 =	simm.s32 @!p1 $0x1082;
	[sflag:s4] =	ssyncset.s32 $0xFFFFF086  }
0x25: {  	[simem:s6], [sflag:s4] =	dma.local [hbm:s3], $0xF7A  }
0x26: {  	[smem:$0x3F9D] =	sst s1;
	(tag) =	ssettag s2;
	_ =	strace s9  }
0x27: {  	s1 =	sld [smem:$0x3FAD]  }
0x28: {  	s2 =	sld [smem:$0x3FAE]  }
0x29: {  	s4 =	sld [smem:$0x3FB0]  }
0x2a: {  	p0 =	seq.s32 s5, $0x0;
	s5 =	sld [smem:$0x3FB1]  }
0x2b: {  	s6 =	sld [smem:$0x3FB2]  }
0x2c: {  	s7 =	sld [smem:$0x3FB3]  }
0x2d: {  	s3 =	simm.s32 $0x108;
	s8 =	sld [smem:$0x3FB4]  }
0x2e: {  	s3 =	simm.s32 @!p0 $0x1082;
	s9 =	sld [smem:$0x3FB5]  }
0x2f: {  	lr =	sadd.s32 s0, s3;
	s0 =	sld [smem:$0x3FAC]  }
0x30: {  	s3 =	sld [smem:$0x3FAF]  }
0x31: {  	[smem:$0x3FB8] =	sst s10  }
0x32: {  	s10 =	sld [smem:$0x3FB6];
	_ =	sdelay $0x3  }
0x33: {  	p0 =	seq.s32 s10, $0x1;
	s10 =	sld [smem:$0x3FB8];
	_ =	sdelay $0x3  }
0x34: {  	[smem:$0x3FB8] =	sst s10  }
0x35: {  	s10 =	sld [smem:$0x3FB7];
	_ =	sdelay $0x3  }
0x36: {  	p1 =	seq.s32 s10, $0x1;
	s10 =	sld [smem:$0x3FB8];
	_ =	sdelay $0x3  }
0x37: {  	[smem:$0x3FB8] =	sst s10  }
0x38: {  	s10 =	sld [smem:$0x3FB9]  }
0x39: {  	_ = 	snop;
	(pc) =	sbr.ind lr, $3  }
0x3a: {  	_ = 	snop  }
0x3b: {  	_ = 	snop  }
0x3c: {  	p2 =	seq.s32 s10, $0x1;
	s10 =	sld [smem:$0x3FB8]  }
0x3d: {  	_ =	shalt  }
0x3e: {  	_ =	shalt  }
0x3f: {  	_ =	shalt  }
0x40: {  	_ =	shalt  }
0x41: {  	_ =	shalt  }
0x42: {  	_ =	shalt  }
0x43: {  	_ =	shalt  }
0x44: {  	_ =	shalt  }
0x45: {  	_ =	shalt  }
0x46: {  	_ =	shalt  }
0x47: {  	_ =	shalt  }
0x48: {  	_ =	shalt  }
0x49: {  	_ =	shalt  }
0x4a: {  	_ =	shalt  }
0x4b: {  	_ =	shalt  }
0x4c: {  	_ =	shalt  }
0x4d: {  	_ =	shalt  }
0x4e: {  	_ =	shalt  }
0x4f: {  	_ =	shalt  }
0x50: {  	_ =	shalt  }
0x51: {  	_ =	shalt  }
0x52: {  	_ =	shalt  }
0x53: {  	_ =	shalt  }
0x54: {  	_ =	shalt  }
0x55: {  	_ =	shalt  }
0x56: {  	_ =	shalt  }
0x57: {  	_ =	shalt  }
0x58: {  	_ =	shalt  }
0x59: {  	_ =	shalt  }
0x5a: {  	_ =	shalt  }
0x5b: {  	_ =	shalt  }
0x5c: {  	_ =	shalt  }
0x5d: {  	_ =	shalt  }
0x5e: {  	_ =	shalt  }
0x5f: {  	_ =	shalt  }
0x60: {  	_ =	shalt  }
0x61: {  	_ =	shalt  }
0x62: {  	_ =	shalt  }
0x63: {  	_ =	shalt  }
0x64: {  	_ =	shalt  }
0x65: {  	_ =	shalt  }
0x66: {  	_ =	shalt  }
0x67: {  	_ =	shalt  }
0x68: {  	_ =	shalt  }
0x69: {  	_ =	shalt  }
0x6a: {  	_ =	shalt  }
0x6b: {  	_ =	shalt  }
0x6c: {  	_ =	shalt  }
0x6d: {  	_ =	shalt  }
0x6e: {  	_ =	shalt  }
0x6f: {  	_ =	shalt  }
0x70: {  	_ =	shalt  }
0x71: {  	_ =	shalt  }
0x72: {  	_ =	shalt  }
0x73: {  	_ =	shalt  }
0x74: {  	_ =	shalt  }
0x75: {  	_ =	shalt  }
0x76: {  	_ =	shalt  }
0x77: {  	_ =	shalt  }
0x78: {  	_ =	shalt  }
0x79: {  	_ =	shalt  }
0x7a: {  	_ =	shalt  }
0x7b: {  	_ =	shalt  }
0x7c: {  	_ =	shalt  }
0x7d: {  	_ =	shalt  }
0x7e: {  	_ =	shalt  }
0x7f: {  	_ =	shalt  }
0x80: {  	_ =	shalt  }
0x81: {  	_ =	shalt  }
0x82: {  	_ =	shalt  }
0x83: {  	_ =	shalt  }
0x84: {  	_ =	shalt  }
0x85: {  	_ =	shalt  }
0x86: {  	_ =	shalt  }
0x87: {  	_ =	shalt  }
.Lfunc_end0:
.L_simem_size_0:
called_computation_lowered:
.L_overlay_start_0:
0x88: {  	s2 =	sld [smem:$0x3FD9]  }
0x89: {  	s3 =	sld [smem:$0x3FFE];
	_ =	sdelay $0x1  }
0x8a: {  	s1 =	srdreg.scid  }
0x8b: {  	s0 =	sand.u32 $0x1, s1  }
0x8c: {  	s18 =	sshll.u32 s0, $0xA;
	s2 =	sadd.s32 s3, s2  }
0x8d: {  	s2 =	sadd.s32 s2, s18  }
0x8e: {  	[smem:$0x3FC4] =	sst s2  }
0x8f: {  	_ = 	snop  }
0x90: {  	s2 =	sld [smem:$0x3FC9]  }
0x91: {  	s19 =	sld [smem:$0x3FC8]  }
0x92: {  	s4 =	sld [smem:$0x3FC7]  }
0x93: {  	s5 =	sld [smem:$0x3FC6]  }
0x94: {  	s6 =	sld [smem:$0x3FD0];
	(tm) =	ssettm $0x1  }
0x95: {  	s7 =	sld [smem:$0x3FFB];
	_ =	sdelay $0x3  }
0x96: {  	_ =	strace s7  }
0x97: {  	s7 =	sld [smem:$0x3FFC];
	_ =	sdelay $0x3  }
0x98: {  	_ =	strace s7  }
0x99: {  	s7 =	sld [smem:$0x3FFD];
	_ =	sdelay $0x3  }
0x9a: {  	_ =	strace s7  }
0x9b: {  	_ =	strace $0x8FFFFFFF  }
0x9c: {  	s20 =	sld [smem:$0x3FDB];
	_ =	sdelay $0x1  }
0x9d: {  	s8 =	simm.s32 $_scs_section_size  }
0x9e: {  	s9 =	simm.s32 $_size__tile_overlayer_lowered;
	s10 =	simm.s32 $_tile_overlayer_lowered  }
0x9f: {  	s23 =	simm.s32 $0x1BFF;
	s22 =	sshll.u32 s10, $0x1;
	s7 =	sadd.s32 s8, s20  }
0xa0: {  	s11 =	simm.s32 $0x0;
	s21 =	sshll.u32 s9, $0x1;
	s9 =	sadd.s32 s22, s7  }
0xa1: {  	[timem:s11], [sflag:s23] =	dma.local [hbm:s9], s21  }
0xa2: {  	_ =	swait.ge [sflag:s23], s21  }
0xa3: {  	s8 =	ssub.s32 $0x0, s21;
	[sflag:s23] =	ssyncset.done $0x0  }
0xa4: {  	[sflag:s23] =	ssyncadd.s32 s8;
	_ =	sdelay $0x1  }
0xa5: {  	s24 =	simm.s32 $0x1B8B  }
0xa6: {  	_ =	swait.ge [sflag:s24], $0x1  }
0xa7: {  	[sflag:s24] =	ssyncset.done $0x0  }
0xa8: {  	s25 =	simm.s32 $0x1B8E;
	[sflag:s24] =	ssyncadd.s32 $0xFFFFFFFF  }
0xa9: {  	s26 =	simm.s32 $execute0_lowered;
	[smem:$0x3FD2] =	sst s25  }
0xaa: {  	s8 =	sshll.u32 s26, $0x1;
	_ =	strace $0x80000046;
	[dreg:$0x1] =	wrdreg $0xFFFFFFFF  }
0xab: {  	s28 =	simm.s32 $_size_execute0_lowered;
	s7 =	sadd.s32 s7, s8;
	[dreg:$0x0] =	wrdreg $0x0  }
0xac: {  	s8 =	sshll.u32 s28, $0x1;
	[dreg:$0x2] =	wrdreg s7  }
0xad: {  	[dreg:$0x3] =	wrdreg s8  }
0xae: {  	[dreg:$0x4] =	wrdreg $0xC0  }
0xaf: {  	_ =	task [dreg:s11], $0x5FFFF  }
0xb0: {  	[dreg:$0x1] =	wrdreg $0xFFFFFFFF  }
0xb1: {  	[dreg:$0x0] =	wrdreg $0x60  }
0xb2: {  	[dreg:$0x2] =	wrdreg s2  }
0xb3: {  	[dreg:$0x3] =	wrdreg s19  }
0xb4: {  	[dreg:$0x4] =	wrdreg s4  }
0xb5: {  	[dreg:$0x5] =	wrdreg s5  }
0xb6: {  	[dreg:$0x6] =	wrdreg s6  }
0xb7: {  	[dreg:$0x7] =	wrdreg $0x9  }
0xb8: {  	_ =	task.clear_ibuf [dreg:s11], $0x8FFFF;
	_ =	strace $0x90000046  }
0xb9: {  	s29 =	simm.s32 $0x9;
	_ =	strace $0x80000048  }
0xba: {  	_ =	swait.ge [sflag:s29], $0x1  }
0xbb: {  	[sflag:s29] =	ssyncadd.s32 $0xFFFFFFFF  }
0xbc: {  	_ =	strace $0x90000048  }
0xbd: {  	_ =	sfence  }
0xbe: {  	s30 =	sld [smem:$0x0];
	_ =	sdelay $0x2  }
0xbf: {  	s31 =	sshll.u32 s1, $0xD;
	s1 =	sshrl.u32 s1, $0x2  }
0xc0: {  	s3 =	sand.u32 $0x4000, s31;
	s1 =	sadd.s32 s1, s30  }
0xc1: {  	s0 =	sor.u32 s3, s0;
	s1 =	sshll.u32 s1, $0x11  }
0xc2: {  	s0 =	sor.u32 s1, s0  }
0xc3: {  	s0 =	sadd.s32 $0x8F2B, s0  }
0xc4: {  	[sflag:s0] =	ssyncadd.remote.s32 $0x1  }
0xc5: {  	_ =	sfence.sel $0xFFFF  }
0xc6: {  	[dreg:$0x0] =	wrdreg $0xFFFFFFFF;
	(pc) =	sbr.abs _section_cstart, $3  }
0xc7: {  	[dreg:$0x1] =	wrdreg $0xFFFFFFFF  }
0xc8: {  	_ =	task.clear_ibuf [dreg:s11], $0x2FFFF;
	_ =	strace $0x9FFFFFFF  }
0xc9: {  	(tm) =	ssettm $0x7FFFFFFF  }
tec
execute0_lowered:
.L_overlay_start_1:
0x0: {  	(tag) =	ssettag $0x1  }
0x1: {  	s0 =	rddreg [dreg:$0x0]  }
0x2: {  	s3 =	rddreg [dreg:$0x1]  }
0x3: {  	s1 =	rddreg [dreg:$0x2]  }
0x4: {  	s2 =	rddreg [dreg:$0x3]  }
0x5: {  	s5 =	rddreg [dreg:$0x4];
	s6 =	srdreg.scid  }
0x6: {  	s4 =	simm.s32 $0x0;
	s8 =	stileid.u32;
	s10 =	simm.s32 $0x280  }
0x7: {  	s11 =	simm.s32 $0x400;
	s12 =	simm.s32 $0x7A1400;
	s13 =	simm.s32 $0x500  }
0x8: {  	s14 =	simm.s32 $0x8500;
	s30 =	simm.s32 $0x4500;
	s31 =	simm.s32 $0xC500  }
0x9: {  	s15 =	simm.s32 $0xE500;
	s16 =	simm.s32 $0x6D00;
	s17 =	simm.s32 $0xED00  }
0xa: {  	s18 =	simm.s32 $0x7500;
	s19 =	simm.s32 $0xF500;
	s20 =	simm.s32 $0x7D00  }
0xb: {  	s21 =	simm.s32 $0xFD00;
	s22 =	simm.s32 $0x1;
	s23 =	simm.s32 $0x3  }
0xc: {  	v0 =	vlaneseq.u32;
	s24 =	simm.s32 $0x2;
	s25 =	simm.s32 $0x4;
	s6 =	sand.u32 $0x1, s6  }
0xd: {  	s8 =	sshll.u32 s8, $0x7;
	[smem:$0x7FF] =	sst s4;
	v0 =	vand.u32 $0x7, v0;
	s7 =	ssub.s32 $0x2, s6  }
0xe: {  	s6 =	sshll.u32 s6, $0x6;
	_ =	strace $0x80000047;
	v1 =	vmul.u32 $0x800, v0;
	s9 =	sshrl.u32 s7, $0x1  }
0xf: {  	vm0 =	vmmov $0xff;
	s6 =	sor.u32 s6, s8;
	s8 =	simm.s32 $0xDD00;
	s7 =	ssub.s32 s7, s9  }
.Ltmp0:
0x10: {  	s0 =	sadd.s32 s0, s6;
	s26 =	sadd.s32 s3, s6;
	v2 =	vor.u32 $0x80, v1;
	v3 =	vor.u32 $0x100, v1;
	v4 =	vor.u32 $0x180, v1;
	(pc) =	sbr.rel .LBB2_1-.Ltmp0, $4  }
0x11: {  	s28 =	sadd.s32 s5, s6;
	s3 =	simm.s32 $0x4D00;
	v5 =	vor.u32 $0x200, v1;
	v6 =	vor.u32 $0x280, v1;
	v7 =	vor.u32 $0x300, v1;
	[dreg:$0x6] =	wrdreg s0  }
0x12: {  	s6 =	simm.s32 $0xD500;
	s9 =	simm.s32 $0x6500;
	v8 =	vor.u32 $0x380, v1;
	v9 =	vor.u32 $0x400, v1;
	v10 =	vor.u32 $0x480, v1;
	[dreg:$0x7] =	wrdreg s26  }
0x13: {  	v11 =	vor.u32 $0x500, v1;
	v12 =	vor.u32 $0x580, v1;
	v13 =	vor.u32 $0x600, v1;
	s5 =	simm.s32 $0x0;
	[dreg:$0x8] =	wrdreg s28;
	s29 =	smax.u32 s7, $0x1  }
0x14: {  	v14 =	vor.u32 $0x680, v1;
	v15 =	vor.u32 $0x700, v1;
	v16 =	vor.u32 $0x780, v1;
	s26 =	simm.s32 $0x5;
	s7 =	simm.s32 $0x5D00;
	[dreg:$0x9] =	wrdreg s29  }
.LBB2_5:
0x15: {  	s0 =	rddreg [dreg:$0x8];
	s5 =	simm.s32 $0x10500;
	s26 =	simm.s32 $0x5  }
0x16: {  	[hbm4b:s0+s4] =	stream.linear.scatter [tilespmem:s5], [sflag:$0x5], $0x200, $0x38;
	[tilespmem:$0x10700] =	vst v63  }
0x17: {  	_ =	swait.ge [sflag:s26], $0x200  }
0x18: {  	s28 =	rddreg [dreg:$0xa]  }
0x19: {  	s29 =	rddreg [dreg:$0x9];
	s5 =	sadd.s32 $0x1, s28  }
0x1a: {  	p0 =	sne.s32 s5, s29  }
.Ltmp1:
0x1b: {  	_ = 	snop;
	(pc) =	sbr.rel @!p0 .LBB2_6-.Ltmp1, $3  }
0x1c: {  	_ =	sdelay $0x1  }
0x1d: {  	[sflag:s26] =	ssyncset.done $0x0  }
0x1e: {  	[sflag:s26] =	ssyncadd.s32 $0xFFFFFE00  }
.LBB2_1:
0x1f: {  	[dreg:$0xa] =	wrdreg s5  }
0x20: {  	s0 =	rddreg [dreg:$0x6]  }
0x21: {  	[tilespmem:s4], [sflag:$0x5] =	stream.linear.gather [hbm4b:s0+s4], $0x200, $0x38;
	[tilespmem:$0x10700] =	vst v63  }
0x22: {  	_ =	swait.ge [sflag:s26], $0x200  }
0x23: {  	[sflag:s26] =	ssyncset.done $0x0  }
0x24: {  	s5 =	rddreg [dreg:$0x7];
	[sflag:s26] =	ssyncadd.s32 $0xFFFFFE00  }
0x25: {  	[tilespmem:s10], [sflag:$0x5] =	stream.linear.gather [hbm4b:s5+s4], $0x200, $0x38;
	[tilespmem:$0x10700] =	vst v63  }
0x26: {  	_ =	swait.ge [sflag:s26], $0x200  }
0x27: {  	[sflag:s26] =	ssyncset.done $0x0  }
0x28: {  	[sflag:s26] =	ssyncadd.s32 $0xFFFFFE00  }
0x29: {  	v17 =	vld [tilespmem:$0x0]  }
0x2a: {  	v18 =	vld [tilespmem:$0x280];
	_ =	sdelay $0x3  }
0x2b: {  	v17 =	vshrl.u32 v17, $0x7  }
0x2c: {  	v18 =	vshrl.u32 v18, $0x7;
	v17 =	vshll.u32 v17, $0x7  }
0x2d: {  	v18 =	vshll.u32 v18, $0x7;
	(v2sf) =	vpush v17, $0x0  }
0x2e: {  	(v2sf) =	vpush v18, $0x0;
	_ =	sdelay $0x5  }
0x2f: {  	(v2sf) =	vpush v17, $0x1;
	_ =	sdelay $0x1  }
0x30: {  	(v2sf) =	vpush v18, $0x1;
	_ =	sdelay $0x5  }
0x31: {  	s29 =	spop (v2sf);
	(v2sf) =	vpush v17, $0x2  }
0x32: {  	s0 =	spop (v2sf);
	(v2sf) =	vpush v18, $0x2;
	_ =	sdelay $0x1  }
0x33: {  	s26 =	sand.u32 $0x1FFFFF80, s29  }
0x34: {  	s26 =	sadd.s32 s1, s26  }
0x35: {  	[tilespmem:s13], [sflag:$0x1] =	stream.strided.gather [hbm4b:s26+s11], $0x800, s12, s11, $0x38;
	[tilespmem:$0x10700] =	vst v63  }
0x36: {  	s26 =	sand.u32 $0x1FFFFF80, s0  }
0x37: {  	s5 =	spop (v2sf);
	(v2sf) =	vpush v17, $0x3;
	s26 =	sadd.s32 s2, s26  }
0x38: {  	[tilespmem:s14], [sflag:$0x3] =	stream.strided.gather [hbm4b:s26+s11], $0x800, s12, s11, $0x38;
	[tilespmem:$0x10700] =	vst v63  }
0x39: {  	s26 =	sand.u32 $0x1FFFFF80, s5;
	s5 =	spop (v2sf);
	(v2sf) =	vpush v18, $0x3  }
0x3a: {  	s29 =	simm.s32 $0xD00;
	s26 =	sadd.s32 s1, s26  }
0x3b: {  	[tilespmem:s29], [sflag:$0x1] =	stream.strided.gather [hbm4b:s26+s11], $0x800, s12, s11, $0x38;
	[tilespmem:$0x10700] =	vst v63  }
0x3c: {  	s26 =	sand.u32 $0x1FFFFF80, s5  }
0x3d: {  	s29 =	simm.s32 $0x8D00;
	s26 =	sadd.s32 s2, s26  }
0x3e: {  	[tilespmem:s29], [sflag:$0x3] =	stream.strided.gather [hbm4b:s26+s11], $0x800, s12, s11, $0x38;
	[tilespmem:$0x10700] =	vst v63  }
0x3f: {  	s5 =	spop (v2sf);
	(v2sf) =	vpush v17, $0x4  }
0x40: {  	s26 =	sand.u32 $0x1FFFFF80, s5;
	s5 =	spop (v2sf);
	(v2sf) =	vpush v18, $0x4;
	_ =	sdelay $0x2  }
0x41: {  	s29 =	simm.s32 $0x1500;
	s26 =	sadd.s32 s1, s26  }
0x42: {  	[tilespmem:s29], [sflag:$0x1] =	stream.strided.gather [hbm4b:s26+s11], $0x800, s12, s11, $0x38;
	[tilespmem:$0x10700] =	vst v63  }
0x43: {  	(v2sf) =	vpush v17, $0x5;
	s26 =	sand.u32 $0x1FFFFF80, s5  }
0x44: {  	s29 =	simm.s32 $0x9500;
	s5 =	spop (v2sf);
	s26 =	sadd.s32 s2, s26  }
0x45: {  	(v2sf) =	vpush v18, $0x5;
	[tilespmem:s29], [sflag:$0x3] =	stream.strided.gather [hbm4b:s26+s11], $0x800, s12, s11, $0x38;
	[tilespmem:$0x10700] =	vst v63  }
0x46: {  	s26 =	sand.u32 $0x1FFFFF80, s5;
	s5 =	spop (v2sf);
	(v2sf) =	vpush v17, $0x6  }
0x47: {  	s29 =	simm.s32 $0x1D00;
	s26 =	sadd.s32 s1, s26  }
0x48: {  	[tilespmem:s29], [sflag:$0x1] =	stream.strided.gather [hbm4b:s26+s11], $0x800, s12, s11, $0x38;
	[tilespmem:$0x10700] =	vst v63  }
0x49: {  	s26 =	sand.u32 $0x1FFFFF80, s5  }
0x4a: {  	s29 =	simm.s32 $0x9D00;
	s26 =	sadd.s32 s2, s26  }
0x4b: {  	[tilespmem:s29], [sflag:$0x3] =	stream.strided.gather [hbm4b:s26+s11], $0x800, s12, s11, $0x38;
	[tilespmem:$0x10700] =	vst v63  }
0x4c: {  	s5 =	spop (v2sf);
	(v2sf) =	vpush v18, $0x6  }
0x4d: {  	s26 =	sand.u32 $0x1FFFFF80, s5;
	s5 =	spop (v2sf);
	(v2sf) =	vpush v17, $0x7;
	_ =	sdelay $0x1  }
0x4e: {  	s29 =	simm.s32 $0x2500;
	s26 =	sadd.s32 s1, s26  }
0x4f: {  	[tilespmem:s29], [sflag:$0x1] =	stream.strided.gather [hbm4b:s26+s11], $0x800, s12, s11, $0x38;
	[tilespmem:$0x10700] =	vst v63  }
0x50: {  	s26 =	sand.u32 $0x1FFFFF80, s5  }
0x51: {  	s29 =	simm.s32 $0xA500;
	s5 =	spop (v2sf);
	(v2sf) =	vpush v18, $0x7;
	s26 =	sadd.s32 s2, s26  }
0x52: {  	[tilespmem:s29], [sflag:$0x3] =	stream.strided.gather [hbm4b:s26+s11], $0x800, s12, s11, $0x38;
	[tilespmem:$0x10700] =	vst v63  }
0x53: {  	s28 =	spop (v2sf);
	s26 =	sand.u32 $0x1FFFFF80, s5;
	s29 =	simm.s32 $0x2D00  }
0x54: {  	s5 =	sand.u32 $0x1FFFFF80, s28;
	s28 =	spop (v2sf);
	s26 =	sadd.s32 s1, s26  }
0x55: {  	[tilespmem:s29], [sflag:$0x1] =	stream.strided.gather [hbm4b:s26+s11], $0x800, s12, s11, $0x38;
	[tilespmem:$0x10700] =	vst v63  }
0x56: {  	s26 =	sadd.s32 s2, s5;
	s29 =	simm.s32 $0xAD00;
	s5 =	sand.u32 $0x1FFFFF80, s28  }
0x57: {  	[tilespmem:s29], [sflag:$0x3] =	stream.strided.gather [hbm4b:s26+s11], $0x800, s12, s11, $0x38;
	[tilespmem:$0x10700] =	vst v63  }
0x58: {  	s26 =	sadd.s32 s1, s5;
	s29 =	simm.s32 $0x3500  }
0x59: {  	[tilespmem:s29], [sflag:$0x1] =	stream.strided.gather [hbm4b:s26+s11], $0x800, s12, s11, $0x38;
	[tilespmem:$0x10700] =	vst v63  }
0x5a: {  	s28 =	spop (v2sf)  }
0x5b: {  	s5 =	sand.u32 $0x1FFFFF80, s28;
	s28 =	spop (v2sf)  }
0x5c: {  	s29 =	simm.s32 $0xB500;
	s26 =	sadd.s32 s2, s5;
	s5 =	sand.u32 $0x1FFFFF80, s28  }
0x5d: {  	[tilespmem:s29], [sflag:$0x3] =	stream.strided.gather [hbm4b:s26+s11], $0x800, s12, s11, $0x38;
	[tilespmem:$0x10700] =	vst v63  }
0x5e: {  	s26 =	sadd.s32 s1, s5;
	s29 =	simm.s32 $0x3D00  }
0x5f: {  	[tilespmem:s29], [sflag:$0x1] =	stream.strided.gather [hbm4b:s26+s11], $0x800, s12, s11, $0x38;
	[tilespmem:$0x10700] =	vst v63  }
.Ltmp2:
0x60: {  	s5 =	spop (v2sf);
	(pc) =	sbr.rel .LBB2_2-.Ltmp2, $4  }
0x61: {  	s26 =	sand.u32 $0x1FFFFF80, s5  }
0x62: {  	s29 =	simm.s32 $0xBD00;
	s26 =	sadd.s32 s2, s26  }
0x63: {  	[tilespmem:s29], [sflag:$0x3] =	stream.strided.gather [hbm4b:s26+s11], $0x800, s12, s11, $0x38;
	[tilespmem:$0x10700] =	vst v63  }
0x64: {  	s28 =	simm.s32 $0x0;
	s26 =	simm.s32 $0x0  }
.LBB2_4:
0x65: {  	_ =	swait.ge [sflag:s24], $0x800  }
0x66: {  	[sflag:s24] =	ssyncset.done $0x0  }
0x67: {  	[sflag:s24] =	ssyncadd.s32 $0xFFFFF800  }
0x68: {  	_ =	swait.ge [sflag:s25], $0x800  }
0x69: {  	[sflag:s25] =	ssyncset.done $0x0  }
0x6a: {  	[sflag:s25] =	ssyncadd.s32 $0xFFFFF800  }
0x6b: {  	_ =	swait.ge [sflag:s24], $0x800  }
0x6c: {  	[sflag:s24] =	ssyncset.done $0x0  }
0x6d: {  	[sflag:s24] =	ssyncadd.s32 $0xFFFFF800  }
0x6e: {  	_ =	swait.ge [sflag:s25], $0x800  }
0x6f: {  	[sflag:s25] =	ssyncset.done $0x0  }
0x70: {  	[sflag:s25] =	ssyncadd.s32 $0xFFFFF800  }
0x71: {  	_ =	swait.ge [sflag:s24], $0x800  }
0x72: {  	[sflag:s24] =	ssyncset.done $0x0  }
0x73: {  	[sflag:s24] =	ssyncadd.s32 $0xFFFFF800  }
0x74: {  	_ =	swait.ge [sflag:s25], $0x800  }
0x75: {  	[sflag:s25] =	ssyncset.done $0x0  }
0x76: {  	[sflag:s25] =	ssyncadd.s32 $0xFFFFF800  }
0x77: {  	_ =	swait.ge [sflag:s24], $0x800  }
0x78: {  	[sflag:s24] =	ssyncset.done $0x0  }
0x79: {  	[sflag:s24] =	ssyncadd.s32 $0xFFFFF800  }
0x7a: {  	_ =	swait.ge [sflag:s25], $0x800  }
0x7b: {  	[sflag:s25] =	ssyncset.done $0x0  }
0x7c: {  	[sflag:s25] =	ssyncadd.s32 $0xFFFFF800  }
0x7d: {  	_ =	swait.ge [sflag:s24], $0x800  }
0x7e: {  	[sflag:s24] =	ssyncset.done $0x0  }
0x7f: {  	[sflag:s24] =	ssyncadd.s32 $0xFFFFF800  }
0x80: {  	_ =	swait.ge [sflag:s25], $0x800  }
0x81: {  	[sflag:s25] =	ssyncset.done $0x0  }
0x82: {  	[sflag:s25] =	ssyncadd.s32 $0xFFFFF800  }
0x83: {  	_ =	swait.ge [sflag:s24], $0x800  }
0x84: {  	[sflag:s24] =	ssyncset.done $0x0  }
0x85: {  	[sflag:s24] =	ssyncadd.s32 $0xFFFFF800  }
0x86: {  	_ =	swait.ge [sflag:s25], $0x800  }
0x87: {  	[sflag:s25] =	ssyncset.done $0x0  }
0x88: {  	[sflag:s25] =	ssyncadd.s32 $0xFFFFF800  }
0x89: {  	_ =	swait.ge [sflag:s24], $0x800  }
0x8a: {  	[sflag:s24] =	ssyncset.done $0x0  }
0x8b: {  	[sflag:s24] =	ssyncadd.s32 $0xFFFFF800  }
0x8c: {  	_ =	swait.ge [sflag:s25], $0x800  }
0x8d: {  	[sflag:s25] =	ssyncset.done $0x0  }
0x8e: {  	[sflag:s25] =	ssyncadd.s32 $0xFFFFF800  }
0x8f: {  	s0 =	sadd.s32 $0x8, s26;
	_ =	swait.ge [sflag:s24], $0x800  }
0x90: {  	v49 =	vor.u32 s0, v0;
	[sflag:s24] =	ssyncset.done $0x0  }
0x91: {  	[sflag:s24] =	ssyncadd.s32 $0xFFFFF800  }
0x92: {  	_ =	swait.ge [sflag:s25], $0x800  }
0x93: {  	[sflag:s25] =	ssyncset.done $0x0  }
0x94: {  	[sflag:s25] =	ssyncadd.s32 $0xFFFFF800  }
0x95: {  	v50 =	vld.idx.msk [tilespmem:v49+s4+$0x0], $0xffff  }
0x96: {  	v49 =	vld.idx.msk [tilespmem:v49+s10+$0x0], $0xffff;
	_ =	sdelay $0x3  }
0x97: {  	v50 =	vand.u32 $0x7F, v50  }
0x98: {  	v49 =	vand.u32 $0x7F, v49;
	v51 =	vor.u32 v1, v50  }
0x99: {  	v52 =	vor.u32 v1, v49  }
0x9a: {  	v53 =	vor.u32 v2, v50  }
0x9b: {  	v54 =	vor.u32 v2, v49  }
0x9c: {  	v55 =	vor.u32 v3, v50  }
0x9d: {  	v56 =	vor.u32 v3, v49;
	v51 =	vld.idx.msk [tilespmem:v51+s30+$0x0], $0xffff  }
0x9e: {  	v57 =	vor.u32 v4, v50;
	v52 =	vld.idx.msk [tilespmem:v52+s31+$0x0], $0xffff  }
0x9f: {  	v58 =	vor.u32 v4, v49;
	v53 =	vld.idx.msk [tilespmem:v53+s30+$0x0], $0xffff  }
0xa0: {  	v59 =	vor.u32 v5, v50;
	v54 =	vld.idx.msk [tilespmem:v54+s31+$0x0], $0xffff  }
0xa1: {  	v60 =	vor.u32 v5, v49;
	v55 =	vld.idx.msk [tilespmem:v55+s30+$0x0], $0xffff  }
0xa2: {  	v47 =	vmul.f32 v48, v47;
	v63 =	vor.u32 v6, v50;
	v48 =	vld.idx.msk [tilespmem:v56+s31+$0x0], $0xffff  }
0xa3: {  	v51 =	vmul.f32 v52, v51;
	v52 =	vld.idx.msk [tilespmem:v57+s30+$0x0], $0xffff;
	v57 =	vor.u32 v6, v49  }
0xa4: {  	v45 =	vmul.f32 v46, v45;
	v47 =	vadd.f32 $0.0e+00, v47;
	v46 =	vld.idx.msk [tilespmem:v58+s31+$0x0], $0xffff;
	v58 =	vor.u32 v7, v50  }
0xa5: {  	v53 =	vmul.f32 v54, v53;
	v54 =	vld.idx.msk [tilespmem:v59+s30+$0x0], $0xffff;
	v59 =	vor.u32 v7, v49;
	v51 =	vadd.f32 $0.0e+00, v51  }
0xa6: {  	v43 =	vmul.f32 v44, v43;
	v45 =	vadd.f32 v45, v47;
	v62 =	vor.u32 v8, v50;
	v61 =	vld.idx.msk [tilespmem:v60+s31+$0x0], $0xffff  }
0xa7: {  	v48 =	vmul.f32 v48, v55;
	v51 =	vadd.f32 v53, v51;
	v53 =	vld.idx.msk [tilespmem:v63+s30+$0x0], $0xffff;
	v63 =	vor.u32 v8, v49  }
0xa8: {  	v41 =	vmul.f32 v42, v41;
	v43 =	vadd.f32 v43, v45;
	v56 =	vor.u32 v9, v50;
	v42 =	vld.idx.msk [tilespmem:v57+s31+$0x0], $0xffff  }
0xa9: {  	v46 =	vmul.f32 v46, v52;
	v57 =	vld.idx.msk [tilespmem:v58+s30+$0x0], $0xffff;
	v58 =	vor.u32 v9, v49;
	v48 =	vadd.f32 v48, v51  }
0xaa: {  	v39 =	vmul.f32 v40, v39;
	v41 =	vadd.f32 v41, v43;
	v60 =	vor.u32 v10, v50;
	v59 =	vld.idx.msk [tilespmem:v59+s31+$0x0], $0xffff  }
0xab: {  	v47 =	vld.idx.msk [tilespmem:v62+s30+$0x0], $0xffff;
	v44 =	vmul.f32 v61, v54;
	v61 =	vor.u32 v10, v49;
	v46 =	vadd.f32 v46, v48  }
0xac: {  	v37 =	vmul.f32 v38, v37;
	v39 =	vadd.f32 v39, v41;
	v54 =	vor.u32 v11, v49;
	v62 =	vld.idx.msk [tilespmem:v63+s31+$0x0], $0xffff  }
0xad: {  	v45 =	vld.idx.msk [tilespmem:v56+s30+$0x0], $0xffff;
	v63 =	vor.u32 v11, v50;
	v44 =	vadd.f32 v44, v46;
	v42 =	vmul.f32 v42, v53  }
0xae: {  	v35 =	vmul.f32 v36, v35;
	v37 =	vadd.f32 v37, v39;
	v56 =	vor.u32 v12, v50;
	v55 =	vld.idx.msk [tilespmem:v58+s31+$0x0], $0xffff  }
0xaf: {  	v43 =	vld.idx.msk [tilespmem:v60+s30+$0x0], $0xffff;
	v40 =	vmul.f32 v59, v57;
	v57 =	vor.u32 v12, v49;
	v42 =	vadd.f32 v42, v44  }
0xb0: {  	v33 =	vmul.f32 v34, v33;
	v35 =	vadd.f32 v35, v37;
	v60 =	vor.u32 v13, v49;
	v58 =	vld.idx.msk [tilespmem:v61+s31+$0x0], $0xffff  }
0xb1: {  	v59 =	vor.u32 v13, v50;
	v61 =	vld.idx.msk [tilespmem:v54+s31+$0x0], $0xffff;
	v40 =	vadd.f32 v40, v42;
	v38 =	vmul.f32 v62, v47  }
0xb2: {  	v31 =	vmul.f32 v32, v31;
	v33 =	vadd.f32 v33, v35;
	v41 =	vld.idx.msk [tilespmem:v63+s30+$0x0], $0xffff;
	v62 =	vor.u32 v14, v50  }
0xb3: {  	v39 =	vld.idx.msk [tilespmem:v56+s30+$0x0], $0xffff;
	v63 =	vor.u32 v14, v49;
	v36 =	vmul.f32 v55, v45;
	v38 =	vadd.f32 v38, v40  }
0xb4: {  	v29 =	vmul.f32 v30, v29;
	v31 =	vadd.f32 v31, v33;
	v46 =	vor.u32 v15, v50;
	v45 =	vld.idx.msk [tilespmem:v57+s31+$0x0], $0xffff  }
0xb5: {  	v48 =	vld.idx.msk [tilespmem:v60+s31+$0x0], $0xffff;
	v47 =	vor.u32 v15, v49;
	v34 =	vmul.f32 v58, v43;
	v36 =	vadd.f32 v36, v38  }
0xb6: {  	v27 =	vmul.f32 v28, v27;
	v29 =	vadd.f32 v29, v31;
	v51 =	vor.u32 v16, v50;
	v37 =	vld.idx.msk [tilespmem:v59+s30+$0x0], $0xffff  }
0xb7: {  	v52 =	vor.u32 v16, v49;
	v32 =	vmul.f32 v61, v41;
	v35 =	vld.idx.msk [tilespmem:v62+s30+$0x0], $0xffff;
	v34 =	vadd.f32 v34, v36  }
0xb8: {  	v24 =	vmul.f32 v26, v24;
	v53 =	vld.idx.msk [tilespmem:v63+s31+$0x0], $0xffff  }
0xb9: {  	v27 =	vadd.f32 v27, v29;
	v55 =	vld.idx.msk [tilespmem:v46+s30+$0x0], $0xffff;
	v30 =	vmul.f32 v45, v39;
	v54 =	vadd.f32 v32, v34  }
0xba: {  	v22 =	vmul.f32 v25, v22;
	v56 =	vld.idx.msk [tilespmem:v47+s31+$0x0], $0xffff  }
0xbb: {  	v24 =	vadd.f32 v24, v27;
	v58 =	vld.idx.msk [tilespmem:v51+s30+$0x0], $0xffff;
	v28 =	vmul.f32 v48, v37;
	v57 =	vadd.f32 v30, v54  }
0xbc: {  	v21 =	vmul.f32 v23, v21;
	v59 =	vld.idx.msk [tilespmem:v52+s31+$0x0], $0xffff  }
0xbd: {  	v22 =	vadd.f32 v22, v24;
	v26 =	vmul.f32 v53, v35;
	v60 =	vadd.f32 v28, v57  }
0xbe: {  	v18 =	vmul.f32 v20, v18  }
0xbf: {  	v21 =	vadd.f32 v21, v22;
	v62 =	vmul.f32 v56, v55;
	v61 =	vadd.f32 v26, v60  }
0xc0: {  	v17 =	vmul.f32 v19, v17;
	s28 =	sadd.s32 $0x40, s28  }
0xc1: {  	p0 =	sne.s32 s28, $0x800;
	v18 =	vadd.f32 v18, v21;
	v63 =	vmul.f32 v59, v58;
	v19 =	vadd.f32 v62, v61  }
.Ltmp3:
0xc2: {  	_ = 	snop;
	(pc) =	sbr.rel @!p0 .LBB2_5-.Ltmp3, $3  }
0xc3: {  	v17 =	vadd.f32 v17, v18;
	v18 =	vadd.f32 v63, v19;
	_ =	sdelay $0x1  }
0xc4: {  	v17 =	vsel vm0, v17, v18  }
0xc5: {  	s26 =	sadd.s32 $0x10, s26;
	[tilespmem:s29+$0x10500] =	vst v17  }
.LBB2_2:
0xc6: {  	s29 =	sshra.s32 s28, $0x2  }
0xc7: {  	v17 =	vld [tilespmem:s29+$0x8];
	_ =	sdelay $0x3  }
0xc8: {  	v18 =	vld [tilespmem:s29+$0x288]  }
0xc9: {  	v17 =	vshrl.u32 v17, $0x7  }
0xca: {  	v17 =	vshll.u32 v17, $0x7  }
0xcb: {  	(v2sf) =	vpush v17, $0x0;
	_ =	sdelay $0x1  }
0xcc: {  	v18 =	vshrl.u32 v18, $0x7  }
0xcd: {  	v18 =	vshll.u32 v18, $0x7  }
0xce: {  	(v2sf) =	vpush v18, $0x0;
	_ =	sdelay $0x1  }
0xcf: {  	(v2sf) =	vpush v17, $0x1;
	_ =	sdelay $0x2  }
0xd0: {  	(v2sf) =	vpush v18, $0x1;
	_ =	sdelay $0x5  }
0xd1: {  	s0 =	spop (v2sf);
	(v2sf) =	vpush v17, $0x2;
	_ =	sdelay $0x2  }
0xd2: {  	s0 =	sand.u32 $0x1FFFFF80, s0  }
0xd3: {  	s5 =	spop (v2sf);
	(v2sf) =	vpush v18, $0x2;
	s0 =	sadd.s32 s1, s0  }
0xd4: {  	[tilespmem:s30], [sflag:$0x2] =	stream.strided.gather [hbm4b:s0+s11], $0x800, s12, s11, $0x38;
	[tilespmem:$0x10700] =	vst v63  }
0xd5: {  	s0 =	sand.u32 $0x1FFFFF80, s5;
	s5 =	spop (v2sf);
	(v2sf) =	vpush v17, $0x3  }
0xd6: {  	s0 =	sadd.s32 s2, s0  }
0xd7: {  	[tilespmem:s31], [sflag:$0x4] =	stream.strided.gather [hbm4b:s0+s11], $0x800, s12, s11, $0x38;
	[tilespmem:$0x10700] =	vst v63  }
0xd8: {  	s0 =	sand.u32 $0x1FFFFF80, s5;
	s5 =	spop (v2sf);
	(v2sf) =	vpush v18, $0x3  }
0xd9: {  	s0 =	sadd.s32 s1, s0  }
0xda: {  	[tilespmem:s3], [sflag:$0x2] =	stream.strided.gather [hbm4b:s0+s11], $0x800, s12, s11, $0x38;
	[tilespmem:$0x10700] =	vst v63  }
0xdb: {  	s0 =	sand.u32 $0x1FFFFF80, s5  }
0xdc: {  	s5 =	simm.s32 $0xCD00;
	s0 =	sadd.s32 s2, s0  }
0xdd: {  	[tilespmem:s5], [sflag:$0x4] =	stream.strided.gather [hbm4b:s0+s11], $0x800, s12, s11, $0x38;
	[tilespmem:$0x10700] =	vst v63  }
0xde: {  	s5 =	spop (v2sf);
	(v2sf) =	vpush v17, $0x4  }
0xdf: {  	s0 =	sand.u32 $0x1FFFFF80, s5  }
0xe0: {  	s5 =	simm.s32 $0x5500;
	s0 =	sadd.s32 s1, s0  }
0xe1: {  	[tilespmem:s5], [sflag:$0x2] =	stream.strided.gather [hbm4b:s0+s11], $0x800, s12, s11, $0x38;
	[tilespmem:$0x10700] =	vst v63  }
0xe2: {  	s5 =	spop (v2sf);
	(v2sf) =	vpush v18, $0x4;
	_ =	sdelay $0x1  }
0xe3: {  	s0 =	sand.u32 $0x1FFFFF80, s5;
	s5 =	spop (v2sf);
	(v2sf) =	vpush v17, $0x5  }
0xe4: {  	s0 =	sadd.s32 s2, s0  }
0xe5: {  	[tilespmem:s6], [sflag:$0x4] =	stream.strided.gather [hbm4b:s0+s11], $0x800, s12, s11, $0x38;
	[tilespmem:$0x10700] =	vst v63  }
0xe6: {  	s0 =	sand.u32 $0x1FFFFF80, s5;
	s5 =	spop (v2sf);
	(v2sf) =	vpush v18, $0x5;
	_ =	sdelay $0x3  }
0xe7: {  	s0 =	sadd.s32 s1, s0  }
0xe8: {  	[tilespmem:s7], [sflag:$0x2] =	stream.strided.gather [hbm4b:s0+s11], $0x800, s12, s11, $0x38;
	[tilespmem:$0x10700] =	vst v63  }
0xe9: {  	s0 =	sand.u32 $0x1FFFFF80, s5;
	s5 =	spop (v2sf);
	(v2sf) =	vpush v17, $0x6  }
0xea: {  	s0 =	sadd.s32 s2, s0  }
0xeb: {  	[tilespmem:s8], [sflag:$0x4] =	stream.strided.gather [hbm4b:s0+s11], $0x800, s12, s11, $0x38;
	[tilespmem:$0x10700] =	vst v63  }
0xec: {  	s0 =	sand.u32 $0x1FFFFF80, s5  }
0xed: {  	s0 =	sadd.s32 s1, s0;
	s5 =	spop (v2sf);
	(v2sf) =	vpush v18, $0x6  }
0xee: {  	[tilespmem:s9], [sflag:$0x2] =	stream.strided.gather [hbm4b:s0+s11], $0x800, s12, s11, $0x38;
	[tilespmem:$0x10700] =	vst v63  }
0xef: {  	s0 =	sand.u32 $0x1FFFFF80, s5;
	s5 =	spop (v2sf);
	(v2sf) =	vpush v17, $0x7  }
0xf0: {  	s0 =	sadd.s32 s2, s0  }
0xf1: {  	[tilespmem:s15], [sflag:$0x4] =	stream.strided.gather [hbm4b:s0+s11], $0x800, s12, s11, $0x38;
	[tilespmem:$0x10700] =	vst v63  }
0xf2: {  	s0 =	sand.u32 $0x1FFFFF80, s5;
	s5 =	spop (v2sf);
	(v2sf) =	vpush v18, $0x7  }
0xf3: {  	s0 =	sadd.s32 s1, s0  }
0xf4: {  	[tilespmem:s16], [sflag:$0x2] =	stream.strided.gather [hbm4b:s0+s11], $0x800, s12, s11, $0x38;
	[tilespmem:$0x10700] =	vst v63  }
0xf5: {  	s0 =	sand.u32 $0x1FFFFF80, s5  }
0xf6: {  	s0 =	sadd.s32 s2, s0  }
0xf7: {  	[tilespmem:s17], [sflag:$0x4] =	stream.strided.gather [hbm4b:s0+s11], $0x800, s12, s11, $0x38;
	[tilespmem:$0x10700] =	vst v63  }
0xf8: {  	s5 =	spop (v2sf)  }
0xf9: {  	s0 =	sand.u32 $0x1FFFFF80, s5  }
0xfa: {  	s0 =	sadd.s32 s1, s0  }
0xfb: {  	[tilespmem:s18], [sflag:$0x2] =	stream.strided.gather [hbm4b:s0+s11], $0x800, s12, s11, $0x38;
	[tilespmem:$0x10700] =	vst v63  }
0xfc: {  	s5 =	spop (v2sf)  }
0xfd: {  	s0 =	sand.u32 $0x1FFFFF80, s5  }
0xfe: {  	s5 =	spop (v2sf);
	s0 =	sadd.s32 s2, s0  }
0xff: {  	[tilespmem:s19], [sflag:$0x4] =	stream.strided.gather [hbm4b:s0+s11], $0x800, s12, s11, $0x38;
	[tilespmem:$0x10700] =	vst v63  }
0x100: {  	s0 =	sand.u32 $0x1FFFFF80, s5  }
0x101: {  	s5 =	spop (v2sf);
	s0 =	sadd.s32 s1, s0  }
0x102: {  	[tilespmem:s20], [sflag:$0x2] =	stream.strided.gather [hbm4b:s0+s11], $0x800, s12, s11, $0x38;
	[tilespmem:$0x10700] =	vst v63  }
0x103: {  	s0 =	sand.u32 $0x1FFFFF80, s5  }
0x104: {  	s0 =	sadd.s32 s2, s0  }
0x105: {  	[tilespmem:s21], [sflag:$0x4] =	stream.strided.gather [hbm4b:s0+s11], $0x800, s12, s11, $0x38;
	[tilespmem:$0x10700] =	vst v63  }
0x106: {  	_ =	swait.ge [sflag:s22], $0x800  }
0x107: {  	[sflag:s22] =	ssyncset.done $0x0  }
0x108: {  	[sflag:s22] =	ssyncadd.s32 $0xFFFFF800  }
0x109: {  	_ =	swait.ge [sflag:s23], $0x800  }
0x10a: {  	[sflag:s23] =	ssyncset.done $0x0  }
0x10b: {  	[sflag:s23] =	ssyncadd.s32 $0xFFFFF800  }
0x10c: {  	_ =	swait.ge [sflag:s22], $0x800  }
0x10d: {  	[sflag:s22] =	ssyncset.done $0x0  }
0x10e: {  	[sflag:s22] =	ssyncadd.s32 $0xFFFFF800  }
0x10f: {  	_ =	swait.ge [sflag:s23], $0x800  }
0x110: {  	[sflag:s23] =	ssyncset.done $0x0  }
0x111: {  	[sflag:s23] =	ssyncadd.s32 $0xFFFFF800  }
0x112: {  	_ =	swait.ge [sflag:s22], $0x800  }
0x113: {  	[sflag:s22] =	ssyncset.done $0x0  }
0x114: {  	[sflag:s22] =	ssyncadd.s32 $0xFFFFF800  }
0x115: {  	_ =	swait.ge [sflag:s23], $0x800  }
0x116: {  	[sflag:s23] =	ssyncset.done $0x0  }
0x117: {  	[sflag:s23] =	ssyncadd.s32 $0xFFFFF800  }
0x118: {  	_ =	swait.ge [sflag:s22], $0x800  }
0x119: {  	[sflag:s22] =	ssyncset.done $0x0  }
0x11a: {  	[sflag:s22] =	ssyncadd.s32 $0xFFFFF800  }
0x11b: {  	_ =	swait.ge [sflag:s23], $0x800  }
0x11c: {  	[sflag:s23] =	ssyncset.done $0x0  }
0x11d: {  	[sflag:s23] =	ssyncadd.s32 $0xFFFFF800  }
0x11e: {  	_ =	swait.ge [sflag:s22], $0x800  }
0x11f: {  	[sflag:s22] =	ssyncset.done $0x0  }
0x120: {  	[sflag:s22] =	ssyncadd.s32 $0xFFFFF800  }
0x121: {  	_ =	swait.ge [sflag:s23], $0x800  }
0x122: {  	[sflag:s23] =	ssyncset.done $0x0  }
0x123: {  	[sflag:s23] =	ssyncadd.s32 $0xFFFFF800  }
0x124: {  	_ =	swait.ge [sflag:s22], $0x800  }
0x125: {  	[sflag:s22] =	ssyncset.done $0x0  }
0x126: {  	[sflag:s22] =	ssyncadd.s32 $0xFFFFF800  }
0x127: {  	_ =	swait.ge [sflag:s23], $0x800  }
0x128: {  	[sflag:s23] =	ssyncset.done $0x0  }
0x129: {  	[sflag:s23] =	ssyncadd.s32 $0xFFFFF800  }
0x12a: {  	_ =	swait.ge [sflag:s22], $0x800  }
0x12b: {  	[sflag:s22] =	ssyncset.done $0x0  }
0x12c: {  	[sflag:s22] =	ssyncadd.s32 $0xFFFFF800  }
0x12d: {  	_ =	swait.ge [sflag:s23], $0x800  }
0x12e: {  	[sflag:s23] =	ssyncset.done $0x0  }
0x12f: {  	[sflag:s23] =	ssyncadd.s32 $0xFFFFF800  }
0x130: {  	_ =	swait.ge [sflag:s22], $0x800  }
0x131: {  	v17 =	vor.u32 s26, v0;
	[sflag:s22] =	ssyncset.done $0x0  }
0x132: {  	[sflag:s22] =	ssyncadd.s32 $0xFFFFF800  }
0x133: {  	_ =	swait.ge [sflag:s23], $0x800  }
0x134: {  	[sflag:s23] =	ssyncset.done $0x0  }
0x135: {  	[sflag:s23] =	ssyncadd.s32 $0xFFFFF800  }
0x136: {  	v18 =	vld.idx.msk [tilespmem:v17+s4+$0x0], $0xffff  }
0x137: {  	v17 =	vld.idx.msk [tilespmem:v17+s10+$0x0], $0xffff;
	_ =	sdelay $0x3  }
0x138: {  	v18 =	vand.u32 $0x7F, v18  }
0x139: {  	v17 =	vand.u32 $0x7F, v17;
	v19 =	vor.u32 v1, v18  }
0x13a: {  	v20 =	vor.u32 v1, v17  }
0x13b: {  	v21 =	vor.u32 v2, v18  }
0x13c: {  	v22 =	vor.u32 v2, v17  }
0x13d: {  	v23 =	vor.u32 v3, v18  }
0x13e: {  	v47 =	vld.idx.msk [tilespmem:v19+s13+$0x0], $0xffff;
	v19 =	vor.u32 v3, v17  }
0x13f: {  	v48 =	vld.idx.msk [tilespmem:v20+s14+$0x0], $0xffff;
	v20 =	vor.u32 v4, v18  }
0x140: {  	v45 =	vld.idx.msk [tilespmem:v21+s13+$0x0], $0xffff;
	v21 =	vor.u32 v4, v17  }
0x141: {  	v46 =	vld.idx.msk [tilespmem:v22+s14+$0x0], $0xffff;
	v22 =	vor.u32 v5, v18  }
0x142: {  	v43 =	vld.idx.msk [tilespmem:v23+s13+$0x0], $0xffff;
	v23 =	vor.u32 v5, v17  }
0x143: {  	v44 =	vld.idx.msk [tilespmem:v19+s14+$0x0], $0xffff;
	v19 =	vor.u32 v6, v18  }
0x144: {  	v41 =	vld.idx.msk [tilespmem:v20+s13+$0x0], $0xffff;
	v20 =	vor.u32 v6, v17  }
0x145: {  	v42 =	vld.idx.msk [tilespmem:v21+s14+$0x0], $0xffff;
	v21 =	vor.u32 v7, v18  }
0x146: {  	v39 =	vld.idx.msk [tilespmem:v22+s13+$0x0], $0xffff;
	v22 =	vor.u32 v7, v17  }
0x147: {  	v40 =	vld.idx.msk [tilespmem:v23+s14+$0x0], $0xffff;
	v23 =	vor.u32 v8, v18  }
0x148: {  	v37 =	vld.idx.msk [tilespmem:v19+s13+$0x0], $0xffff;
	v19 =	vor.u32 v8, v17  }
0x149: {  	v38 =	vld.idx.msk [tilespmem:v20+s14+$0x0], $0xffff;
	v20 =	vor.u32 v9, v18  }
0x14a: {  	v35 =	vld.idx.msk [tilespmem:v21+s13+$0x0], $0xffff;
	v21 =	vor.u32 v9, v17  }
0x14b: {  	v36 =	vld.idx.msk [tilespmem:v22+s14+$0x0], $0xffff;
	v22 =	vor.u32 v10, v18  }
0x14c: {  	v33 =	vld.idx.msk [tilespmem:v23+s13+$0x0], $0xffff;
	v23 =	vor.u32 v10, v17  }
0x14d: {  	v34 =	vld.idx.msk [tilespmem:v19+s14+$0x0], $0xffff;
	v19 =	vor.u32 v11, v18  }
0x14e: {  	v31 =	vld.idx.msk [tilespmem:v20+s13+$0x0], $0xffff;
	v20 =	vor.u32 v11, v17  }
0x14f: {  	v32 =	vld.idx.msk [tilespmem:v21+s14+$0x0], $0xffff;
	v21 =	vor.u32 v12, v18  }
0x150: {  	v29 =	vld.idx.msk [tilespmem:v22+s13+$0x0], $0xffff;
	v22 =	vor.u32 v12, v17  }
0x151: {  	v30 =	vld.idx.msk [tilespmem:v23+s14+$0x0], $0xffff;
	v23 =	vor.u32 v13, v18  }
0x152: {  	v27 =	vld.idx.msk [tilespmem:v19+s13+$0x0], $0xffff;
	v19 =	vor.u32 v13, v17  }
0x153: {  	v49 =	vor.u32 v14, v17;
	v28 =	vld.idx.msk [tilespmem:v20+s14+$0x0], $0xffff  }
0x154: {  	v20 =	vor.u32 v14, v18;
	v24 =	vld.idx.msk [tilespmem:v21+s13+$0x0], $0xffff  }
0x155: {  	v50 =	vor.u32 v15, v18;
	v26 =	vld.idx.msk [tilespmem:v22+s14+$0x0], $0xffff  }
0x156: {  	v51 =	vor.u32 v15, v17;
	v22 =	vld.idx.msk [tilespmem:v23+s13+$0x0], $0xffff  }
0x157: {  	v25 =	vld.idx.msk [tilespmem:v19+s14+$0x0], $0xffff;
	v19 =	vor.u32 v16, v18  }
0x158: {  	p0 =	seq.s32 s28, $0x7C0;
	v52 =	vor.u32 v16, v17;
	v23 =	vld.idx.msk [tilespmem:v49+s14+$0x0], $0xffff  }
.Ltmp4:
0x159: {  	v21 =	vld.idx.msk [tilespmem:v20+s13+$0x0], $0xffff;
	(pc) =	sbr.rel @p0 .LBB2_4-.Ltmp4, $4  }
0x15a: {  	v18 =	vld.idx.msk [tilespmem:v50+s13+$0x0], $0xffff  }
0x15b: {  	v20 =	vld.idx.msk [tilespmem:v51+s14+$0x0], $0xffff  }
0x15c: {  	v17 =	vld.idx.msk [tilespmem:v19+s13+$0x0], $0xffff  }
0x15d: {  	v19 =	vld.idx.msk [tilespmem:v52+s14+$0x0], $0xffff  }
0x15e: {  	v49 =	vld [tilespmem:s29+$0x10];
	_ =	sdelay $0x1  }
0x15f: {  	v50 =	vld [tilespmem:s29+$0x290];
	_ =	sdelay $0x2  }
0x160: {  	v49 =	vshrl.u32 v49, $0x7  }
0x161: {  	v49 =	vshll.u32 v49, $0x7  }
0x162: {  	v50 =	vshrl.u32 v50, $0x7;
	(v2sf) =	vpush v49, $0x0  }
0x163: {  	v50 =	vshll.u32 v50, $0x7  }
0x164: {  	(v2sf) =	vpush v50, $0x0;
	_ =	sdelay $0x2  }
0x165: {  	(v2sf) =	vpush v49, $0x1;
	_ =	sdelay $0x5  }
0x166: {  	(v2sf) =	vpush v50, $0x1;
	_ =	sdelay $0x3  }
0x167: {  	s0 =	spop (v2sf);
	(v2sf) =	vpush v49, $0x2;
	_ =	sdelay $0x1  }
0x168: {  	s0 =	sand.u32 $0x1FFFFF80, s0;
	s3 =	spop (v2sf);
	(v2sf) =	vpush v50, $0x2  }
0x169: {  	s0 =	sadd.s32 s1, s0  }
0x16a: {  	[tilespmem:s13], [sflag:$0x1] =	stream.strided.gather [hbm4b:s0+s11], $0x800, s12, s11, $0x38;
	[tilespmem:$0x10700] =	vst v63  }
0x16b: {  	s5 =	spop (v2sf);
	(v2sf) =	vpush v49, $0x3;
	s0 =	sand.u32 $0x1FFFFF80, s3  }
0x16c: {  	s0 =	sadd.s32 s2, s0  }
0x16d: {  	[tilespmem:s14], [sflag:$0x3] =	stream.strided.gather [hbm4b:s0+s11], $0x800, s12, s11, $0x38;
	[tilespmem:$0x10700] =	vst v63  }
0x16e: {  	s0 =	sand.u32 $0x1FFFFF80, s5  }
0x16f: {  	s3 =	simm.s32 $0xD00;
	s0 =	sadd.s32 s1, s0  }
0x170: {  	[tilespmem:s3], [sflag:$0x1] =	stream.strided.gather [hbm4b:s0+s11], $0x800, s12, s11, $0x38;
	[tilespmem:$0x10700] =	vst v63  }
0x171: {  	s3 =	spop (v2sf);
	(v2sf) =	vpush v50, $0x3;
	_ =	sdelay $0x2  }
0x172: {  	s0 =	sand.u32 $0x1FFFFF80, s3  }
0x173: {  	s5 =	simm.s32 $0x8D00;
	s0 =	sadd.s32 s2, s0;
	s3 =	spop (v2sf);
	(v2sf) =	vpush v49, $0x4  }
0x174: {  	[tilespmem:s5], [sflag:$0x3] =	stream.strided.gather [hbm4b:s0+s11], $0x800, s12, s11, $0x38;
	[tilespmem:$0x10700] =	vst v63  }
0x175: {  	s0 =	sand.u32 $0x1FFFFF80, s3;
	s3 =	spop (v2sf);
	(v2sf) =	vpush v50, $0x4  }
0x176: {  	s5 =	simm.s32 $0x1500;
	s0 =	sadd.s32 s1, s0  }
0x177: {  	[tilespmem:s5], [sflag:$0x1] =	stream.strided.gather [hbm4b:s0+s11], $0x800, s12, s11, $0x38;
	[tilespmem:$0x10700] =	vst v63  }
0x178: {  	s0 =	sand.u32 $0x1FFFFF80, s3;
	s3 =	spop (v2sf);
	(v2sf) =	vpush v49, $0x5;
	_ =	sdelay $0x3  }
0x179: {  	s5 =	simm.s32 $0x9500;
	s0 =	sadd.s32 s2, s0  }
0x17a: {  	[tilespmem:s5], [sflag:$0x3] =	stream.strided.gather [hbm4b:s0+s11], $0x800, s12, s11, $0x38;
	[tilespmem:$0x10700] =	vst v63  }
0x17b: {  	s0 =	sand.u32 $0x1FFFFF80, s3;
	s3 =	spop (v2sf);
	(v2sf) =	vpush v50, $0x5  }
0x17c: {  	s5 =	simm.s32 $0x1D00;
	s0 =	sadd.s32 s1, s0  }
0x17d: {  	[tilespmem:s5], [sflag:$0x1] =	stream.strided.gather [hbm4b:s0+s11], $0x800, s12, s11, $0x38;
	[tilespmem:$0x10700] =	vst v63  }
0x17e: {  	s0 =	sand.u32 $0x1FFFFF80, s3  }
0x17f: {  	s5 =	simm.s32 $0x9D00;
	s0 =	sadd.s32 s2, s0;
	s3 =	spop (v2sf);
	(v2sf) =	vpush v49, $0x6  }
0x180: {  	[tilespmem:s5], [sflag:$0x3] =	stream.strided.gather [hbm4b:s0+s11], $0x800, s12, s11, $0x38;
	[tilespmem:$0x10700] =	vst v63  }
0x181: {  	s0 =	sand.u32 $0x1FFFFF80, s3;
	s3 =	spop (v2sf);
	(v2sf) =	vpush v50, $0x6  }
0x182: {  	s5 =	simm.s32 $0x2500;
	s0 =	sadd.s32 s1, s0  }
0x183: {  	[tilespmem:s5], [sflag:$0x1] =	stream.strided.gather [hbm4b:s0+s11], $0x800, s12, s11, $0x38;
	[tilespmem:$0x10700] =	vst v63  }
0x184: {  	s0 =	sand.u32 $0x1FFFFF80, s3;
	s3 =	spop (v2sf);
	(v2sf) =	vpush v49, $0x7  }
0x185: {  	s5 =	simm.s32 $0xA500;
	s0 =	sadd.s32 s2, s0  }
0x186: {  	[tilespmem:s5], [sflag:$0x3] =	stream.strided.gather [hbm4b:s0+s11], $0x800, s12, s11, $0x38;
	[tilespmem:$0x10700] =	vst v63  }
0x187: {  	s0 =	sand.u32 $0x1FFFFF80, s3  }
0x188: {  	s5 =	simm.s32 $0x2D00;
	s0 =	sadd.s32 s1, s0  }
0x189: {  	[tilespmem:s5], [sflag:$0x1] =	stream.strided.gather [hbm4b:s0+s11], $0x800, s12, s11, $0x38;
	[tilespmem:$0x10700] =	vst v63  }
0x18a: {  	s3 =	spop (v2sf);
	(v2sf) =	vpush v50, $0x7  }
0x18b: {  	s0 =	sand.u32 $0x1FFFFF80, s3  }
0x18c: {  	s5 =	simm.s32 $0xAD00;
	s0 =	sadd.s32 s2, s0  }
0x18d: {  	[tilespmem:s5], [sflag:$0x3] =	stream.strided.gather [hbm4b:s0+s11], $0x800, s12, s11, $0x38;
	[tilespmem:$0x10700] =	vst v63  }
0x18e: {  	s3 =	spop (v2sf)  }
0x18f: {  	s0 =	sand.u32 $0x1FFFFF80, s3  }
0x190: {  	s5 =	simm.s32 $0x3500;
	s3 =	spop (v2sf);
	s0 =	sadd.s32 s1, s0  }
0x191: {  	[tilespmem:s5], [sflag:$0x1] =	stream.strided.gather [hbm4b:s0+s11], $0x800, s12, s11, $0x38;
	[tilespmem:$0x10700] =	vst v63  }
0x192: {  	s0 =	sand.u32 $0x1FFFFF80, s3  }
0x193: {  	s5 =	simm.s32 $0xB500;
	s3 =	spop (v2sf);
	s0 =	sadd.s32 s2, s0  }
0x194: {  	[tilespmem:s5], [sflag:$0x3] =	stream.strided.gather [hbm4b:s0+s11], $0x800, s12, s11, $0x38;
	[tilespmem:$0x10700] =	vst v63  }
0x195: {  	s0 =	sand.u32 $0x1FFFFF80, s3  }
0x196: {  	s5 =	simm.s32 $0x3D00;
	s0 =	sadd.s32 s1, s0  }
0x197: {  	[tilespmem:s5], [sflag:$0x1] =	stream.strided.gather [hbm4b:s0+s11], $0x800, s12, s11, $0x38;
	[tilespmem:$0x10700] =	vst v63  }
.Ltmp5:
0x198: {  	_ = 	snop;
	(pc) =	sbr.rel .LBB2_4-.Ltmp5, $4  }
0x199: {  	s3 =	spop (v2sf)  }
0x19a: {  	s0 =	sand.u32 $0x1FFFFF80, s3  }
0x19b: {  	s5 =	simm.s32 $0xBD00;
	s3 =	simm.s32 $0x4D00;
	s0 =	sadd.s32 s2, s0  }
0x19c: {  	[tilespmem:s5], [sflag:$0x3] =	stream.strided.gather [hbm4b:s0+s11], $0x800, s12, s11, $0x38;
	[tilespmem:$0x10700] =	vst v63  }
.LBB2_6:
0x19d: {  	_ =	sfence.sel $0x180000  }
0x19e: {  	[bflag:$0x0] =	sbarrier.arrive $0xFFFF  }
0x19f: {  	_ =	strace $0x90000047  }
0x1a0: {  	s0 =	stileid.u32;
	[bflag:$0x2] =	sbarrier.arrive $0xFFFF  }
0x1a1: {  	p0 =	sne.s32 s0, $0x0;
	s0 =	rddreg [dreg:$0x5]  }
0x1a2: {  	s0 =	sadd.s32 @!p0 $0x100000, s0  }
0x1a3: {  	[sflag:s0] =	ssyncadd.tile.s32 @!p0 $0x1;
	_ =	shalt  }
.Lfunc_end2:
_tile_overlayer_lowered:
.L_overlay_start_2:
0x1a4: {  	(tag) =	ssettag $0x2  }
0x1a5: {  	s0 =	rddreg [dreg:$0x0];
	s2 =	stileid.u32  }
0x1a6: {  	s1 =	rddreg [dreg:$0x1];
	p0 =	sne.s32 s2, $0x0  }
0x1a7: {  	s3 =	rddreg [dreg:$0x2];
	[bflag:$0x3] =	sbarrier.arrive $0xFFFF;
	s2 =	simm.s32 @!p0 $0x1C05  }
0x1a8: {  	[timem:s3], [sflag:s2] =	dma.local @!p0 [hbm:s0], s1  }
0x1a9: {  	s0 =	simm.s32 @!p0 $0x5  }
0x1aa: {  	_ =	swait.ge @!p0 [sflag:s0], s1  }
0x1ab: {  	s1 =	ssub.s32 @!p0 $0x0, s1;
	[sflag:s0] =	ssyncset.done @!p0 $0x0  }
0x1ac: {  	[sflag:s0] =	ssyncadd.s32 @!p0 s1  }
0x1ad: {  	[bflag:$0x3] =	sbarrier.arrive $0xFFFF  }
0x1ae: {  	_ =	shalt  }

</sc_bundles>
